<compile_context>
chip_gen: v7x
topology: tpu7x:2x2x1
jax: 0.10.2.dev20260603
libtpu: 0.0.44.dev20260713+nightly
codegen_flags: <defaults>
</compile_context>

<pallas_src>
import functools

import jax
import jax.numpy as jnp
from jax import lax
from jax.experimental import pallas as pl
from jax.experimental.pallas import tpu as pltpu
from jax.experimental.pallas import tpu_sc as plsc

LANES = 16


def _build_sc_kernel(B, V, K, b_per_w, chunk, num_cores):
    n_chunks = b_per_w // chunk
    mesh = plsc.VectorSubcoreMesh(core_axis_name="c", subcore_axis_name="s")

    @functools.partial(
        pl.kernel,
        out_type=jax.ShapeDtypeStruct((B,), jnp.float32),
        mesh=mesh,
        compiler_params=pltpu.CompilerParams(needs_layout_passes=False),
        scratch_types=[
            pltpu.VMEM((b_per_w,), jnp.int32),
            pltpu.VMEM((b_per_w,), jnp.int32),
            pltpu.VMEM((b_per_w,), jnp.int32),
            pltpu.VMEM((chunk, K), jnp.float32),
            pltpu.VMEM((chunk, K), jnp.float32),
            pltpu.VMEM((chunk, K), jnp.float32),
            pltpu.VMEM((b_per_w,), jnp.float32),
            pltpu.SemaphoreType.DMA,
            pltpu.SemaphoreType.DMA,
            pltpu.SemaphoreType.DMA,
        ],
    )
    def sc_kernel(idx0_hbm, idx1_hbm, idx2_hbm, f0_hbm, f1_hbm, f2_hbm,
                  out_hbm, idx0_v, idx1_v, idx2_v, r0_v, r1_v, r2_v, out_v,
                  sem0, sem1, sem2):
        wid = lax.axis_index("s") * num_cores + lax.axis_index("c")
        base = wid * b_per_w

        pltpu.sync_copy(idx0_hbm.at[pl.ds(base, b_per_w)], idx0_v)
        pltpu.sync_copy(idx1_hbm.at[pl.ds(base, b_per_w)], idx1_v)
        pltpu.sync_copy(idx2_hbm.at[pl.ds(base, b_per_w)], idx2_v)

        lane = lax.iota(jnp.int32, LANES)
        perms = [jnp.bitwise_xor(lane, s) for s in (8, 4, 2, 1)]

        def do_chunk(c, carry0):
            off = c * chunk

            def fire(g, carry):
                iv0 = idx0_v[pl.ds(off + g * LANES, LANES)]
                iv1 = idx1_v[pl.ds(off + g * LANES, LANES)]
                iv2 = idx2_v[pl.ds(off + g * LANES, LANES)]
                for l in range(LANES):
                    b = g * LANES + l
                    pltpu.make_async_copy(
                        f0_hbm.at[pl.ds(iv0[l], 1), :],
                        r0_v.at[pl.ds(b, 1), :], sem0).start()
                    pltpu.make_async_copy(
                        f1_hbm.at[pl.ds(iv1[l], 1), :],
                        r1_v.at[pl.ds(b, 1), :], sem1).start()
                    pltpu.make_async_copy(
                        f2_hbm.at[pl.ds(iv2[l], 1), :],
                        r2_v.at[pl.ds(b, 1), :], sem2).start()
                return carry

            lax.fori_loop(0, chunk // LANES, fire, 0)

            pltpu.make_async_copy(f0_hbm.at[pl.ds(0, chunk), :], r0_v,
                                  sem0).wait()
            pltpu.make_async_copy(f1_hbm.at[pl.ds(0, chunk), :], r1_v,
                                  sem1).wait()
            pltpu.make_async_copy(f2_hbm.at[pl.ds(0, chunk), :], r2_v,
                                  sem2).wait()

            def body(g, carry):
                vec = jnp.zeros((LANES,), jnp.float32)
                for l in range(LANES):
                    b = g * LANES + l
                    acc = (r0_v[b, pl.ds(0, LANES)]
                           * r1_v[b, pl.ds(0, LANES)]
                           * r2_v[b, pl.ds(0, LANES)])
                    for j in range(1, K // LANES):
                        acc = acc + (r0_v[b, pl.ds(j * LANES, LANES)]
                                     * r1_v[b, pl.ds(j * LANES, LANES)]
                                     * r2_v[b, pl.ds(j * LANES, LANES)])
                    for p in perms:
                        acc = acc + jnp.take_along_axis(acc, p, axis=0)
                    vec = jnp.where(lane == l, acc, vec)
                out_v[pl.ds(off + g * LANES, LANES)] = vec
                return carry

            lax.fori_loop(0, chunk // LANES, body, 0)
            return carry0

        lax.fori_loop(0, n_chunks, do_chunk, 0)

        pltpu.sync_copy(out_v, out_hbm.at[pl.ds(base, b_per_w)])

    return sc_kernel


def kernel(indices, F0, F1, F2):
    B = indices.shape[0]
    V, K = F0.shape
    info = plsc.get_sparse_core_info()
    num_workers = info.num_cores * info.num_subcores
    b_per_w = B // num_workers
    idx0 = indices[:, 0]
    idx1 = indices[:, 1]
    idx2 = indices[:, 2]
    sc = _build_sc_kernel(B, V, K, b_per_w, min(b_per_w, 256),
                          info.num_cores)
    return sc(idx0, idx1, idx2, F0, F1, F2)

# --- scband reference (transcript-rebuilt; emitter-appended) ---
"""Pipeline reference for scband-parafac-16844861734969 (READ-ONLY COPY).

The authoritative reference and input builder live on the scoring server;
editing this copy changes nothing except your own understanding.
"""

import jax, jax.numpy as jnp
import numpy as np

BATCH = 16384
DIMS = [100000, 100000, 100000]
K = 64
SCALE = 1.0
BIAS = 0.0

def setup_inputs(seed: int = 0) -> dict:
    key = jax.random.key(seed)
    k_idx, k0, k1, k2 = jax.random.split(key, 4)
    indices = jax.random.randint(k_idx, (BATCH, 3), 0, DIMS[0], dtype=jnp.int64) if jax.config.jax_enable_x64 else jax.random.randint(k_idx, (BATCH, 3), 0, DIMS[0], dtype=jnp.int32)
    F0 = SCALE * (jax.random.normal(k0, (DIMS[0], K), dtype=jnp.float32) - BIAS)
    F1 = SCALE * (jax.random.normal(k1, (DIMS[1], K), dtype=jnp.float32) - BIAS)
    F2 = SCALE * (jax.random.normal(k2, (DIMS[2], K), dtype=jnp.float32) - BIAS)
    return {"indices": indices, "F0": F0, "F1": F1, "F2": F2}

def reference(indices, F0, F1, F2):
    # PARAFAC forward: gather one row per factor table, elementwise product, sum over rank.
    factors = [F0, F1, F2]
    factor_vectors = []
    for i in range(indices.shape[1]):
        idx = indices[:, i]
        factor_vectors.append(jnp.take(factors[i], idx, axis=0))
    vectors = jnp.stack(factor_vectors, axis=1)  # [B, n_factors, K]
    prod = jnp.prod(vectors, axis=1)             # [B, K]
    # indices.shape[1] == n_factors, so reduce over rank dimension
    return jnp.sum(prod, axis=-1)                # [B]

if __name__ == "__main__":
    import jax
    _d = setup_inputs()
    print(jax.jit(kernel)(*tuple(_d.values())))

</pallas_src>

<mosaic_0001>
#map = affine_map<(d0, d1) -> (0)>
#map1 = affine_map<(d0, d1) -> (0, 0)>
module attributes {stable_mosaic.version = 14 : i64} {
  func.func @sc_kernel(%arg0: i32, %arg1: i32, %arg2: memref<16384xi32, #tpu.memory_space<hbm>>, %arg3: memref<16384xi32, #tpu.memory_space<hbm>>, %arg4: memref<16384xi32, #tpu.memory_space<hbm>>, %arg5: memref<100000x64xf32, #tpu.memory_space<hbm>>, %arg6: memref<100000x64xf32, #tpu.memory_space<hbm>>, %arg7: memref<100000x64xf32, #tpu.memory_space<hbm>>, %arg8: memref<16384xf32, #tpu.memory_space<hbm>>, %arg9: memref<512xi32, #tpu.memory_space<vmem>>, %arg10: memref<512xi32, #tpu.memory_space<vmem>>, %arg11: memref<512xi32, #tpu.memory_space<vmem>>, %arg12: memref<256x64xf32, #tpu.memory_space<vmem>>, %arg13: memref<256x64xf32, #tpu.memory_space<vmem>>, %arg14: memref<256x64xf32, #tpu.memory_space<vmem>>, %arg15: memref<512xf32, #tpu.memory_space<vmem>>, %arg16: memref<!tpu.dma_semaphore, #tpu.memory_space<semaphore_mem>>, %arg17: memref<!tpu.dma_semaphore, #tpu.memory_space<semaphore_mem>>, %arg18: memref<!tpu.dma_semaphore, #tpu.memory_space<semaphore_mem>>) attributes {dimension_semantics = [#tpu.dimension_semantics<core_parallel>, #tpu.dimension_semantics<subcore_parallel>], iteration_bounds = array<i64: 2, 16>, scalar_prefetch = 0 : i64, scratch_operands = 10 : i64, tpu.core_type = #tpu.core_type<sc_vector_subcore>, window_params = [{transform_indices = #map}, {transform_indices = #map}, {transform_indices = #map}, {transform_indices = #map1}, {transform_indices = #map1}, {transform_indices = #map1}, {transform_indices = #map}]} {
    %mul3A = arith.constant 2 : i32
    %mul3A_0 = arith.muli %arg1, %mul3A : i32
    %add3A = arith.addi %mul3A_0, %arg0 : i32
    %mul3A_1 = arith.constant 512 : i32
    %mul3A_2 = arith.muli %add3A, %mul3A_1 : i32
    "tpu.region"() ({
      %run_scoped3A = tpu.sem_alloc : memref<!tpu.dma_semaphore, #tpu.memory_space<semaphore_mem>>
      %dma_start3A = tpu.memref_slice %arg2[%mul3A_2] : memref<16384xi32, #tpu.memory_space<hbm>> -> memref<512xi32, #tpu.memory_space<hbm>>
      %dma_start3A_19 = tpu.memref_slice %arg2[%mul3A_2] : memref<16384xi32, #tpu.memory_space<hbm>> -> memref<512xi32, #tpu.memory_space<hbm>>
      tpu.enqueue_dma source(%dma_start3A_19 : memref<512xi32, #tpu.memory_space<hbm>>) target(%arg9 : memref<512xi32, #tpu.memory_space<vmem>>) target_semaphore(%run_scoped3A : memref<!tpu.dma_semaphore, #tpu.memory_space<semaphore_mem>>)
      %dma_wait3A = tpu.memref_slice %arg2[%mul3A_2] : memref<16384xi32, #tpu.memory_space<hbm>> -> memref<512xi32, #tpu.memory_space<hbm>>
      %dma_wait3A_20 = tpu.memref_slice %arg2[%mul3A_2] : memref<16384xi32, #tpu.memory_space<hbm>> -> memref<512xi32, #tpu.memory_space<hbm>>
      tpu.wait_dma2 semaphore(%run_scoped3A : memref<!tpu.dma_semaphore, #tpu.memory_space<semaphore_mem>>) src(%dma_wait3A_20 : memref<512xi32, #tpu.memory_space<hbm>>) dst(%arg9 : memref<512xi32, #tpu.memory_space<vmem>>)
      tpu.yield
    }) : () -> ()
    "tpu.region"() ({
      %run_scoped3A = tpu.sem_alloc : memref<!tpu.dma_semaphore, #tpu.memory_space<semaphore_mem>>
      %dma_start3A = tpu.memref_slice %arg3[%mul3A_2] : memref<16384xi32, #tpu.memory_space<hbm>> -> memref<512xi32, #tpu.memory_space<hbm>>
      %dma_start3A_19 = tpu.memref_slice %arg3[%mul3A_2] : memref<16384xi32, #tpu.memory_space<hbm>> -> memref<512xi32, #tpu.memory_space<hbm>>
      tpu.enqueue_dma source(%dma_start3A_19 : memref<512xi32, #tpu.memory_space<hbm>>) target(%arg10 : memref<512xi32, #tpu.memory_space<vmem>>) target_semaphore(%run_scoped3A : memref<!tpu.dma_semaphore, #tpu.memory_space<semaphore_mem>>)
      %dma_wait3A = tpu.memref_slice %arg3[%mul3A_2] : memref<16384xi32, #tpu.memory_space<hbm>> -> memref<512xi32, #tpu.memory_space<hbm>>
      %dma_wait3A_20 = tpu.memref_slice %arg3[%mul3A_2] : memref<16384xi32, #tpu.memory_space<hbm>> -> memref<512xi32, #tpu.memory_space<hbm>>
      tpu.wait_dma2 semaphore(%run_scoped3A : memref<!tpu.dma_semaphore, #tpu.memory_space<semaphore_mem>>) src(%dma_wait3A_20 : memref<512xi32, #tpu.memory_space<hbm>>) dst(%arg10 : memref<512xi32, #tpu.memory_space<vmem>>)
      tpu.yield
    }) : () -> ()
    "tpu.region"() ({
      %run_scoped3A = tpu.sem_alloc : memref<!tpu.dma_semaphore, #tpu.memory_space<semaphore_mem>>
      %dma_start3A = tpu.memref_slice %arg4[%mul3A_2] : memref<16384xi32, #tpu.memory_space<hbm>> -> memref<512xi32, #tpu.memory_space<hbm>>
      %dma_start3A_19 = tpu.memref_slice %arg4[%mul3A_2] : memref<16384xi32, #tpu.memory_space<hbm>> -> memref<512xi32, #tpu.memory_space<hbm>>
      tpu.enqueue_dma source(%dma_start3A_19 : memref<512xi32, #tpu.memory_space<hbm>>) target(%arg11 : memref<512xi32, #tpu.memory_space<vmem>>) target_semaphore(%run_scoped3A : memref<!tpu.dma_semaphore, #tpu.memory_space<semaphore_mem>>)
      %dma_wait3A = tpu.memref_slice %arg4[%mul3A_2] : memref<16384xi32, #tpu.memory_space<hbm>> -> memref<512xi32, #tpu.memory_space<hbm>>
      %dma_wait3A_20 = tpu.memref_slice %arg4[%mul3A_2] : memref<16384xi32, #tpu.memory_space<hbm>> -> memref<512xi32, #tpu.memory_space<hbm>>
      tpu.wait_dma2 semaphore(%run_scoped3A : memref<!tpu.dma_semaphore, #tpu.memory_space<semaphore_mem>>) src(%dma_wait3A_20 : memref<512xi32, #tpu.memory_space<hbm>>) dst(%arg11 : memref<512xi32, #tpu.memory_space<vmem>>)
      tpu.yield
    }) : () -> ()
    %iota3A = tpu.iota {dimensions = array<i32: 0>} : vector<16xi32>
    %xor3A = arith.constant 8 : i32
    %xor3A_3 = vector.broadcast %xor3A : i32 to vector<16xi32>
    %xor3A_4 = arith.xori %iota3A, %xor3A_3 : vector<16xi32>
    %xor3A_5 = arith.constant 4 : i32
    %xor3A_6 = vector.broadcast %xor3A_5 : i32 to vector<16xi32>
    %xor3A_7 = arith.xori %iota3A, %xor3A_6 : vector<16xi32>
    %xor3A_8 = arith.constant 2 : i32
    %xor3A_9 = vector.broadcast %xor3A_8 : i32 to vector<16xi32>
    %xor3A_10 = arith.xori %iota3A, %xor3A_9 : vector<16xi32>
    %xor3A_11 = arith.constant 1 : i32
    %xor3A_12 = vector.broadcast %xor3A_11 : i32 to vector<16xi32>
    %xor3A_13 = arith.xori %iota3A, %xor3A_12 : vector<16xi32>
    %scan3A = arith.constant 0 : i32
    %scan3A_14 = arith.constant 0 : i32
    %scan3A_15 = arith.constant 2 : i32
    %scan3A_16 = arith.addi %scan3A_14, %scan3A_15 : i32
    %scan3A_17 = arith.constant 1 : i32
    scf.for %scan3A_19 = %scan3A_14 to %scan3A_16 step %scan3A_17  : i32 {
      %mul3A_20 = arith.constant 256 : i32
      %mul3A_21 = arith.muli %scan3A_19, %mul3A_20 : i32
      %scan3A_22 = arith.constant 0 : i32
      %scan3A_23 = arith.constant 0 : i32
      %scan3A_24 = arith.constant 16 : i32
      %scan3A_25 = arith.addi %scan3A_23, %scan3A_24 : i32
      %scan3A_26 = arith.constant 1 : i32
      scf.for %scan3A_51 = %scan3A_23 to %scan3A_25 step %scan3A_26  : i32 {
        %mul3A_52 = arith.constant 16 : i32
        %mul3A_53 = arith.muli %scan3A_51, %mul3A_52 : i32
        %add3A_54 = arith.addi %mul3A_21, %mul3A_53 : i32
        %get3A = arith.index_cast %add3A_54 : i32 to index
        %get3A_55 = tpu.vector_load %arg9[%get3A] {strides = array<i32>} : memref<512xi32, #tpu.memory_space<vmem>>, vector<16xi32>,
        %mul3A_56 = arith.constant 16 : i32
        %mul3A_57 = arith.muli %scan3A_51, %mul3A_56 : i32
        %add3A_58 = arith.addi %mul3A_21, %mul3A_57 : i32
        %get3A_59 = arith.index_cast %add3A_58 : i32 to index
        %get3A_60 = tpu.vector_load %arg10[%get3A_59] {strides = array<i32>} : memref<512xi32, #tpu.memory_space<vmem>>, vector<16xi32>,
        %mul3A_61 = arith.constant 16 : i32
        %mul3A_62 = arith.muli %scan3A_51, %mul3A_61 : i32
        %add3A_63 = arith.addi %mul3A_21, %mul3A_62 : i32
        %get3A_64 = arith.index_cast %add3A_63 : i32 to index
        %get3A_65 = tpu.vector_load %arg11[%get3A_64] {strides = array<i32>} : memref<512xi32, #tpu.memory_space<vmem>>, vector<16xi32>,
        %mul3A_66 = arith.constant 16 : i32
        %mul3A_67 = arith.muli %scan3A_51, %mul3A_66 : i32
        %add3A_68 = arith.constant 0 : i32
        %add3A_69 = arith.addi %mul3A_67, %add3A_68 : i32
        %slice3A = vector.extract_strided_slice %get3A_55 {offsets = [0], sizes = [1], strides = [1]} : vector<16xi32> to vector<1xi32>
        %squeeze3A = vector.extract %slice3A[0] : i32 from vector<1xi32>
        %dma_start3A = arith.constant 0 : i32
        %dma_start3A_70 = tpu.memref_slice %arg12[%add3A_69, %dma_start3A] : memref<256x64xf32, #tpu.memory_space<vmem>> -> memref<1x64xf32, #tpu.memory_space<vmem>>
        %dma_start3A_71 = arith.constant 0 : i32
        %dma_start3A_72 = tpu.memref_slice %arg5[%squeeze3A, %dma_start3A_71] : memref<100000x64xf32, #tpu.memory_space<hbm>> -> memref<1x64xf32, #tpu.memory_space<hbm>>
        %dma_start3A_73 = arith.constant 0 : i32
        %dma_start3A_74 = tpu.memref_slice %arg12[%add3A_69, %dma_start3A_73] : memref<256x64xf32, #tpu.memory_space<vmem>> -> memref<1x64xf32, #tpu.memory_space<vmem>>
        %dma_start3A_75 = arith.constant 0 : i32
        %dma_start3A_76 = tpu.memref_slice %arg5[%squeeze3A, %dma_start3A_75] : memref<100000x64xf32, #tpu.memory_space<hbm>> -> memref<1x64xf32, #tpu.memory_space<hbm>>
        tpu.enqueue_dma source(%dma_start3A_76 : memref<1x64xf32, #tpu.memory_space<hbm>>) target(%dma_start3A_74 : memref<1x64xf32, #tpu.memory_space<vmem>>) target_semaphore(%arg16 : memref<!tpu.dma_semaphore, #tpu.memory_space<semaphore_mem>>)
        %slice3A_77 = vector.extract_strided_slice %get3A_60 {offsets = [0], sizes = [1], strides = [1]} : vector<16xi32> to vector<1xi32>
        %squeeze3A_78 = vector.extract %slice3A_77[0] : i32 from vector<1xi32>
        %dma_start3A_79 = arith.constant 0 : i32
        %dma_start3A_80 = tpu.memref_slice %arg13[%add3A_69, %dma_start3A_79] : memref<256x64xf32, #tpu.memory_space<vmem>> -> memref<1x64xf32, #tpu.memory_space<vmem>>
        %dma_start3A_81 = arith.constant 0 : i32
        %dma_start3A_82 = tpu.memref_slice %arg6[%squeeze3A_78, %dma_start3A_81] : memref<100000x64xf32, #tpu.memory_space<hbm>> -> memref<1x64xf32, #tpu.memory_space<hbm>>
        %dma_start3A_83 = arith.constant 0 : i32
        %dma_start3A_84 = tpu.memref_slice %arg13[%add3A_69, %dma_start3A_83] : memref<256x64xf32, #tpu.memory_space<vmem>> -> memref<1x64xf32, #tpu.memory_space<vmem>>
        %dma_start3A_85 = arith.constant 0 : i32
        %dma_start3A_86 = tpu.memref_slice %arg6[%squeeze3A_78, %dma_start3A_85] : memref<100000x64xf32, #tpu.memory_space<hbm>> -> memref<1x64xf32, #tpu.memory_space<hbm>>
        tpu.enqueue_dma source(%dma_start3A_86 : memref<1x64xf32, #tpu.memory_space<hbm>>) target(%dma_start3A_84 : memref<1x64xf32, #tpu.memory_space<vmem>>) target_semaphore(%arg17 : memref<!tpu.dma_semaphore, #tpu.memory_space<semaphore_mem>>)
        %slice3A_87 = vector.extract_strided_slice %get3A_65 {offsets = [0], sizes = [1], strides = [1]} : vector<16xi32> to vector<1xi32>
        %squeeze3A_88 = vector.extract %slice3A_87[0] : i32 from vector<1xi32>
        %dma_start3A_89 = arith.constant 0 : i32
        %dma_start3A_90 = tpu.memref_slice %arg14[%add3A_69, %dma_start3A_89] : memref<256x64xf32, #tpu.memory_space<vmem>> -> memref<1x64xf32, #tpu.memory_space<vmem>>
        %dma_start3A_91 = arith.constant 0 : i32
        %dma_start3A_92 = tpu.memref_slice %arg7[%squeeze3A_88, %dma_start3A_91] : memref<100000x64xf32, #tpu.memory_space<hbm>> -> memref<1x64xf32, #tpu.memory_space<hbm>>
        %dma_start3A_93 = arith.constant 0 : i32
        %dma_start3A_94 = tpu.memref_slice %arg14[%add3A_69, %dma_start3A_93] : memref<256x64xf32, #tpu.memory_space<vmem>> -> memref<1x64xf32, #tpu.memory_space<vmem>>
        %dma_start3A_95 = arith.constant 0 : i32
        %dma_start3A_96 = tpu.memref_slice %arg7[%squeeze3A_88, %dma_start3A_95] : memref<100000x64xf32, #tpu.memory_space<hbm>> -> memref<1x64xf32, #tpu.memory_space<hbm>>
        tpu.enqueue_dma source(%dma_start3A_96 : memref<1x64xf32, #tpu.memory_space<hbm>>) target(%dma_start3A_94 : memref<1x64xf32, #tpu.memory_space<vmem>>) target_semaphore(%arg18 : memref<!tpu.dma_semaphore, #tpu.memory_space<semaphore_mem>>)
        %mul3A_97 = arith.constant 16 : i32
        %mul3A_98 = arith.muli %scan3A_51, %mul3A_97 : i32
        %add3A_99 = arith.constant 1 : i32
        %add3A_100 = arith.addi %mul3A_98, %add3A_99 : i32
        %slice3A_101 = vector.extract_strided_slice %get3A_55 {offsets = [1], sizes = [1], strides = [1]} : vector<16xi32> to vector<1xi32>
        %squeeze3A_102 = vector.extract %slice3A_101[0] : i32 from vector<1xi32>
        %dma_start3A_103 = arith.constant 0 : i32
        %dma_start3A_104 = tpu.memref_slice %arg12[%add3A_100, %dma_start3A_103] : memref<256x64xf32, #tpu.memory_space<vmem>> -> memref<1x64xf32, #tpu.memory_space<vmem>>
        %dma_start3A_105 = arith.constant 0 : i32
        %dma_start3A_106 = tpu.memref_slice %arg5[%squeeze3A_102, %dma_start3A_105] : memref<100000x64xf32, #tpu.memory_space<hbm>> -> memref<1x64xf32, #tpu.memory_space<hbm>>
        %dma_start3A_107 = arith.constant 0 : i32
        %dma_start3A_108 = tpu.memref_slice %arg12[%add3A_100, %dma_start3A_107] : memref<256x64xf32, #tpu.memory_space<vmem>> -> memref<1x64xf32, #tpu.memory_space<vmem>>
        %dma_start3A_109 = arith.constant 0 : i32
        %dma_start3A_110 = tpu.memref_slice %arg5[%squeeze3A_102, %dma_start3A_109] : memref<100000x64xf32, #tpu.memory_space<hbm>> -> memref<1x64xf32, #tpu.memory_space<hbm>>
        tpu.enqueue_dma source(%dma_start3A_110 : memref<1x64xf32, #tpu.memory_space<hbm>>) target(%dma_start3A_108 : memref<1x64xf32, #tpu.memory_space<vmem>>) target_semaphore(%arg16 : memref<!tpu.dma_semaphore, #tpu.memory_space<semaphore_mem>>)
        %slice3A_111 = vector.extract_strided_slice %get3A_60 {offsets = [1], sizes = [1], strides = [1]} : vector<16xi32> to vector<1xi32>
        %squeeze3A_112 = vector.extract %slice3A_111[0] : i32 from vector<1xi32>
        %dma_start3A_113 = arith.constant 0 : i32
        %dma_start3A_114 = tpu.memref_slice %arg13[%add3A_100, %dma_start3A_113] : memref<256x64xf32, #tpu.memory_space<vmem>> -> memref<1x64xf32, #tpu.memory_space<vmem>>
        %dma_start3A_115 = arith.constant 0 : i32
        %dma_start3A_116 = tpu.memref_slice %arg6[%squeeze3A_112, %dma_start3A_115] : memref<100000x64xf32, #tpu.memory_space<hbm>> -> memref<1x64xf32, #tpu.memory_space<hbm>>
        %dma_start3A_117 = arith.constant 0 : i32
        %dma_start3A_118 = tpu.memref_slice %arg13[%add3A_100, %dma_start3A_117] : memref<256x64xf32, #tpu.memory_space<vmem>> -> memref<1x64xf32, #tpu.memory_space<vmem>>
        %dma_start3A_119 = arith.constant 0 : i32
        %dma_start3A_120 = tpu.memref_slice %arg6[%squeeze3A_112, %dma_start3A_119] : memref<100000x64xf32, #tpu.memory_space<hbm>> -> memref<1x64xf32, #tpu.memory_space<hbm>>
        tpu.enqueue_dma source(%dma_start3A_120 : memref<1x64xf32, #tpu.memory_space<hbm>>) target(%dma_start3A_118 : memref<1x64xf32, #tpu.memory_space<vmem>>) target_semaphore(%arg17 : memref<!tpu.dma_semaphore, #tpu.memory_space<semaphore_mem>>)
        %slice3A_121 = vector.extract_strided_slice %get3A_65 {offsets = [1], sizes = [1], strides = [1]} : vector<16xi32> to vector<1xi32>
        %squeeze3A_122 = vector.extract %slice3A_121[0] : i32 from vector<1xi32>
        %dma_start3A_123 = arith.constant 0 : i32
        %dma_start3A_124 = tpu.memref_slice %arg14[%add3A_100, %dma_start3A_123] : memref<256x64xf32, #tpu.memory_space<vmem>> -> memref<1x64xf32, #tpu.memory_space<vmem>>
        %dma_start3A_125 = arith.constant 0 : i32
        %dma_start3A_126 = tpu.memref_slice %arg7[%squeeze3A_122, %dma_start3A_125] : memref<100000x64xf32, #tpu.memory_space<hbm>> -> memref<1x64xf32, #tpu.memory_space<hbm>>
        %dma_start3A_127 = arith.constant 0 : i32
        %dma_start3A_128 = tpu.memref_slice %arg14[%add3A_100, %dma_start3A_127] : memref<256x64xf32, #tpu.memory_space<vmem>> -> memref<1x64xf32, #tpu.memory_space<vmem>>
        %dma_start3A_129 = arith.constant 0 : i32
        %dma_start3A_130 = tpu.memref_slice %arg7[%squeeze3A_122, %dma_start3A_129] : memref<100000x64xf32, #tpu.memory_space<hbm>> -> memref<1x64xf32, #tpu.memory_space<hbm>>
        tpu.enqueue_dma source(%dma_start3A_130 : memref<1x64xf32, #tpu.memory_space<hbm>>) target(%dma_start3A_128 : memref<1x64xf32, #tpu.memory_space<vmem>>) target_semaphore(%arg18 : memref<!tpu.dma_semaphore, #tpu.memory_space<semaphore_mem>>)
        %mul3A_131 = arith.constant 16 : i32
        %mul3A_132 = arith.muli %scan3A_51, %mul3A_131 : i32
        %add3A_133 = arith.constant 2 : i32
        %add3A_134 = arith.addi %mul3A_132, %add3A_133 : i32
        %slice3A_135 = vector.extract_strided_slice %get3A_55 {offsets = [2], sizes = [1], strides = [1]} : vector<16xi32> to vector<1xi32>
        %squeeze3A_136 = vector.extract %slice3A_135[0] : i32 from vector<1xi32>
        %dma_start3A_137 = arith.constant 0 : i32
        %dma_start3A_138 = tpu.memref_slice %arg12[%add3A_134, %dma_start3A_137] : memref<256x64xf32, #tpu.memory_space<vmem>> -> memref<1x64xf32, #tpu.memory_space<vmem>>
        %dma_start3A_139 = arith.constant 0 : i32
        %dma_start3A_140 = tpu.memref_slice %arg5[%squeeze3A_136, %dma_start3A_139] : memref<100000x64xf32, #tpu.memory_space<hbm>> -> memref<1x64xf32, #tpu.memory_space<hbm>>
        %dma_start3A_141 = arith.constant 0 : i32
        %dma_start3A_142 = tpu.memref_slice %arg12[%add3A_134, %dma_start3A_141] : memref<256x64xf32, #tpu.memory_space<vmem>> -> memref<1x64xf32, #tpu.memory_space<vmem>>
        %dma_start3A_143 = arith.constant 0 : i32
        %dma_start3A_144 = tpu.memref_slice %arg5[%squeeze3A_136, %dma_start3A_143] : memref<100000x64xf32, #tpu.memory_space<hbm>> -> memref<1x64xf32, #tpu.memory_space<hbm>>
        tpu.enqueue_dma source(%dma_start3A_144 : memref<1x64xf32, #tpu.memory_space<hbm>>) target(%dma_start3A_142 : memref<1x64xf32, #tpu.memory_space<vmem>>) target_semaphore(%arg16 : memref<!tpu.dma_semaphore, #tpu.memory_space<semaphore_mem>>)
        %slice3A_145 = vector.extract_strided_slice %get3A_60 {offsets = [2], sizes = [1], strides = [1]} : vector<16xi32> to vector<1xi32>
        %squeeze3A_146 = vector.extract %slice3A_145[0] : i32 from vector<1xi32>
        %dma_start3A_147 = arith.constant 0 : i32
        %dma_start3A_148 = tpu.memref_slice %arg13[%add3A_134, %dma_start3A_147] : memref<256x64xf32, #tpu.memory_space<vmem>> -> memref<1x64xf32, #tpu.memory_space<vmem>>
        %dma_start3A_149 = arith.constant 0 : i32
        %dma_start3A_150 = tpu.memref_slice %arg6[%squeeze3A_146, %dma_start3A_149] : memref<100000x64xf32, #tpu.memory_space<hbm>> -> memref<1x64xf32, #tpu.memory_space<hbm>>
        %dma_start3A_151 = arith.constant 0 : i32
        %dma_start3A_152 = tpu.memref_slice %arg13[%add3A_134, %dma_start3A_151] : memref<256x64xf32, #tpu.memory_space<vmem>> -> memref<1x64xf32, #tpu.memory_space<vmem>>
        %dma_start3A_153 = arith.constant 0 : i32
        %dma_start3A_154 = tpu.memref_slice %arg6[%squeeze3A_146, %dma_start3A_153] : memref<100000x64xf32, #tpu.memory_space<hbm>> -> memref<1x64xf32, #tpu.memory_space<hbm>>
        tpu.enqueue_dma source(%dma_start3A_154 : memref<1x64xf32, #tpu.memory_space<hbm>>) target(%dma_start3A_152 : memref<1x64xf32, #tpu.memory_space<vmem>>) target_semaphore(%arg17 : memref<!tpu.dma_semaphore, #tpu.memory_space<semaphore_mem>>)
        %slice3A_155 = vector.extract_strided_slice %get3A_65 {offsets = [2], sizes = [1], strides = [1]} : vector<16xi32> to vector<1xi32>
        %squeeze3A_156 = vector.extract %slice3A_155[0] : i32 from vector<1xi32>
        %dma_start3A_157 = arith.constant 0 : i32
        %dma_start3A_158 = tpu.memref_slice %arg14[%add3A_134, %dma_start3A_157] : memref<256x64xf32, #tpu.memory_space<vmem>> -> memref<1x64xf32, #tpu.memory_space<vmem>>
        %dma_start3A_159 = arith.constant 0 : i32
        %dma_start3A_160 = tpu.memref_slice %arg7[%squeeze3A_156, %dma_start3A_159] : memref<100000x64xf32, #tpu.memory_space<hbm>> -> memref<1x64xf32, #tpu.memory_space<hbm>>
        %dma_start3A_161 = arith.constant 0 : i32
        %dma_start3A_162 = tpu.memref_slice %arg14[%add3A_134, %dma_start3A_161] : memref<256x64xf32, #tpu.memory_space<vmem>> -> memref<1x64xf32, #tpu.memory_space<vmem>>
        %dma_start3A_163 = arith.constant 0 : i32
        %dma_start3A_164 = tpu.memref_slice %arg7[%squeeze3A_156, %dma_start3A_163] : memref<100000x64xf32, #tpu.memory_space<hbm>> -> memref<1x64xf32, #tpu.memory_space<hbm>>
        tpu.enqueue_dma source(%dma_start3A_164 : memref<1x64xf32, #tpu.memory_space<hbm>>) target(%dma_start3A_162 : memref<1x64xf32, #tpu.memory_space<vmem>>) target_semaphore(%arg18 : memref<!tpu.dma_semaphore, #tpu.memory_space<semaphore_mem>>)
        %mul3A_165 = arith.constant 16 : i32
        %mul3A_166 = arith.muli %scan3A_51, %mul3A_165 : i32
        %add3A_167 = arith.constant 3 : i32
        %add3A_168 = arith.addi %mul3A_166, %add3A_167 : i32
        %slice3A_169 = vector.extract_strided_slice %get3A_55 {offsets = [3], sizes = [1], strides = [1]} : vector<16xi32> to vector<1xi32>
        %squeeze3A_170 = vector.extract %slice3A_169[0] : i32 from vector<1xi32>
        %dma_start3A_171 = arith.constant 0 : i32
        %dma_start3A_172 = tpu.memref_slice %arg12[%add3A_168, %dma_start3A_171] : memref<256x64xf32, #tpu.memory_space<vmem>> -> memref<1x64xf32, #tpu.memory_space<vmem>>
        %dma_start3A_173 = arith.constant 0 : i32
        %dma_start3A_174 = tpu.memref_slice %arg5[%squeeze3A_170, %dma_start3A_173] : memref<100000x64xf32, #tpu.memory_space<hbm>> -> memref<1x64xf32, #tpu.memory_space<hbm>>
        %dma_start3A_175 = arith.constant 0 : i32
        %dma_start3A_176 = tpu.memref_slice %arg12[%add3A_168, %dma_start3A_175] : memref<256x64xf32, #tpu.memory_space<vmem>> -> memref<1x64xf32, #tpu.memory_space<vmem>>
        %dma_start3A_177 = arith.constant 0 : i32
        %dma_start3A_178 = tpu.memref_slice %arg5[%squeeze3A_170, %dma_start3A_177] : memref<100000x64xf32, #tpu.memory_space<hbm>> -> memref<1x64xf32, #tpu.memory_space<hbm>>
        tpu.enqueue_dma source(%dma_start3A_178 : memref<1x64xf32, #tpu.memory_space<hbm>>) target(%dma_start3A_176 : memref<1x64xf32, #tpu.memory_space<vmem>>) target_semaphore(%arg16 : memref<!tpu.dma_semaphore, #tpu.memory_space<semaphore_mem>>)
        %slice3A_179 = vector.extract_strided_slice %get3A_60 {offsets = [3], sizes = [1], strides = [1]} : vector<16xi32> to vector<1xi32>
        %squeeze3A_180 = vector.extract %slice3A_179[0] : i32 from vector<1xi32>
        %dma_start3A_181 = arith.constant 0 : i32
        %dma_start3A_182 = tpu.memref_slice %arg13[%add3A_168, %dma_start3A_181] : memref<256x64xf32, #tpu.memory_space<vmem>> -> memref<1x64xf32, #tpu.memory_space<vmem>>
        %dma_start3A_183 = arith.constant 0 : i32
        %dma_start3A_184 = tpu.memref_slice %arg6[%squeeze3A_180, %dma_start3A_183] : memref<100000x64xf32, #tpu.memory_space<hbm>> -> memref<1x64xf32, #tpu.memory_space<hbm>>
        %dma_start3A_185 = arith.constant 0 : i32
        %dma_start3A_186 = tpu.memref_slice %arg13[%add3A_168, %dma_start3A_185] : memref<256x64xf32, #tpu.memory_space<vmem>> -> memref<1x64xf32, #tpu.memory_space<vmem>>
        %dma_start3A_187 = arith.constant 0 : i32
        %dma_start3A_188 = tpu.memref_slice %arg6[%squeeze3A_180, %dma_start3A_187] : memref<100000x64xf32, #tpu.memory_space<hbm>> -> memref<1x64xf32, #tpu.memory_space<hbm>>
        tpu.enqueue_dma source(%dma_start3A_188 : memref<1x64xf32, #tpu.memory_space<hbm>>) target(%dma_start3A_186 : memref<1x64xf32, #tpu.memory_space<vmem>>) target_semaphore(%arg17 : memref<!tpu.dma_semaphore, #tpu.memory_space<semaphore_mem>>)
        %slice3A_189 = vector.extract_strided_slice %get3A_65 {offsets = [3], sizes = [1], strides = [1]} : vector<16xi32> to vector<1xi32>
        %squeeze3A_190 = vector.extract %slice3A_189[0] : i32 from vector<1xi32>
        %dma_start3A_191 = arith.constant 0 : i32
        %dma_start3A_192 = tpu.memref_slice %arg14[%add3A_168, %dma_start3A_191] : memref<256x64xf32, #tpu.memory_space<vmem>> -> memref<1x64xf32, #tpu.memory_space<vmem>>
        %dma_start3A_193 = arith.constant 0 : i32
        %dma_start3A_194 = tpu.memref_slice %arg7[%squeeze3A_190, %dma_start3A_193] : memref<100000x64xf32, #tpu.memory_space<hbm>> -> memref<1x64xf32, #tpu.memory_space<hbm>>
        %dma_start3A_195 = arith.constant 0 : i32
        %dma_start3A_196 = tpu.memref_slice %arg14[%add3A_168, %dma_start3A_195] : memref<256x64xf32, #tpu.memory_space<vmem>> -> memref<1x64xf32, #tpu.memory_space<vmem>>
        %dma_start3A_197 = arith.constant 0 : i32
        %dma_start3A_198 = tpu.memref_slice %arg7[%squeeze3A_190, %dma_start3A_197] : memref<100000x64xf32, #tpu.memory_space<hbm>> -> memref<1x64xf32, #tpu.memory_space<hbm>>
        tpu.enqueue_dma source(%dma_start3A_198 : memref<1x64xf32, #tpu.memory_space<hbm>>) target(%dma_start3A_196 : memref<1x64xf32, #tpu.memory_space<vmem>>) target_semaphore(%arg18 : memref<!tpu.dma_semaphore, #tpu.memory_space<semaphore_mem>>)
        %mul3A_199 = arith.constant 16 : i32
        %mul3A_200 = arith.muli %scan3A_51, %mul3A_199 : i32
        %add3A_201 = arith.constant 4 : i32
        %add3A_202 = arith.addi %mul3A_200, %add3A_201 : i32
        %slice3A_203 = vector.extract_strided_slice %get3A_55 {offsets = [4], sizes = [1], strides = [1]} : vector<16xi32> to vector<1xi32>
        %squeeze3A_204 = vector.extract %slice3A_203[0] : i32 from vector<1xi32>
        %dma_start3A_205 = arith.constant 0 : i32
        %dma_start3A_206 = tpu.memref_slice %arg12[%add3A_202, %dma_start3A_205] : memref<256x64xf32, #tpu.memory_space<vmem>> -> memref<1x64xf32, #tpu.memory_space<vmem>>
        %dma_start3A_207 = arith.constant 0 : i32
        %dma_start3A_208 = tpu.memref_slice %arg5[%squeeze3A_204, %dma_start3A_207] : memref<100000x64xf32, #tpu.memory_space<hbm>> -> memref<1x64xf32, #tpu.memory_space<hbm>>
        %dma_start3A_209 = arith.constant 0 : i32
        %dma_start3A_210 = tpu.memref_slice %arg12[%add3A_202, %dma_start3A_209] : memref<256x64xf32, #tpu.memory_space<vmem>> -> memref<1x64xf32, #tpu.memory_space<vmem>>
        %dma_start3A_211 = arith.constant 0 : i32
        %dma_start3A_212 = tpu.memref_slice %arg5[%squeeze3A_204, %dma_start3A_211] : memref<100000x64xf32, #tpu.memory_space<hbm>> -> memref<1x64xf32, #tpu.memory_space<hbm>>
        tpu.enqueue_dma source(%dma_start3A_212 : memref<1x64xf32, #tpu.memory_space<hbm>>) target(%dma_start3A_210 : memref<1x64xf32, #tpu.memory_space<vmem>>) target_semaphore(%arg16 : memref<!tpu.dma_semaphore, #tpu.memory_space<semaphore_mem>>)
        %slice3A_213 = vector.extract_strided_slice %get3A_60 {offsets = [4], sizes = [1], strides = [1]} : vector<16xi32> to vector<1xi32>
        %squeeze3A_214 = vector.extract %slice3A_213[0] : i32 from vector<1xi32>
        %dma_start3A_215 = arith.constant 0 : i32
        %dma_start3A_216 = tpu.memref_slice %arg13[%add3A_202, %dma_start3A_215] : memref<256x64xf32, #tpu.memory_space<vmem>> -> memref<1x64xf32, #tpu.memory_space<vmem>>
        %dma_start3A_217 = arith.constant 0 : i32
        %dma_start3A_218 = tpu.memref_slice %arg6[%squeeze3A_214, %dma_start3A_217] : memref<100000x64xf32, #tpu.memory_space<hbm>> -> memref<1x64xf32, #tpu.memory_space<hbm>>
        %dma_start3A_219 = arith.constant 0 : i32
        %dma_start3A_220 = tpu.memref_slice %arg13[%add3A_202, %dma_start3A_219] : memref<256x64xf32, #tpu.memory_space<vmem>> -> memref<1x64xf32, #tpu.memory_space<vmem>>
        %dma_start3A_221 = arith.constant 0 : i32
        %dma_start3A_222 = tpu.memref_slice %arg6[%squeeze3A_214, %dma_start3A_221] : memref<100000x64xf32, #tpu.memory_space<hbm>> -> memref<1x64xf32, #tpu.memory_space<hbm>>
        tpu.enqueue_dma source(%dma_start3A_222 : memref<1x64xf32, #tpu.memory_space<hbm>>) target(%dma_start3A_220 : memref<1x64xf32, #tpu.memory_space<vmem>>) target_semaphore(%arg17 : memref<!tpu.dma_semaphore, #tpu.memory_space<semaphore_mem>>)
        %slice3A_223 = vector.extract_strided_slice %get3A_65 {offsets = [4], sizes = [1], strides = [1]} : vector<16xi32> to vector<1xi32>
        %squeeze3A_224 = vector.extract %slice3A_223[0] : i32 from vector<1xi32>
        %dma_start3A_225 = arith.constant 0 : i32
        %dma_start3A_226 = tpu.memref_slice %arg14[%add3A_202, %dma_start3A_225] : memref<256x64xf32, #tpu.memory_space<vmem>> -> memref<1x64xf32, #tpu.memory_space<vmem>>
        %dma_start3A_227 = arith.constant 0 : i32
        %dma_start3A_228 = tpu.memref_slice %arg7[%squeeze3A_224, %dma_start3A_227] : memref<100000x64xf32, #tpu.memory_space<hbm>> -> memref<1x64xf32, #tpu.memory_space<hbm>>
        %dma_start3A_229 = arith.constant 0 : i32
        %dma_start3A_230 = tpu.memref_slice %arg14[%add3A_202, %dma_start3A_229] : memref<256x64xf32, #tpu.memory_space<vmem>> -> memref<1x64xf32, #tpu.memory_space<vmem>>
        %dma_start3A_231 = arith.constant 0 : i32
        %dma_start3A_232 = tpu.memref_slice %arg7[%squeeze3A_224, %dma_start3A_231] : memref<100000x64xf32, #tpu.memory_space<hbm>> -> memref<1x64xf32, #tpu.memory_space<hbm>>
        tpu.enqueue_dma source(%dma_start3A_232 : memref<1x64xf32, #tpu.memory_space<hbm>>) target(%dma_start3A_230 : memref<1x64xf32, #tpu.memory_space<vmem>>) target_semaphore(%arg18 : memref<!tpu.dma_semaphore, #tpu.memory_space<semaphore_mem>>)
        %mul3A_233 = arith.constant 16 : i32
        %mul3A_234 = arith.muli %scan3A_51, %mul3A_233 : i32
        %add3A_235 = arith.constant 5 : i32
        %add3A_236 = arith.addi %mul3A_234, %add3A_235 : i32
        %slice3A_237 = vector.extract_strided_slice %get3A_55 {offsets = [5], sizes = [1], strides = [1]} : vector<16xi32> to vector<1xi32>
        %squeeze3A_238 = vector.extract %slice3A_237[0] : i32 from vector<1xi32>
        %dma_start3A_239 = arith.constant 0 : i32
        %dma_start3A_240 = tpu.memref_slice %arg12[%add3A_236, %dma_start3A_239] : memref<256x64xf32, #tpu.memory_space<vmem>> -> memref<1x64xf32, #tpu.memory_space<vmem>>
        %dma_start3A_241 = arith.constant 0 : i32
        %dma_start3A_242 = tpu.memref_slice %arg5[%squeeze3A_238, %dma_start3A_241] : memref<100000x64xf32, #tpu.memory_space<hbm>> -> memref<1x64xf32, #tpu.memory_space<hbm>>
        %dma_start3A_243 = arith.constant 0 : i32
        %dma_start3A_244 = tpu.memref_slice %arg12[%add3A_236, %dma_start3A_243] : memref<256x64xf32, #tpu.memory_space<vmem>> -> memref<1x64xf32, #tpu.memory_space<vmem>>
        %dma_start3A_245 = arith.constant 0 : i32
        %dma_start3A_246 = tpu.memref_slice %arg5[%squeeze3A_238, %dma_start3A_245] : memref<100000x64xf32, #tpu.memory_space<hbm>> -> memref<1x64xf32, #tpu.memory_space<hbm>>
        tpu.enqueue_dma source(%dma_start3A_246 : memref<1x64xf32, #tpu.memory_space<hbm>>) target(%dma_start3A_244 : memref<1x64xf32, #tpu.memory_space<vmem>>) target_semaphore(%arg16 : memref<!tpu.dma_semaphore, #tpu.memory_space<semaphore_mem>>)
        %slice3A_247 = vector.extract_strided_slice %get3A_60 {offsets = [5], sizes = [1], strides = [1]} : vector<16xi32> to vector<1xi32>
        %squeeze3A_248 = vector.extract %slice3A_247[0] : i32 from vector<1xi32>
        %dma_start3A_249 = arith.constant 0 : i32
        %dma_start3A_250 = tpu.memref_slice %arg13[%add3A_236, %dma_start3A_249] : memref<256x64xf32, #tpu.memory_space<vmem>> -> memref<1x64xf32, #tpu.memory_space<vmem>>
        %dma_start3A_251 = arith.constant 0 : i32
        %dma_start3A_252 = tpu.memref_slice %arg6[%squeeze3A_248, %dma_start3A_251] : memref<100000x64xf32, #tpu.memory_space<hbm>> -> memref<1x64xf32, #tpu.memory_space<hbm>>
        %dma_start3A_253 = arith.constant 0 : i32
        %dma_start3A_254 = tpu.memref_slice %arg13[%add3A_236, %dma_start3A_253] : memref<256x64xf32, #tpu.memory_space<vmem>> -> memref<1x64xf32, #tpu.memory_space<vmem>>
        %dma_start3A_255 = arith.constant 0 : i32
        %dma_start3A_256 = tpu.memref_slice %arg6[%squeeze3A_248, %dma_start3A_255] : memref<100000x64xf32, #tpu.memory_space<hbm>> -> memref<1x64xf32, #tpu.memory_space<hbm>>
        tpu.enqueue_dma source(%dma_start3A_256 : memref<1x64xf32, #tpu.memory_space<hbm>>) target(%dma_start3A_254 : memref<1x64xf32, #tpu.memory_space<vmem>>) target_semaphore(%arg17 : memref<!tpu.dma_semaphore, #tpu.memory_space<semaphore_mem>>)
        %slice3A_257 = vector.extract_strided_slice %get3A_65 {offsets = [5], sizes = [1], strides = [1]} : vector<16xi32> to vector<1xi32>
        %squeeze3A_258 = vector.extract %slice3A_257[0] : i32 from vector<1xi32>
        %dma_start3A_259 = arith.constant 0 : i32
        %dma_start3A_260 = tpu.memref_slice %arg14[%add3A_236, %dma_start3A_259] : memref<256x64xf32, #tpu.memory_space<vmem>> -> memref<1x64xf32, #tpu.memory_space<vmem>>
        %dma_start3A_261 = arith.constant 0 : i32
        %dma_start3A_262 = tpu.memref_slice %arg7[%squeeze3A_258, %dma_start3A_261] : memref<100000x64xf32, #tpu.memory_space<hbm>> -> memref<1x64xf32, #tpu.memory_space<hbm>>
        %dma_start3A_263 = arith.constant 0 : i32
        %dma_start3A_264 = tpu.memref_slice %arg14[%add3A_236, %dma_start3A_263] : memref<256x64xf32, #tpu.memory_space<vmem>> -> memref<1x64xf32, #tpu.memory_space<vmem>>
        %dma_start3A_265 = arith.constant 0 : i32
        %dma_start3A_266 = tpu.memref_slice %arg7[%squeeze3A_258, %dma_start3A_265] : memref<100000x64xf32, #tpu.memory_space<hbm>> -> memref<1x64xf32, #tpu.memory_space<hbm>>
        tpu.enqueue_dma source(%dma_start3A_266 : memref<1x64xf32, #tpu.memory_space<hbm>>) target(%dma_start3A_264 : memref<1x64xf32, #tpu.memory_space<vmem>>) target_semaphore(%arg18 : memref<!tpu.dma_semaphore, #tpu.memory_space<semaphore_mem>>)
        %mul3A_267 = arith.constant 16 : i32
        %mul3A_268 = arith.muli %scan3A_51, %mul3A_267 : i32
        %add3A_269 = arith.constant 6 : i32
        %add3A_270 = arith.addi %mul3A_268, %add3A_269 : i32
        %slice3A_271 = vector.extract_strided_slice %get3A_55 {offsets = [6], sizes = [1], strides = [1]} : vector<16xi32> to vector<1xi32>
        %squeeze3A_272 = vector.extract %slice3A_271[0] : i32 from vector<1xi32>
        %dma_start3A_273 = arith.constant 0 : i32
        %dma_start3A_274 = tpu.memref_slice %arg12[%add3A_270, %dma_start3A_273] : memref<256x64xf32, #tpu.memory_space<vmem>> -> memref<1x64xf32, #tpu.memory_space<vmem>>
        %dma_start3A_275 = arith.constant 0 : i32
        %dma_start3A_276 = tpu.memref_slice %arg5[%squeeze3A_272, %dma_start3A_275] : memref<100000x64xf32, #tpu.memory_space<hbm>> -> memref<1x64xf32, #tpu.memory_space<hbm>>
        %dma_start3A_277 = arith.constant 0 : i32
        %dma_start3A_278 = tpu.memref_slice %arg12[%add3A_270, %dma_start3A_277] : memref<256x64xf32, #tpu.memory_space<vmem>> -> memref<1x64xf32, #tpu.memory_space<vmem>>
        %dma_start3A_279 = arith.constant 0 : i32
        %dma_start3A_280 = tpu.memref_slice %arg5[%squeeze3A_272, %dma_start3A_279] : memref<100000x64xf32, #tpu.memory_space<hbm>> -> memref<1x64xf32, #tpu.memory_space<hbm>>
        tpu.enqueue_dma source(%dma_start3A_280 : memref<1x64xf32, #tpu.memory_space<hbm>>) target(%dma_start3A_278 : memref<1x64xf32, #tpu.memory_space<vmem>>) target_semaphore(%arg16 : memref<!tpu.dma_semaphore, #tpu.memory_space<semaphore_mem>>)
        %slice3A_281 = vector.extract_strided_slice %get3A_60 {offsets = [6], sizes = [1], strides = [1]} : vector<16xi32> to vector<1xi32>
        %squeeze3A_282 = vector.extract %slice3A_281[0] : i32 from vector<1xi32>
        %dma_start3A_283 = arith.constant 0 : i32
        %dma_start3A_284 = tpu.memref_slice %arg13[%add3A_270, %dma_start3A_283] : memref<256x64xf32, #tpu.memory_space<vmem>> -> memref<1x64xf32, #tpu.memory_space<vmem>>
        %dma_start3A_285 = arith.constant 0 : i32
        %dma_start3A_286 = tpu.memref_slice %arg6[%squeeze3A_282, %dma_start3A_285] : memref<100000x64xf32, #tpu.memory_space<hbm>> -> memref<1x64xf32, #tpu.memory_space<hbm>>
        %dma_start3A_287 = arith.constant 0 : i32
        %dma_start3A_288 = tpu.memref_slice %arg13[%add3A_270, %dma_start3A_287] : memref<256x64xf32, #tpu.memory_space<vmem>> -> memref<1x64xf32, #tpu.memory_space<vmem>>
        %dma_start3A_289 = arith.constant 0 : i32
        %dma_start3A_290 = tpu.memref_slice %arg6[%squeeze3A_282, %dma_start3A_289] : memref<100000x64xf32, #tpu.memory_space<hbm>> -> memref<1x64xf32, #tpu.memory_space<hbm>>
        tpu.enqueue_dma source(%dma_start3A_290 : memref<1x64xf32, #tpu.memory_space<hbm>>) target(%dma_start3A_288 : memref<1x64xf32, #tpu.memory_space<vmem>>) target_semaphore(%arg17 : memref<!tpu.dma_semaphore, #tpu.memory_space<semaphore_mem>>)
        %slice3A_291 = vector.extract_strided_slice %get3A_65 {offsets = [6], sizes = [1], strides = [1]} : vector<16xi32> to vector<1xi32>
        %squeeze3A_292 = vector.extract %slice3A_291[0] : i32 from vector<1xi32>
        %dma_start3A_293 = arith.constant 0 : i32
        %dma_start3A_294 = tpu.memref_slice %arg14[%add3A_270, %dma_start3A_293] : memref<256x64xf32, #tpu.memory_space<vmem>> -> memref<1x64xf32, #tpu.memory_space<vmem>>
        %dma_start3A_295 = arith.constant 0 : i32
        %dma_start3A_296 = tpu.memref_slice %arg7[%squeeze3A_292, %dma_start3A_295] : memref<100000x64xf32, #tpu.memory_space<hbm>> -> memref<1x64xf32, #tpu.memory_space<hbm>>
        %dma_start3A_297 = arith.constant 0 : i32
        %dma_start3A_298 = tpu.memref_slice %arg14[%add3A_270, %dma_start3A_297] : memref<256x64xf32, #tpu.memory_space<vmem>> -> memref<1x64xf32, #tpu.memory_space<vmem>>
        %dma_start3A_299 = arith.constant 0 : i32
        %dma_start3A_300 = tpu.memref_slice %arg7[%squeeze3A_292, %dma_start3A_299] : memref<100000x64xf32, #tpu.memory_space<hbm>> -> memref<1x64xf32, #tpu.memory_space<hbm>>
        tpu.enqueue_dma source(%dma_start3A_300 : memref<1x64xf32, #tpu.memory_space<hbm>>) target(%dma_start3A_298 : memref<1x64xf32, #tpu.memory_space<vmem>>) target_semaphore(%arg18 : memref<!tpu.dma_semaphore, #tpu.memory_space<semaphore_mem>>)
        %mul3A_301 = arith.constant 16 : i32
        %mul3A_302 = arith.muli %scan3A_51, %mul3A_301 : i32
        %add3A_303 = arith.constant 7 : i32
        %add3A_304 = arith.addi %mul3A_302, %add3A_303 : i32
        %slice3A_305 = vector.extract_strided_slice %get3A_55 {offsets = [7], sizes = [1], strides = [1]} : vector<16xi32> to vector<1xi32>
        %squeeze3A_306 = vector.extract %slice3A_305[0] : i32 from vector<1xi32>
        %dma_start3A_307 = arith.constant 0 : i32
        %dma_start3A_308 = tpu.memref_slice %arg12[%add3A_304, %dma_start3A_307] : memref<256x64xf32, #tpu.memory_space<vmem>> -> memref<1x64xf32, #tpu.memory_space<vmem>>
        %dma_start3A_309 = arith.constant 0 : i32
        %dma_start3A_310 = tpu.memref_slice %arg5[%squeeze3A_306, %dma_start3A_309] : memref<100000x64xf32, #tpu.memory_space<hbm>> -> memref<1x64xf32, #tpu.memory_space<hbm>>
        %dma_start3A_311 = arith.constant 0 : i32
        %dma_start3A_312 = tpu.memref_slice %arg12[%add3A_304, %dma_start3A_311] : memref<256x64xf32, #tpu.memory_space<vmem>> -> memref<1x64xf32, #tpu.memory_space<vmem>>
        %dma_start3A_313 = arith.constant 0 : i32
        %dma_start3A_314 = tpu.memref_slice %arg5[%squeeze3A_306, %dma_start3A_313] : memref<100000x64xf32, #tpu.memory_space<hbm>> -> memref<1x64xf32, #tpu.memory_space<hbm>>
        tpu.enqueue_dma source(%dma_start3A_314 : memref<1x64xf32, #tpu.memory_space<hbm>>) target(%dma_start3A_312 : memref<1x64xf32, #tpu.memory_space<vmem>>) target_semaphore(%arg16 : memref<!tpu.dma_semaphore, #tpu.memory_space<semaphore_mem>>)
        %slice3A_315 = vector.extract_strided_slice %get3A_60 {offsets = [7], sizes = [1], strides = [1]} : vector<16xi32> to vector<1xi32>
        %squeeze3A_316 = vector.extract %slice3A_315[0] : i32 from vector<1xi32>
        %dma_start3A_317 = arith.constant 0 : i32
        %dma_start3A_318 = tpu.memref_slice %arg13[%add3A_304, %dma_start3A_317] : memref<256x64xf32, #tpu.memory_space<vmem>> -> memref<1x64xf32, #tpu.memory_space<vmem>>
        %dma_start3A_319 = arith.constant 0 : i32
        %dma_start3A_320 = tpu.memref_slice %arg6[%squeeze3A_316, %dma_start3A_319] : memref<100000x64xf32, #tpu.memory_space<hbm>> -> memref<1x64xf32, #tpu.memory_space<hbm>>
        %dma_start3A_321 = arith.constant 0 : i32
        %dma_start3A_322 = tpu.memref_slice %arg13[%add3A_304, %dma_start3A_321] : memref<256x64xf32, #tpu.memory_space<vmem>> -> memref<1x64xf32, #tpu.memory_space<vmem>>
        %dma_start3A_323 = arith.constant 0 : i32
        %dma_start3A_324 = tpu.memref_slice %arg6[%squeeze3A_316, %dma_start3A_323] : memref<100000x64xf32, #tpu.memory_space<hbm>> -> memref<1x64xf32, #tpu.memory_space<hbm>>
        tpu.enqueue_dma source(%dma_start3A_324 : memref<1x64xf32, #tpu.memory_space<hbm>>) target(%dma_start3A_322 : memref<1x64xf32, #tpu.memory_space<vmem>>) target_semaphore(%arg17 : memref<!tpu.dma_semaphore, #tpu.memory_space<semaphore_mem>>)
        %slice3A_325 = vector.extract_strided_slice %get3A_65 {offsets = [7], sizes = [1], strides = [1]} : vector<16xi32> to vector<1xi32>
        %squeeze3A_326 = vector.extract %slice3A_325[0] : i32 from vector<1xi32>
        %dma_start3A_327 = arith.constant 0 : i32
        %dma_start3A_328 = tpu.memref_slice %arg14[%add3A_304, %dma_start3A_327] : memref<256x64xf32, #tpu.memory_space<vmem>> -> memref<1x64xf32, #tpu.memory_space<vmem>>
        %dma_start3A_329 = arith.constant 0 : i32
        %dma_start3A_330 = tpu.memref_slice %arg7[%squeeze3A_326, %dma_start3A_329] : memref<100000x64xf32, #tpu.memory_space<hbm>> -> memref<1x64xf32, #tpu.memory_space<hbm>>
        %dma_start3A_331 = arith.constant 0 : i32
        %dma_start3A_332 = tpu.memref_slice %arg14[%add3A_304, %dma_start3A_331] : memref<256x64xf32, #tpu.memory_space<vmem>> -> memref<1x64xf32, #tpu.memory_space<vmem>>
        %dma_start3A_333 = arith.constant 0 : i32
        %dma_start3A_334 = tpu.memref_slice %arg7[%squeeze3A_326, %dma_start3A_333] : memref<100000x64xf32, #tpu.memory_space<hbm>> -> memref<1x64xf32, #tpu.memory_space<hbm>>
        tpu.enqueue_dma source(%dma_start3A_334 : memref<1x64xf32, #tpu.memory_space<hbm>>) target(%dma_start3A_332 : memref<1x64xf32, #tpu.memory_space<vmem>>) target_semaphore(%arg18 : memref<!tpu.dma_semaphore, #tpu.memory_space<semaphore_mem>>)
        %mul3A_335 = arith.constant 16 : i32
        %mul3A_336 = arith.muli %scan3A_51, %mul3A_335 : i32
        %add3A_337 = arith.constant 8 : i32
        %add3A_338 = arith.addi %mul3A_336, %add3A_337 : i32
        %slice3A_339 = vector.extract_strided_slice %get3A_55 {offsets = [8], sizes = [1], strides = [1]} : vector<16xi32> to vector<1xi32>
        %squeeze3A_340 = vector.extract %slice3A_339[0] : i32 from vector<1xi32>
        %dma_start3A_341 = arith.constant 0 : i32
        %dma_start3A_342 = tpu.memref_slice %arg12[%add3A_338, %dma_start3A_341] : memref<256x64xf32, #tpu.memory_space<vmem>> -> memref<1x64xf32, #tpu.memory_space<vmem>>
        %dma_start3A_343 = arith.constant 0 : i32
        %dma_start3A_344 = tpu.memref_slice %arg5[%squeeze3A_340, %dma_start3A_343] : memref<100000x64xf32, #tpu.memory_space<hbm>> -> memref<1x64xf32, #tpu.memory_space<hbm>>
        %dma_start3A_345 = arith.constant 0 : i32
        %dma_start3A_346 = tpu.memref_slice %arg12[%add3A_338, %dma_start3A_345] : memref<256x64xf32, #tpu.memory_space<vmem>> -> memref<1x64xf32, #tpu.memory_space<vmem>>
        %dma_start3A_347 = arith.constant 0 : i32
        %dma_start3A_348 = tpu.memref_slice %arg5[%squeeze3A_340, %dma_start3A_347] : memref<100000x64xf32, #tpu.memory_space<hbm>> -> memref<1x64xf32, #tpu.memory_space<hbm>>
        tpu.enqueue_dma source(%dma_start3A_348 : memref<1x64xf32, #tpu.memory_space<hbm>>) target(%dma_start3A_346 : memref<1x64xf32, #tpu.memory_space<vmem>>) target_semaphore(%arg16 : memref<!tpu.dma_semaphore, #tpu.memory_space<semaphore_mem>>)
        %slice3A_349 = vector.extract_strided_slice %get3A_60 {offsets = [8], sizes = [1], strides = [1]} : vector<16xi32> to vector<1xi32>
        %squeeze3A_350 = vector.extract %slice3A_349[0] : i32 from vector<1xi32>
        %dma_start3A_351 = arith.constant 0 : i32
        %dma_start3A_352 = tpu.memref_slice %arg13[%add3A_338, %dma_start3A_351] : memref<256x64xf32, #tpu.memory_space<vmem>> -> memref<1x64xf32, #tpu.memory_space<vmem>>
        %dma_start3A_353 = arith.constant 0 : i32
        %dma_start3A_354 = tpu.memref_slice %arg6[%squeeze3A_350, %dma_start3A_353] : memref<100000x64xf32, #tpu.memory_space<hbm>> -> memref<1x64xf32, #tpu.memory_space<hbm>>
        %dma_start3A_355 = arith.constant 0 : i32
        %dma_start3A_356 = tpu.memref_slice %arg13[%add3A_338, %dma_start3A_355] : memref<256x64xf32, #tpu.memory_space<vmem>> -> memref<1x64xf32, #tpu.memory_space<vmem>>
        %dma_start3A_357 = arith.constant 0 : i32
        %dma_start3A_358 = tpu.memref_slice %arg6[%squeeze3A_350, %dma_start3A_357] : memref<100000x64xf32, #tpu.memory_space<hbm>> -> memref<1x64xf32, #tpu.memory_space<hbm>>
        tpu.enqueue_dma source(%dma_start3A_358 : memref<1x64xf32, #tpu.memory_space<hbm>>) target(%dma_start3A_356 : memref<1x64xf32, #tpu.memory_space<vmem>>) target_semaphore(%arg17 : memref<!tpu.dma_semaphore, #tpu.memory_space<semaphore_mem>>)
        %slice3A_359 = vector.extract_strided_slice %get3A_65 {offsets = [8], sizes = [1], strides = [1]} : vector<16xi32> to vector<1xi32>
        %squeeze3A_360 = vector.extract %slice3A_359[0] : i32 from vector<1xi32>
        %dma_start3A_361 = arith.constant 0 : i32
        %dma_start3A_362 = tpu.memref_slice %arg14[%add3A_338, %dma_start3A_361] : memref<256x64xf32, #tpu.memory_space<vmem>> -> memref<1x64xf32, #tpu.memory_space<vmem>>
        %dma_start3A_363 = arith.constant 0 : i32
        %dma_start3A_364 = tpu.memref_slice %arg7[%squeeze3A_360, %dma_start3A_363] : memref<100000x64xf32, #tpu.memory_space<hbm>> -> memref<1x64xf32, #tpu.memory_space<hbm>>
        %dma_start3A_365 = arith.constant 0 : i32
        %dma_start3A_366 = tpu.memref_slice %arg14[%add3A_338, %dma_start3A_365] : memref<256x64xf32, #tpu.memory_space<vmem>> -> memref<1x64xf32, #tpu.memory_space<vmem>>
        %dma_start3A_367 = arith.constant 0 : i32
        %dma_start3A_368 = tpu.memref_slice %arg7[%squeeze3A_360, %dma_start3A_367] : memref<100000x64xf32, #tpu.memory_space<hbm>> -> memref<1x64xf32, #tpu.memory_space<hbm>>
        tpu.enqueue_dma source(%dma_start3A_368 : memref<1x64xf32, #tpu.memory_space<hbm>>) target(%dma_start3A_366 : memref<1x64xf32, #tpu.memory_space<vmem>>) target_semaphore(%arg18 : memref<!tpu.dma_semaphore, #tpu.memory_space<semaphore_mem>>)
        %mul3A_369 = arith.constant 16 : i32
        %mul3A_370 = arith.muli %scan3A_51, %mul3A_369 : i32
        %add3A_371 = arith.constant 9 : i32
        %add3A_372 = arith.addi %mul3A_370, %add3A_371 : i32
        %slice3A_373 = vector.extract_strided_slice %get3A_55 {offsets = [9], sizes = [1], strides = [1]} : vector<16xi32> to vector<1xi32>
        %squeeze3A_374 = vector.extract %slice3A_373[0] : i32 from vector<1xi32>
        %dma_start3A_375 = arith.constant 0 : i32
        %dma_start3A_376 = tpu.memref_slice %arg12[%add3A_372, %dma_start3A_375] : memref<256x64xf32, #tpu.memory_space<vmem>> -> memref<1x64xf32, #tpu.memory_space<vmem>>
        %dma_start3A_377 = arith.constant 0 : i32
        %dma_start3A_378 = tpu.memref_slice %arg5[%squeeze3A_374, %dma_start3A_377] : memref<100000x64xf32, #tpu.memory_space<hbm>> -> memref<1x64xf32, #tpu.memory_space<hbm>>
        %dma_start3A_379 = arith.constant 0 : i32
        %dma_start3A_380 = tpu.memref_slice %arg12[%add3A_372, %dma_start3A_379] : memref<256x64xf32, #tpu.memory_space<vmem>> -> memref<1x64xf32, #tpu.memory_space<vmem>>
        %dma_start3A_381 = arith.constant 0 : i32
        %dma_start3A_382 = tpu.memref_slice %arg5[%squeeze3A_374, %dma_start3A_381] : memref<100000x64xf32, #tpu.memory_space<hbm>> -> memref<1x64xf32, #tpu.memory_space<hbm>>
        tpu.enqueue_dma source(%dma_start3A_382 : memref<1x64xf32, #tpu.memory_space<hbm>>) target(%dma_start3A_380 : memref<1x64xf32, #tpu.memory_space<vmem>>) target_semaphore(%arg16 : memref<!tpu.dma_semaphore, #tpu.memory_space<semaphore_mem>>)
        %slice3A_383 = vector.extract_strided_slice %get3A_60 {offsets = [9], sizes = [1], strides = [1]} : vector<16xi32> to vector<1xi32>
        %squeeze3A_384 = vector.extract %slice3A_383[0] : i32 from vector<1xi32>
        %dma_start3A_385 = arith.constant 0 : i32
        %dma_start3A_386 = tpu.memref_slice %arg13[%add3A_372, %dma_start3A_385] : memref<256x64xf32, #tpu.memory_space<vmem>> -> memref<1x64xf32, #tpu.memory_space<vmem>>
        %dma_start3A_387 = arith.constant 0 : i32
        %dma_start3A_388 = tpu.memref_slice %arg6[%squeeze3A_384, %dma_start3A_387] : memref<100000x64xf32, #tpu.memory_space<hbm>> -> memref<1x64xf32, #tpu.memory_space<hbm>>
        %dma_start3A_389 = arith.constant 0 : i32
        %dma_start3A_390 = tpu.memref_slice %arg13[%add3A_372, %dma_start3A_389] : memref<256x64xf32, #tpu.memory_space<vmem>> -> memref<1x64xf32, #tpu.memory_space<vmem>>
        %dma_start3A_391 = arith.constant 0 : i32
        %dma_start3A_392 = tpu.memref_slice %arg6[%squeeze3A_384, %dma_start3A_391] : memref<100000x64xf32, #tpu.memory_space<hbm>> -> memref<1x64xf32, #tpu.memory_space<hbm>>
        tpu.enqueue_dma source(%dma_start3A_392 : memref<1x64xf32, #tpu.memory_space<hbm>>) target(%dma_start3A_390 : memref<1x64xf32, #tpu.memory_space<vmem>>) target_semaphore(%arg17 : memref<!tpu.dma_semaphore, #tpu.memory_space<semaphore_mem>>)
        %slice3A_393 = vector.extract_strided_slice %get3A_65 {offsets = [9], sizes = [1], strides = [1]} : vector<16xi32> to vector<1xi32>
        %squeeze3A_394 = vector.extract %slice3A_393[0] : i32 from vector<1xi32>
        %dma_start3A_395 = arith.constant 0 : i32
        %dma_start3A_396 = tpu.memref_slice %arg14[%add3A_372, %dma_start3A_395] : memref<256x64xf32, #tpu.memory_space<vmem>> -> memref<1x64xf32, #tpu.memory_space<vmem>>
        %dma_start3A_397 = arith.constant 0 : i32
        %dma_start3A_398 = tpu.memref_slice %arg7[%squeeze3A_394, %dma_start3A_397] : memref<100000x64xf32, #tpu.memory_space<hbm>> -> memref<1x64xf32, #tpu.memory_space<hbm>>
        %dma_start3A_399 = arith.constant 0 : i32
        %dma_start3A_400 = tpu.memref_slice %arg14[%add3A_372, %dma_start3A_399] : memref<256x64xf32, #tpu.memory_space<vmem>> -> memref<1x64xf32, #tpu.memory_space<vmem>>
        %dma_start3A_401 = arith.constant 0 : i32
        %dma_start3A_402 = tpu.memref_slice %arg7[%squeeze3A_394, %dma_start3A_401] : memref<100000x64xf32, #tpu.memory_space<hbm>> -> memref<1x64xf32, #tpu.memory_space<hbm>>
        tpu.enqueue_dma source(%dma_start3A_402 : memref<1x64xf32, #tpu.memory_space<hbm>>) target(%dma_start3A_400 : memref<1x64xf32, #tpu.memory_space<vmem>>) target_semaphore(%arg18 : memref<!tpu.dma_semaphore, #tpu.memory_space<semaphore_mem>>)
        %mul3A_403 = arith.constant 16 : i32
        %mul3A_404 = arith.muli %scan3A_51, %mul3A_403 : i32
        %add3A_405 = arith.constant 10 : i32
        %add3A_406 = arith.addi %mul3A_404, %add3A_405 : i32
        %slice3A_407 = vector.extract_strided_slice %get3A_55 {offsets = [10], sizes = [1], strides = [1]} : vector<16xi32> to vector<1xi32>
        %squeeze3A_408 = vector.extract %slice3A_407[0] : i32 from vector<1xi32>
        %dma_start3A_409 = arith.constant 0 : i32
        %dma_start3A_410 = tpu.memref_slice %arg12[%add3A_406, %dma_start3A_409] : memref<256x64xf32, #tpu.memory_space<vmem>> -> memref<1x64xf32, #tpu.memory_space<vmem>>
        %dma_start3A_411 = arith.constant 0 : i32
        %dma_start3A_412 = tpu.memref_slice %arg5[%squeeze3A_408, %dma_start3A_411] : memref<100000x64xf32, #tpu.memory_space<hbm>> -> memref<1x64xf32, #tpu.memory_space<hbm>>
        %dma_start3A_413 = arith.constant 0 : i32
        %dma_start3A_414 = tpu.memref_slice %arg12[%add3A_406, %dma_start3A_413] : memref<256x64xf32, #tpu.memory_space<vmem>> -> memref<1x64xf32, #tpu.memory_space<vmem>>
        %dma_start3A_415 = arith.constant 0 : i32
        %dma_start3A_416 = tpu.memref_slice %arg5[%squeeze3A_408, %dma_start3A_415] : memref<100000x64xf32, #tpu.memory_space<hbm>> -> memref<1x64xf32, #tpu.memory_space<hbm>>
        tpu.enqueue_dma source(%dma_start3A_416 : memref<1x64xf32, #tpu.memory_space<hbm>>) target(%dma_start3A_414 : memref<1x64xf32, #tpu.memory_space<vmem>>) target_semaphore(%arg16 : memref<!tpu.dma_semaphore, #tpu.memory_space<semaphore_mem>>)
        %slice3A_417 = vector.extract_strided_slice %get3A_60 {offsets = [10], sizes = [1], strides = [1]} : vector<16xi32> to vector<1xi32>
        %squeeze3A_418 = vector.extract %slice3A_417[0] : i32 from vector<1xi32>
        %dma_start3A_419 = arith.constant 0 : i32
        %dma_start3A_420 = tpu.memref_slice %arg13[%add3A_406, %dma_start3A_419] : memref<256x64xf32, #tpu.memory_space<vmem>> -> memref<1x64xf32, #tpu.memory_space<vmem>>
        %dma_start3A_421 = arith.constant 0 : i32
        %dma_start3A_422 = tpu.memref_slice %arg6[%squeeze3A_418, %dma_start3A_421] : memref<100000x64xf32, #tpu.memory_space<hbm>> -> memref<1x64xf32, #tpu.memory_space<hbm>>
        %dma_start3A_423 = arith.constant 0 : i32
        %dma_start3A_424 = tpu.memref_slice %arg13[%add3A_406, %dma_start3A_423] : memref<256x64xf32, #tpu.memory_space<vmem>> -> memref<1x64xf32, #tpu.memory_space<vmem>>
        %dma_start3A_425 = arith.constant 0 : i32
        %dma_start3A_426 = tpu.memref_slice %arg6[%squeeze3A_418, %dma_start3A_425] : memref<100000x64xf32, #tpu.memory_space<hbm>> -> memref<1x64xf32, #tpu.memory_space<hbm>>
        tpu.enqueue_dma source(%dma_start3A_426 : memref<1x64xf32, #tpu.memory_space<hbm>>) target(%dma_start3A_424 : memref<1x64xf32, #tpu.memory_space<vmem>>) target_semaphore(%arg17 : memref<!tpu.dma_semaphore, #tpu.memory_space<semaphore_mem>>)
        %slice3A_427 = vector.extract_strided_slice %get3A_65 {offsets = [10], sizes = [1], strides = [1]} : vector<16xi32> to vector<1xi32>
        %squeeze3A_428 = vector.extract %slice3A_427[0] : i32 from vector<1xi32>
        %dma_start3A_429 = arith.constant 0 : i32
        %dma_start3A_430 = tpu.memref_slice %arg14[%add3A_406, %dma_start3A_429] : memref<256x64xf32, #tpu.memory_space<vmem>> -> memref<1x64xf32, #tpu.memory_space<vmem>>
        %dma_start3A_431 = arith.constant 0 : i32
        %dma_start3A_432 = tpu.memref_slice %arg7[%squeeze3A_428, %dma_start3A_431] : memref<100000x64xf32, #tpu.memory_space<hbm>> -> memref<1x64xf32, #tpu.memory_space<hbm>>
        %dma_start3A_433 = arith.constant 0 : i32
        %dma_start3A_434 = tpu.memref_slice %arg14[%add3A_406, %dma_start3A_433] : memref<256x64xf32, #tpu.memory_space<vmem>> -> memref<1x64xf32, #tpu.memory_space<vmem>>
        %dma_start3A_435 = arith.constant 0 : i32
        %dma_start3A_436 = tpu.memref_slice %arg7[%squeeze3A_428, %dma_start3A_435] : memref<100000x64xf32, #tpu.memory_space<hbm>> -> memref<1x64xf32, #tpu.memory_space<hbm>>
        tpu.enqueue_dma source(%dma_start3A_436 : memref<1x64xf32, #tpu.memory_space<hbm>>) target(%dma_start3A_434 : memref<1x64xf32, #tpu.memory_space<vmem>>) target_semaphore(%arg18 : memref<!tpu.dma_semaphore, #tpu.memory_space<semaphore_mem>>)
        %mul3A_437 = arith.constant 16 : i32
        %mul3A_438 = arith.muli %scan3A_51, %mul3A_437 : i32
        %add3A_439 = arith.constant 11 : i32
        %add3A_440 = arith.addi %mul3A_438, %add3A_439 : i32
        %slice3A_441 = vector.extract_strided_slice %get3A_55 {offsets = [11], sizes = [1], strides = [1]} : vector<16xi32> to vector<1xi32>
        %squeeze3A_442 = vector.extract %slice3A_441[0] : i32 from vector<1xi32>
        %dma_start3A_443 = arith.constant 0 : i32
        %dma_start3A_444 = tpu.memref_slice %arg12[%add3A_440, %dma_start3A_443] : memref<256x64xf32, #tpu.memory_space<vmem>> -> memref<1x64xf32, #tpu.memory_space<vmem>>
        %dma_start3A_445 = arith.constant 0 : i32
        %dma_start3A_446 = tpu.memref_slice %arg5[%squeeze3A_442, %dma_start3A_445] : memref<100000x64xf32, #tpu.memory_space<hbm>> -> memref<1x64xf32, #tpu.memory_space<hbm>>
        %dma_start3A_447 = arith.constant 0 : i32
        %dma_start3A_448 = tpu.memref_slice %arg12[%add3A_440, %dma_start3A_447] : memref<256x64xf32, #tpu.memory_space<vmem>> -> memref<1x64xf32, #tpu.memory_space<vmem>>
        %dma_start3A_449 = arith.constant 0 : i32
        %dma_start3A_450 = tpu.memref_slice %arg5[%squeeze3A_442, %dma_start3A_449] : memref<100000x64xf32, #tpu.memory_space<hbm>> -> memref<1x64xf32, #tpu.memory_space<hbm>>
        tpu.enqueue_dma source(%dma_start3A_450 : memref<1x64xf32, #tpu.memory_space<hbm>>) target(%dma_start3A_448 : memref<1x64xf32, #tpu.memory_space<vmem>>) target_semaphore(%arg16 : memref<!tpu.dma_semaphore, #tpu.memory_space<semaphore_mem>>)
        %slice3A_451 = vector.extract_strided_slice %get3A_60 {offsets = [11], sizes = [1], strides = [1]} : vector<16xi32> to vector<1xi32>
        %squeeze3A_452 = vector.extract %slice3A_451[0] : i32 from vector<1xi32>
        %dma_start3A_453 = arith.constant 0 : i32
        %dma_start3A_454 = tpu.memref_slice %arg13[%add3A_440, %dma_start3A_453] : memref<256x64xf32, #tpu.memory_space<vmem>> -> memref<1x64xf32, #tpu.memory_space<vmem>>
        %dma_start3A_455 = arith.constant 0 : i32
        %dma_start3A_456 = tpu.memref_slice %arg6[%squeeze3A_452, %dma_start3A_455] : memref<100000x64xf32, #tpu.memory_space<hbm>> -> memref<1x64xf32, #tpu.memory_space<hbm>>
        %dma_start3A_457 = arith.constant 0 : i32
        %dma_start3A_458 = tpu.memref_slice %arg13[%add3A_440, %dma_start3A_457] : memref<256x64xf32, #tpu.memory_space<vmem>> -> memref<1x64xf32, #tpu.memory_space<vmem>>
        %dma_start3A_459 = arith.constant 0 : i32
        %dma_start3A_460 = tpu.memref_slice %arg6[%squeeze3A_452, %dma_start3A_459] : memref<100000x64xf32, #tpu.memory_space<hbm>> -> memref<1x64xf32, #tpu.memory_space<hbm>>
        tpu.enqueue_dma source(%dma_start3A_460 : memref<1x64xf32, #tpu.memory_space<hbm>>) target(%dma_start3A_458 : memref<1x64xf32, #tpu.memory_space<vmem>>) target_semaphore(%arg17 : memref<!tpu.dma_semaphore, #tpu.memory_space<semaphore_mem>>)
        %slice3A_461 = vector.extract_strided_slice %get3A_65 {offsets = [11], sizes = [1], strides = [1]} : vector<16xi32> to vector<1xi32>
        %squeeze3A_462 = vector.extract %slice3A_461[0] : i32 from vector<1xi32>
        %dma_start3A_463 = arith.constant 0 : i32
        %dma_start3A_464 = tpu.memref_slice %arg14[%add3A_440, %dma_start3A_463] : memref<256x64xf32, #tpu.memory_space<vmem>> -> memref<1x64xf32, #tpu.memory_space<vmem>>
        %dma_start3A_465 = arith.constant 0 : i32
        %dma_start3A_466 = tpu.memref_slice %arg7[%squeeze3A_462, %dma_start3A_465] : memref<100000x64xf32, #tpu.memory_space<hbm>> -> memref<1x64xf32, #tpu.memory_space<hbm>>
        %dma_start3A_467 = arith.constant 0 : i32
        %dma_start3A_468 = tpu.memref_slice %arg14[%add3A_440, %dma_start3A_467] : memref<256x64xf32, #tpu.memory_space<vmem>> -> memref<1x64xf32, #tpu.memory_space<vmem>>
        %dma_start3A_469 = arith.constant 0 : i32
        %dma_start3A_470 = tpu.memref_slice %arg7[%squeeze3A_462, %dma_start3A_469] : memref<100000x64xf32, #tpu.memory_space<hbm>> -> memref<1x64xf32, #tpu.memory_space<hbm>>
        tpu.enqueue_dma source(%dma_start3A_470 : memref<1x64xf32, #tpu.memory_space<hbm>>) target(%dma_start3A_468 : memref<1x64xf32, #tpu.memory_space<vmem>>) target_semaphore(%arg18 : memref<!tpu.dma_semaphore, #tpu.memory_space<semaphore_mem>>)
        %mul3A_471 = arith.constant 16 : i32
        %mul3A_472 = arith.muli %scan3A_51, %mul3A_471 : i32
        %add3A_473 = arith.constant 12 : i32
        %add3A_474 = arith.addi %mul3A_472, %add3A_473 : i32
        %slice3A_475 = vector.extract_strided_slice %get3A_55 {offsets = [12], sizes = [1], strides = [1]} : vector<16xi32> to vector<1xi32>
        %squeeze3A_476 = vector.extract %slice3A_475[0] : i32 from vector<1xi32>
        %dma_start3A_477 = arith.constant 0 : i32
        %dma_start3A_478 = tpu.memref_slice %arg12[%add3A_474, %dma_start3A_477] : memref<256x64xf32, #tpu.memory_space<vmem>> -> memref<1x64xf32, #tpu.memory_space<vmem>>
        %dma_start3A_479 = arith.constant 0 : i32
        %dma_start3A_480 = tpu.memref_slice %arg5[%squeeze3A_476, %dma_start3A_479] : memref<100000x64xf32, #tpu.memory_space<hbm>> -> memref<1x64xf32, #tpu.memory_space<hbm>>
        %dma_start3A_481 = arith.constant 0 : i32
        %dma_start3A_482 = tpu.memref_slice %arg12[%add3A_474, %dma_start3A_481] : memref<256x64xf32, #tpu.memory_space<vmem>> -> memref<1x64xf32, #tpu.memory_space<vmem>>
        %dma_start3A_483 = arith.constant 0 : i32
        %dma_start3A_484 = tpu.memref_slice %arg5[%squeeze3A_476, %dma_start3A_483] : memref<100000x64xf32, #tpu.memory_space<hbm>> -> memref<1x64xf32, #tpu.memory_space<hbm>>
        tpu.enqueue_dma source(%dma_start3A_484 : memref<1x64xf32, #tpu.memory_space<hbm>>) target(%dma_start3A_482 : memref<1x64xf32, #tpu.memory_space<vmem>>) target_semaphore(%arg16 : memref<!tpu.dma_semaphore, #tpu.memory_space<semaphore_mem>>)
        %slice3A_485 = vector.extract_strided_slice %get3A_60 {offsets = [12], sizes = [1], strides = [1]} : vector<16xi32> to vector<1xi32>
        %squeeze3A_486 = vector.extract %slice3A_485[0] : i32 from vector<1xi32>
        %dma_start3A_487 = arith.constant 0 : i32
        %dma_start3A_488 = tpu.memref_slice %arg13[%add3A_474, %dma_start3A_487] : memref<256x64xf32, #tpu.memory_space<vmem>> -> memref<1x64xf32, #tpu.memory_space<vmem>>
        %dma_start3A_489 = arith.constant 0 : i32
        %dma_start3A_490 = tpu.memref_slice %arg6[%squeeze3A_486, %dma_start3A_489] : memref<100000x64xf32, #tpu.memory_space<hbm>> -> memref<1x64xf32, #tpu.memory_space<hbm>>
        %dma_start3A_491 = arith.constant 0 : i32
        %dma_start3A_492 = tpu.memref_slice %arg13[%add3A_474, %dma_start3A_491] : memref<256x64xf32, #tpu.memory_space<vmem>> -> memref<1x64xf32, #tpu.memory_space<vmem>>
        %dma_start3A_493 = arith.constant 0 : i32
        %dma_start3A_494 = tpu.memref_slice %arg6[%squeeze3A_486, %dma_start3A_493] : memref<100000x64xf32, #tpu.memory_space<hbm>> -> memref<1x64xf32, #tpu.memory_space<hbm>>
        tpu.enqueue_dma source(%dma_start3A_494 : memref<1x64xf32, #tpu.memory_space<hbm>>) target(%dma_start3A_492 : memref<1x64xf32, #tpu.memory_space<vmem>>) target_semaphore(%arg17 : memref<!tpu.dma_semaphore, #tpu.memory_space<semaphore_mem>>)
        %slice3A_495 = vector.extract_strided_slice %get3A_65 {offsets = [12], sizes = [1], strides = [1]} : vector<16xi32> to vector<1xi32>
        %squeeze3A_496 = vector.extract %slice3A_495[0] : i32 from vector<1xi32>
        %dma_start3A_497 = arith.constant 0 : i32
        %dma_start3A_498 = tpu.memref_slice %arg14[%add3A_474, %dma_start3A_497] : memref<256x64xf32, #tpu.memory_space<vmem>> -> memref<1x64xf32, #tpu.memory_space<vmem>>
        %dma_start3A_499 = arith.constant 0 : i32
        %dma_start3A_500 = tpu.memref_slice %arg7[%squeeze3A_496, %dma_start3A_499] : memref<100000x64xf32, #tpu.memory_space<hbm>> -> memref<1x64xf32, #tpu.memory_space<hbm>>
        %dma_start3A_501 = arith.constant 0 : i32
        %dma_start3A_502 = tpu.memref_slice %arg14[%add3A_474, %dma_start3A_501] : memref<256x64xf32, #tpu.memory_space<vmem>> -> memref<1x64xf32, #tpu.memory_space<vmem>>
        %dma_start3A_503 = arith.constant 0 : i32
        %dma_start3A_504 = tpu.memref_slice %arg7[%squeeze3A_496, %dma_start3A_503] : memref<100000x64xf32, #tpu.memory_space<hbm>> -> memref<1x64xf32, #tpu.memory_space<hbm>>
        tpu.enqueue_dma source(%dma_start3A_504 : memref<1x64xf32, #tpu.memory_space<hbm>>) target(%dma_start3A_502 : memref<1x64xf32, #tpu.memory_space<vmem>>) target_semaphore(%arg18 : memref<!tpu.dma_semaphore, #tpu.memory_space<semaphore_mem>>)
        %mul3A_505 = arith.constant 16 : i32
        %mul3A_506 = arith.muli %scan3A_51, %mul3A_505 : i32
        %add3A_507 = arith.constant 13 : i32
        %add3A_508 = arith.addi %mul3A_506, %add3A_507 : i32
        %slice3A_509 = vector.extract_strided_slice %get3A_55 {offsets = [13], sizes = [1], strides = [1]} : vector<16xi32> to vector<1xi32>
        %squeeze3A_510 = vector.extract %slice3A_509[0] : i32 from vector<1xi32>
        %dma_start3A_511 = arith.constant 0 : i32
        %dma_start3A_512 = tpu.memref_slice %arg12[%add3A_508, %dma_start3A_511] : memref<256x64xf32, #tpu.memory_space<vmem>> -> memref<1x64xf32, #tpu.memory_space<vmem>>
        %dma_start3A_513 = arith.constant 0 : i32
        %dma_start3A_514 = tpu.memref_slice %arg5[%squeeze3A_510, %dma_start3A_513] : memref<100000x64xf32, #tpu.memory_space<hbm>> -> memref<1x64xf32, #tpu.memory_space<hbm>>
        %dma_start3A_515 = arith.constant 0 : i32
        %dma_start3A_516 = tpu.memref_slice %arg12[%add3A_508, %dma_start3A_515] : memref<256x64xf32, #tpu.memory_space<vmem>> -> memref<1x64xf32, #tpu.memory_space<vmem>>
        %dma_start3A_517 = arith.constant 0 : i32
        %dma_start3A_518 = tpu.memref_slice %arg5[%squeeze3A_510, %dma_start3A_517] : memref<100000x64xf32, #tpu.memory_space<hbm>> -> memref<1x64xf32, #tpu.memory_space<hbm>>
        tpu.enqueue_dma source(%dma_start3A_518 : memref<1x64xf32, #tpu.memory_space<hbm>>) target(%dma_start3A_516 : memref<1x64xf32, #tpu.memory_space<vmem>>) target_semaphore(%arg16 : memref<!tpu.dma_semaphore, #tpu.memory_space<semaphore_mem>>)
        %slice3A_519 = vector.extract_strided_slice %get3A_60 {offsets = [13], sizes = [1], strides = [1]} : vector<16xi32> to vector<1xi32>
        %squeeze3A_520 = vector.extract %slice3A_519[0] : i32 from vector<1xi32>
        %dma_start3A_521 = arith.constant 0 : i32
        %dma_start3A_522 = tpu.memref_slice %arg13[%add3A_508, %dma_start3A_521] : memref<256x64xf32, #tpu.memory_space<vmem>> -> memref<1x64xf32, #tpu.memory_space<vmem>>
        %dma_start3A_523 = arith.constant 0 : i32
        %dma_start3A_524 = tpu.memref_slice %arg6[%squeeze3A_520, %dma_start3A_523] : memref<100000x64xf32, #tpu.memory_space<hbm>> -> memref<1x64xf32, #tpu.memory_space<hbm>>
        %dma_start3A_525 = arith.constant 0 : i32
        %dma_start3A_526 = tpu.memref_slice %arg13[%add3A_508, %dma_start3A_525] : memref<256x64xf32, #tpu.memory_space<vmem>> -> memref<1x64xf32, #tpu.memory_space<vmem>>
        %dma_start3A_527 = arith.constant 0 : i32
        %dma_start3A_528 = tpu.memref_slice %arg6[%squeeze3A_520, %dma_start3A_527] : memref<100000x64xf32, #tpu.memory_space<hbm>> -> memref<1x64xf32, #tpu.memory_space<hbm>>
        tpu.enqueue_dma source(%dma_start3A_528 : memref<1x64xf32, #tpu.memory_space<hbm>>) target(%dma_start3A_526 : memref<1x64xf32, #tpu.memory_space<vmem>>) target_semaphore(%arg17 : memref<!tpu.dma_semaphore, #tpu.memory_space<semaphore_mem>>)
        %slice3A_529 = vector.extract_strided_slice %get3A_65 {offsets = [13], sizes = [1], strides = [1]} : vector<16xi32> to vector<1xi32>
        %squeeze3A_530 = vector.extract %slice3A_529[0] : i32 from vector<1xi32>
        %dma_start3A_531 = arith.constant 0 : i32
        %dma_start3A_532 = tpu.memref_slice %arg14[%add3A_508, %dma_start3A_531] : memref<256x64xf32, #tpu.memory_space<vmem>> -> memref<1x64xf32, #tpu.memory_space<vmem>>
        %dma_start3A_533 = arith.constant 0 : i32
        %dma_start3A_534 = tpu.memref_slice %arg7[%squeeze3A_530, %dma_start3A_533] : memref<100000x64xf32, #tpu.memory_space<hbm>> -> memref<1x64xf32, #tpu.memory_space<hbm>>
        %dma_start3A_535 = arith.constant 0 : i32
        %dma_start3A_536 = tpu.memref_slice %arg14[%add3A_508, %dma_start3A_535] : memref<256x64xf32, #tpu.memory_space<vmem>> -> memref<1x64xf32, #tpu.memory_space<vmem>>
        %dma_start3A_537 = arith.constant 0 : i32
        %dma_start3A_538 = tpu.memref_slice %arg7[%squeeze3A_530, %dma_start3A_537] : memref<100000x64xf32, #tpu.memory_space<hbm>> -> memref<1x64xf32, #tpu.memory_space<hbm>>
        tpu.enqueue_dma source(%dma_start3A_538 : memref<1x64xf32, #tpu.memory_space<hbm>>) target(%dma_start3A_536 : memref<1x64xf32, #tpu.memory_space<vmem>>) target_semaphore(%arg18 : memref<!tpu.dma_semaphore, #tpu.memory_space<semaphore_mem>>)
        %mul3A_539 = arith.constant 16 : i32
        %mul3A_540 = arith.muli %scan3A_51, %mul3A_539 : i32
        %add3A_541 = arith.constant 14 : i32
        %add3A_542 = arith.addi %mul3A_540, %add3A_541 : i32
        %slice3A_543 = vector.extract_strided_slice %get3A_55 {offsets = [14], sizes = [1], strides = [1]} : vector<16xi32> to vector<1xi32>
        %squeeze3A_544 = vector.extract %slice3A_543[0] : i32 from vector<1xi32>
        %dma_start3A_545 = arith.constant 0 : i32
        %dma_start3A_546 = tpu.memref_slice %arg12[%add3A_542, %dma_start3A_545] : memref<256x64xf32, #tpu.memory_space<vmem>> -> memref<1x64xf32, #tpu.memory_space<vmem>>
        %dma_start3A_547 = arith.constant 0 : i32
        %dma_start3A_548 = tpu.memref_slice %arg5[%squeeze3A_544, %dma_start3A_547] : memref<100000x64xf32, #tpu.memory_space<hbm>> -> memref<1x64xf32, #tpu.memory_space<hbm>>
        %dma_start3A_549 = arith.constant 0 : i32
        %dma_start3A_550 = tpu.memref_slice %arg12[%add3A_542, %dma_start3A_549] : memref<256x64xf32, #tpu.memory_space<vmem>> -> memref<1x64xf32, #tpu.memory_space<vmem>>
        %dma_start3A_551 = arith.constant 0 : i32
        %dma_start3A_552 = tpu.memref_slice %arg5[%squeeze3A_544, %dma_start3A_551] : memref<100000x64xf32, #tpu.memory_space<hbm>> -> memref<1x64xf32, #tpu.memory_space<hbm>>
        tpu.enqueue_dma source(%dma_start3A_552 : memref<1x64xf32, #tpu.memory_space<hbm>>) target(%dma_start3A_550 : memref<1x64xf32, #tpu.memory_space<vmem>>) target_semaphore(%arg16 : memref<!tpu.dma_semaphore, #tpu.memory_space<semaphore_mem>>)
        %slice3A_553 = vector.extract_strided_slice %get3A_60 {offsets = [14], sizes = [1], strides = [1]} : vector<16xi32> to vector<1xi32>
        %squeeze3A_554 = vector.extract %slice3A_553[0] : i32 from vector<1xi32>
        %dma_start3A_555 = arith.constant 0 : i32
        %dma_start3A_556 = tpu.memref_slice %arg13[%add3A_542, %dma_start3A_555] : memref<256x64xf32, #tpu.memory_space<vmem>> -> memref<1x64xf32, #tpu.memory_space<vmem>>
        %dma_start3A_557 = arith.constant 0 : i32
        %dma_start3A_558 = tpu.memref_slice %arg6[%squeeze3A_554, %dma_start3A_557] : memref<100000x64xf32, #tpu.memory_space<hbm>> -> memref<1x64xf32, #tpu.memory_space<hbm>>
        %dma_start3A_559 = arith.constant 0 : i32
        %dma_start3A_560 = tpu.memref_slice %arg13[%add3A_542, %dma_start3A_559] : memref<256x64xf32, #tpu.memory_space<vmem>> -> memref<1x64xf32, #tpu.memory_space<vmem>>
        %dma_start3A_561 = arith.constant 0 : i32
        %dma_start3A_562 = tpu.memref_slice %arg6[%squeeze3A_554, %dma_start3A_561] : memref<100000x64xf32, #tpu.memory_space<hbm>> -> memref<1x64xf32, #tpu.memory_space<hbm>>
        tpu.enqueue_dma source(%dma_start3A_562 : memref<1x64xf32, #tpu.memory_space<hbm>>) target(%dma_start3A_560 : memref<1x64xf32, #tpu.memory_space<vmem>>) target_semaphore(%arg17 : memref<!tpu.dma_semaphore, #tpu.memory_space<semaphore_mem>>)
        %slice3A_563 = vector.extract_strided_slice %get3A_65 {offsets = [14], sizes = [1], strides = [1]} : vector<16xi32> to vector<1xi32>
        %squeeze3A_564 = vector.extract %slice3A_563[0] : i32 from vector<1xi32>
        %dma_start3A_565 = arith.constant 0 : i32
        %dma_start3A_566 = tpu.memref_slice %arg14[%add3A_542, %dma_start3A_565] : memref<256x64xf32, #tpu.memory_space<vmem>> -> memref<1x64xf32, #tpu.memory_space<vmem>>
        %dma_start3A_567 = arith.constant 0 : i32
        %dma_start3A_568 = tpu.memref_slice %arg7[%squeeze3A_564, %dma_start3A_567] : memref<100000x64xf32, #tpu.memory_space<hbm>> -> memref<1x64xf32, #tpu.memory_space<hbm>>
        %dma_start3A_569 = arith.constant 0 : i32
        %dma_start3A_570 = tpu.memref_slice %arg14[%add3A_542, %dma_start3A_569] : memref<256x64xf32, #tpu.memory_space<vmem>> -> memref<1x64xf32, #tpu.memory_space<vmem>>
        %dma_start3A_571 = arith.constant 0 : i32
        %dma_start3A_572 = tpu.memref_slice %arg7[%squeeze3A_564, %dma_start3A_571] : memref<100000x64xf32, #tpu.memory_space<hbm>> -> memref<1x64xf32, #tpu.memory_space<hbm>>
        tpu.enqueue_dma source(%dma_start3A_572 : memref<1x64xf32, #tpu.memory_space<hbm>>) target(%dma_start3A_570 : memref<1x64xf32, #tpu.memory_space<vmem>>) target_semaphore(%arg18 : memref<!tpu.dma_semaphore, #tpu.memory_space<semaphore_mem>>)
        %mul3A_573 = arith.constant 16 : i32
        %mul3A_574 = arith.muli %scan3A_51, %mul3A_573 : i32
        %add3A_575 = arith.constant 15 : i32
        %add3A_576 = arith.addi %mul3A_574, %add3A_575 : i32
        %slice3A_577 = vector.extract_strided_slice %get3A_55 {offsets = [15], sizes = [1], strides = [1]} : vector<16xi32> to vector<1xi32>
        %squeeze3A_578 = vector.extract %slice3A_577[0] : i32 from vector<1xi32>
        %dma_start3A_579 = arith.constant 0 : i32
        %dma_start3A_580 = tpu.memref_slice %arg12[%add3A_576, %dma_start3A_579] : memref<256x64xf32, #tpu.memory_space<vmem>> -> memref<1x64xf32, #tpu.memory_space<vmem>>
        %dma_start3A_581 = arith.constant 0 : i32
        %dma_start3A_582 = tpu.memref_slice %arg5[%squeeze3A_578, %dma_start3A_581] : memref<100000x64xf32, #tpu.memory_space<hbm>> -> memref<1x64xf32, #tpu.memory_space<hbm>>
        %dma_start3A_583 = arith.constant 0 : i32
        %dma_start3A_584 = tpu.memref_slice %arg12[%add3A_576, %dma_start3A_583] : memref<256x64xf32, #tpu.memory_space<vmem>> -> memref<1x64xf32, #tpu.memory_space<vmem>>
        %dma_start3A_585 = arith.constant 0 : i32
        %dma_start3A_586 = tpu.memref_slice %arg5[%squeeze3A_578, %dma_start3A_585] : memref<100000x64xf32, #tpu.memory_space<hbm>> -> memref<1x64xf32, #tpu.memory_space<hbm>>
        tpu.enqueue_dma source(%dma_start3A_586 : memref<1x64xf32, #tpu.memory_space<hbm>>) target(%dma_start3A_584 : memref<1x64xf32, #tpu.memory_space<vmem>>) target_semaphore(%arg16 : memref<!tpu.dma_semaphore, #tpu.memory_space<semaphore_mem>>)
        %slice3A_587 = vector.extract_strided_slice %get3A_60 {offsets = [15], sizes = [1], strides = [1]} : vector<16xi32> to vector<1xi32>
        %squeeze3A_588 = vector.extract %slice3A_587[0] : i32 from vector<1xi32>
        %dma_start3A_589 = arith.constant 0 : i32
        %dma_start3A_590 = tpu.memref_slice %arg13[%add3A_576, %dma_start3A_589] : memref<256x64xf32, #tpu.memory_space<vmem>> -> memref<1x64xf32, #tpu.memory_space<vmem>>
        %dma_start3A_591 = arith.constant 0 : i32
        %dma_start3A_592 = tpu.memref_slice %arg6[%squeeze3A_588, %dma_start3A_591] : memref<100000x64xf32, #tpu.memory_space<hbm>> -> memref<1x64xf32, #tpu.memory_space<hbm>>
        %dma_start3A_593 = arith.constant 0 : i32
        %dma_start3A_594 = tpu.memref_slice %arg13[%add3A_576, %dma_start3A_593] : memref<256x64xf32, #tpu.memory_space<vmem>> -> memref<1x64xf32, #tpu.memory_space<vmem>>
        %dma_start3A_595 = arith.constant 0 : i32
        %dma_start3A_596 = tpu.memref_slice %arg6[%squeeze3A_588, %dma_start3A_595] : memref<100000x64xf32, #tpu.memory_space<hbm>> -> memref<1x64xf32, #tpu.memory_space<hbm>>
        tpu.enqueue_dma source(%dma_start3A_596 : memref<1x64xf32, #tpu.memory_space<hbm>>) target(%dma_start3A_594 : memref<1x64xf32, #tpu.memory_space<vmem>>) target_semaphore(%arg17 : memref<!tpu.dma_semaphore, #tpu.memory_space<semaphore_mem>>)
        %slice3A_597 = vector.extract_strided_slice %get3A_65 {offsets = [15], sizes = [1], strides = [1]} : vector<16xi32> to vector<1xi32>
        %squeeze3A_598 = vector.extract %slice3A_597[0] : i32 from vector<1xi32>
        %dma_start3A_599 = arith.constant 0 : i32
        %dma_start3A_600 = tpu.memref_slice %arg14[%add3A_576, %dma_start3A_599] : memref<256x64xf32, #tpu.memory_space<vmem>> -> memref<1x64xf32, #tpu.memory_space<vmem>>
        %dma_start3A_601 = arith.constant 0 : i32
        %dma_start3A_602 = tpu.memref_slice %arg7[%squeeze3A_598, %dma_start3A_601] : memref<100000x64xf32, #tpu.memory_space<hbm>> -> memref<1x64xf32, #tpu.memory_space<hbm>>
        %dma_start3A_603 = arith.constant 0 : i32
        %dma_start3A_604 = tpu.memref_slice %arg14[%add3A_576, %dma_start3A_603] : memref<256x64xf32, #tpu.memory_space<vmem>> -> memref<1x64xf32, #tpu.memory_space<vmem>>
        %dma_start3A_605 = arith.constant 0 : i32
        %dma_start3A_606 = tpu.memref_slice %arg7[%squeeze3A_598, %dma_start3A_605] : memref<100000x64xf32, #tpu.memory_space<hbm>> -> memref<1x64xf32, #tpu.memory_space<hbm>>
        tpu.enqueue_dma source(%dma_start3A_606 : memref<1x64xf32, #tpu.memory_space<hbm>>) target(%dma_start3A_604 : memref<1x64xf32, #tpu.memory_space<vmem>>) target_semaphore(%arg18 : memref<!tpu.dma_semaphore, #tpu.memory_space<semaphore_mem>>)
      }
      %scan3A_27 = arith.constant 16 : i32
      %dma_wait3A = arith.constant 0 : i32
      %dma_wait3A_28 = arith.constant 0 : i32
      %dma_wait3A_29 = tpu.memref_slice %arg5[%dma_wait3A, %dma_wait3A_28] : memref<100000x64xf32, #tpu.memory_space<hbm>> -> memref<256x64xf32, #tpu.memory_space<hbm>>
      %dma_wait3A_30 = arith.constant 0 : i32
      %dma_wait3A_31 = arith.constant 0 : i32
      %dma_wait3A_32 = tpu.memref_slice %arg5[%dma_wait3A_30, %dma_wait3A_31] : memref<100000x64xf32, #tpu.memory_space<hbm>> -> memref<256x64xf32, #tpu.memory_space<hbm>>
      tpu.wait_dma2 semaphore(%arg16 : memref<!tpu.dma_semaphore, #tpu.memory_space<semaphore_mem>>) src(%dma_wait3A_32 : memref<256x64xf32, #tpu.memory_space<hbm>>) dst(%arg12 : memref<256x64xf32, #tpu.memory_space<vmem>>)
      %dma_wait3A_33 = arith.constant 0 : i32
      %dma_wait3A_34 = arith.constant 0 : i32
      %dma_wait3A_35 = tpu.memref_slice %arg6[%dma_wait3A_33, %dma_wait3A_34] : memref<100000x64xf32, #tpu.memory_space<hbm>> -> memref<256x64xf32, #tpu.memory_space<hbm>>
      %dma_wait3A_36 = arith.constant 0 : i32
      %dma_wait3A_37 = arith.constant 0 : i32
      %dma_wait3A_38 = tpu.memref_slice %arg6[%dma_wait3A_36, %dma_wait3A_37] : memref<100000x64xf32, #tpu.memory_space<hbm>> -> memref<256x64xf32, #tpu.memory_space<hbm>>
      tpu.wait_dma2 semaphore(%arg17 : memref<!tpu.dma_semaphore, #tpu.memory_space<semaphore_mem>>) src(%dma_wait3A_38 : memref<256x64xf32, #tpu.memory_space<hbm>>) dst(%arg13 : memref<256x64xf32, #tpu.memory_space<vmem>>)
      %dma_wait3A_39 = arith.constant 0 : i32
      %dma_wait3A_40 = arith.constant 0 : i32
      %dma_wait3A_41 = tpu.memref_slice %arg7[%dma_wait3A_39, %dma_wait3A_40] : memref<100000x64xf32, #tpu.memory_space<hbm>> -> memref<256x64xf32, #tpu.memory_space<hbm>>
      %dma_wait3A_42 = arith.constant 0 : i32
      %dma_wait3A_43 = arith.constant 0 : i32
      %dma_wait3A_44 = tpu.memref_slice %arg7[%dma_wait3A_42, %dma_wait3A_43] : memref<100000x64xf32, #tpu.memory_space<hbm>> -> memref<256x64xf32, #tpu.memory_space<hbm>>
      tpu.wait_dma2 semaphore(%arg18 : memref<!tpu.dma_semaphore, #tpu.memory_space<semaphore_mem>>) src(%dma_wait3A_44 : memref<256x64xf32, #tpu.memory_space<hbm>>) dst(%arg14 : memref<256x64xf32, #tpu.memory_space<vmem>>)
      %scan3A_45 = arith.constant 0 : i32
      %scan3A_46 = arith.constant 0 : i32
      %scan3A_47 = arith.constant 16 : i32
      %scan3A_48 = arith.addi %scan3A_46, %scan3A_47 : i32
      %scan3A_49 = arith.constant 1 : i32
      scf.for %scan3A_51 = %scan3A_46 to %scan3A_48 step %scan3A_49  : i32 {
        %broadcast_in_dim3A = arith.constant 0.000000e+00 : f32
        %broadcast_in_dim3A_52 = vector.broadcast %broadcast_in_dim3A : f32 to vector<16xf32>
        %mul3A_53 = arith.constant 16 : i32
        %mul3A_54 = arith.muli %scan3A_51, %mul3A_53 : i32
        %add3A_55 = arith.constant 0 : i32
        %add3A_56 = arith.addi %mul3A_54, %add3A_55 : i32
        %get3A = arith.index_cast %add3A_56 : i32 to index
        %get3A_57 = arith.constant 0 : index
        %get3A_58 = tpu.vector_load %arg12[%get3A, %get3A_57] {strides = array<i32>} : memref<256x64xf32, #tpu.memory_space<vmem>>, vector<16xf32>,
        %get3A_59 = arith.index_cast %add3A_56 : i32 to index
        %get3A_60 = arith.constant 0 : index
        %get3A_61 = tpu.vector_load %arg13[%get3A_59, %get3A_60] {strides = array<i32>} : memref<256x64xf32, #tpu.memory_space<vmem>>, vector<16xf32>,
        %mul3A_62 = arith.mulf %get3A_58, %get3A_61 : vector<16xf32>
        %get3A_63 = arith.index_cast %add3A_56 : i32 to index
        %get3A_64 = arith.constant 0 : index
        %get3A_65 = tpu.vector_load %arg14[%get3A_63, %get3A_64] {strides = array<i32>} : memref<256x64xf32, #tpu.memory_space<vmem>>, vector<16xf32>,
        %mul3A_66 = arith.mulf %mul3A_62, %get3A_65 : vector<16xf32>
        %get3A_67 = arith.index_cast %add3A_56 : i32 to index
        %get3A_68 = arith.constant 16 : index
        %get3A_69 = tpu.vector_load %arg12[%get3A_67, %get3A_68] {strides = array<i32>} : memref<256x64xf32, #tpu.memory_space<vmem>>, vector<16xf32>,
        %get3A_70 = arith.index_cast %add3A_56 : i32 to index
        %get3A_71 = arith.constant 16 : index
        %get3A_72 = tpu.vector_load %arg13[%get3A_70, %get3A_71] {strides = array<i32>} : memref<256x64xf32, #tpu.memory_space<vmem>>, vector<16xf32>,
        %mul3A_73 = arith.mulf %get3A_69, %get3A_72 : vector<16xf32>
        %get3A_74 = arith.index_cast %add3A_56 : i32 to index
        %get3A_75 = arith.constant 16 : index
        %get3A_76 = tpu.vector_load %arg14[%get3A_74, %get3A_75] {strides = array<i32>} : memref<256x64xf32, #tpu.memory_space<vmem>>, vector<16xf32>,
        %mul3A_77 = arith.mulf %mul3A_73, %get3A_76 : vector<16xf32>
        %add3A_78 = arith.addf %mul3A_66, %mul3A_77 : vector<16xf32>
        %get3A_79 = arith.index_cast %add3A_56 : i32 to index
        %get3A_80 = arith.constant 32 : index
        %get3A_81 = tpu.vector_load %arg12[%get3A_79, %get3A_80] {strides = array<i32>} : memref<256x64xf32, #tpu.memory_space<vmem>>, vector<16xf32>,
        %get3A_82 = arith.index_cast %add3A_56 : i32 to index
        %get3A_83 = arith.constant 32 : index
        %get3A_84 = tpu.vector_load %arg13[%get3A_82, %get3A_83] {strides = array<i32>} : memref<256x64xf32, #tpu.memory_space<vmem>>, vector<16xf32>,
        %mul3A_85 = arith.mulf %get3A_81, %get3A_84 : vector<16xf32>
        %get3A_86 = arith.index_cast %add3A_56 : i32 to index
        %get3A_87 = arith.constant 32 : index
        %get3A_88 = tpu.vector_load %arg14[%get3A_86, %get3A_87] {strides = array<i32>} : memref<256x64xf32, #tpu.memory_space<vmem>>, vector<16xf32>,
        %mul3A_89 = arith.mulf %mul3A_85, %get3A_88 : vector<16xf32>
        %add3A_90 = arith.addf %add3A_78, %mul3A_89 : vector<16xf32>
        %get3A_91 = arith.index_cast %add3A_56 : i32 to index
        %get3A_92 = arith.constant 48 : index
        %get3A_93 = tpu.vector_load %arg12[%get3A_91, %get3A_92] {strides = array<i32>} : memref<256x64xf32, #tpu.memory_space<vmem>>, vector<16xf32>,
        %get3A_94 = arith.index_cast %add3A_56 : i32 to index
        %get3A_95 = arith.constant 48 : index
        %get3A_96 = tpu.vector_load %arg13[%get3A_94, %get3A_95] {strides = array<i32>} : memref<256x64xf32, #tpu.memory_space<vmem>>, vector<16xf32>,
        %mul3A_97 = arith.mulf %get3A_93, %get3A_96 : vector<16xf32>
        %get3A_98 = arith.index_cast %add3A_56 : i32 to index
        %get3A_99 = arith.constant 48 : index
        %get3A_100 = tpu.vector_load %arg14[%get3A_98, %get3A_99] {strides = array<i32>} : memref<256x64xf32, #tpu.memory_space<vmem>>, vector<16xf32>,
        %mul3A_101 = arith.mulf %mul3A_97, %get3A_100 : vector<16xf32>
        %add3A_102 = arith.addf %add3A_90, %mul3A_101 : vector<16xf32>
        %lt3A = arith.constant 0 : i32
        %lt3A_103 = vector.broadcast %lt3A : i32 to vector<16xi32>
        %lt3A_104 = arith.cmpi slt, %xor3A_4, %lt3A_103 : vector<16xi32>
        %add3A_105 = arith.constant 16 : i32
        %add3A_106 = vector.broadcast %add3A_105 : i32 to vector<16xi32>
        %add3A_107 = arith.addi %xor3A_4, %add3A_106 : vector<16xi32>
        %select_n3A = arith.select %lt3A_104, %add3A_107, %xor3A_4 : vector<16xi1>, vector<16xi32>
        %reshape3A = vector.shape_cast %select_n3A : vector<16xi32> to vector<16x1xi32>
        %gather3A = vector.shape_cast %reshape3A : vector<16x1xi32> to vector<16xi32>
        %gather3A_108 = tpu.dynamic_gather %add3A_102[%gather3A] in [0] : vector<16xf32>, vector<16xi32> -> vector<16xf32>
        %add3A_109 = arith.addf %add3A_102, %gather3A_108 : vector<16xf32>
        %lt3A_110 = arith.constant 0 : i32
        %lt3A_111 = vector.broadcast %lt3A_110 : i32 to vector<16xi32>
        %lt3A_112 = arith.cmpi slt, %xor3A_7, %lt3A_111 : vector<16xi32>
        %add3A_113 = arith.constant 16 : i32
        %add3A_114 = vector.broadcast %add3A_113 : i32 to vector<16xi32>
        %add3A_115 = arith.addi %xor3A_7, %add3A_114 : vector<16xi32>
        %select_n3A_116 = arith.select %lt3A_112, %add3A_115, %xor3A_7 : vector<16xi1>, vector<16xi32>
        %reshape3A_117 = vector.shape_cast %select_n3A_116 : vector<16xi32> to vector<16x1xi32>
        %gather3A_118 = vector.shape_cast %reshape3A_117 : vector<16x1xi32> to vector<16xi32>
        %gather3A_119 = tpu.dynamic_gather %add3A_109[%gather3A_118] in [0] : vector<16xf32>, vector<16xi32> -> vector<16xf32>
        %add3A_120 = arith.addf %add3A_109, %gather3A_119 : vector<16xf32>
        %lt3A_121 = arith.constant 0 : i32
        %lt3A_122 = vector.broadcast %lt3A_121 : i32 to vector<16xi32>
        %lt3A_123 = arith.cmpi slt, %xor3A_10, %lt3A_122 : vector<16xi32>
        %add3A_124 = arith.constant 16 : i32
        %add3A_125 = vector.broadcast %add3A_124 : i32 to vector<16xi32>
        %add3A_126 = arith.addi %xor3A_10, %add3A_125 : vector<16xi32>
        %select_n3A_127 = arith.select %lt3A_123, %add3A_126, %xor3A_10 : vector<16xi1>, vector<16xi32>
        %reshape3A_128 = vector.shape_cast %select_n3A_127 : vector<16xi32> to vector<16x1xi32>
        %gather3A_129 = vector.shape_cast %reshape3A_128 : vector<16x1xi32> to vector<16xi32>
        %gather3A_130 = tpu.dynamic_gather %add3A_120[%gather3A_129] in [0] : vector<16xf32>, vector<16xi32> -> vector<16xf32>
        %add3A_131 = arith.addf %add3A_120, %gather3A_130 : vector<16xf32>
        %lt3A_132 = arith.constant 0 : i32
        %lt3A_133 = vector.broadcast %lt3A_132 : i32 to vector<16xi32>
        %lt3A_134 = arith.cmpi slt, %xor3A_13, %lt3A_133 : vector<16xi32>
        %add3A_135 = arith.constant 16 : i32
        %add3A_136 = vector.broadcast %add3A_135 : i32 to vector<16xi32>
        %add3A_137 = arith.addi %xor3A_13, %add3A_136 : vector<16xi32>
        %select_n3A_138 = arith.select %lt3A_134, %add3A_137, %xor3A_13 : vector<16xi1>, vector<16xi32>
        %reshape3A_139 = vector.shape_cast %select_n3A_138 : vector<16xi32> to vector<16x1xi32>
        %gather3A_140 = vector.shape_cast %reshape3A_139 : vector<16x1xi32> to vector<16xi32>
        %gather3A_141 = tpu.dynamic_gather %add3A_131[%gather3A_140] in [0] : vector<16xf32>, vector<16xi32> -> vector<16xf32>
        %add3A_142 = arith.addf %add3A_131, %gather3A_141 : vector<16xf32>
        %eq3A = arith.constant 0 : i32
        %eq3A_143 = vector.broadcast %eq3A : i32 to vector<16xi32>
        %eq3A_144 = arith.cmpi eq, %iota3A, %eq3A_143 : vector<16xi32>
        %select_n3A_145 = arith.select %eq3A_144, %add3A_142, %broadcast_in_dim3A_52 : vector<16xi1>, vector<16xf32>
        %mul3A_146 = arith.constant 16 : i32
        %mul3A_147 = arith.muli %scan3A_51, %mul3A_146 : i32
        %add3A_148 = arith.constant 1 : i32
        %add3A_149 = arith.addi %mul3A_147, %add3A_148 : i32
        %get3A_150 = arith.index_cast %add3A_149 : i32 to index
        %get3A_151 = arith.constant 0 : index
        %get3A_152 = tpu.vector_load %arg12[%get3A_150, %get3A_151] {strides = array<i32>} : memref<256x64xf32, #tpu.memory_space<vmem>>, vector<16xf32>,
        %get3A_153 = arith.index_cast %add3A_149 : i32 to index
        %get3A_154 = arith.constant 0 : index
        %get3A_155 = tpu.vector_load %arg13[%get3A_153, %get3A_154] {strides = array<i32>} : memref<256x64xf32, #tpu.memory_space<vmem>>, vector<16xf32>,
        %mul3A_156 = arith.mulf %get3A_152, %get3A_155 : vector<16xf32>
        %get3A_157 = arith.index_cast %add3A_149 : i32 to index
        %get3A_158 = arith.constant 0 : index
        %get3A_159 = tpu.vector_load %arg14[%get3A_157, %get3A_158] {strides = array<i32>} : memref<256x64xf32, #tpu.memory_space<vmem>>, vector<16xf32>,
        %mul3A_160 = arith.mulf %mul3A_156, %get3A_159 : vector<16xf32>
        %get3A_161 = arith.index_cast %add3A_149 : i32 to index
        %get3A_162 = arith.constant 16 : index
        %get3A_163 = tpu.vector_load %arg12[%get3A_161, %get3A_162] {strides = array<i32>} : memref<256x64xf32, #tpu.memory_space<vmem>>, vector<16xf32>,
        %get3A_164 = arith.index_cast %add3A_149 : i32 to index
        %get3A_165 = arith.constant 16 : index
        %get3A_166 = tpu.vector_load %arg13[%get3A_164, %get3A_165] {strides = array<i32>} : memref<256x64xf32, #tpu.memory_space<vmem>>, vector<16xf32>,
        %mul3A_167 = arith.mulf %get3A_163, %get3A_166 : vector<16xf32>
        %get3A_168 = arith.index_cast %add3A_149 : i32 to index
        %get3A_169 = arith.constant 16 : index
        %get3A_170 = tpu.vector_load %arg14[%get3A_168, %get3A_169] {strides = array<i32>} : memref<256x64xf32, #tpu.memory_space<vmem>>, vector<16xf32>,
        %mul3A_171 = arith.mulf %mul3A_167, %get3A_170 : vector<16xf32>
        %add3A_172 = arith.addf %mul3A_160, %mul3A_171 : vector<16xf32>
        %get3A_173 = arith.index_cast %add3A_149 : i32 to index
        %get3A_174 = arith.constant 32 : index
        %get3A_175 = tpu.vector_load %arg12[%get3A_173, %get3A_174] {strides = array<i32>} : memref<256x64xf32, #tpu.memory_space<vmem>>, vector<16xf32>,
        %get3A_176 = arith.index_cast %add3A_149 : i32 to index
        %get3A_177 = arith.constant 32 : index
        %get3A_178 = tpu.vector_load %arg13[%get3A_176, %get3A_177] {strides = array<i32>} : memref<256x64xf32, #tpu.memory_space<vmem>>, vector<16xf32>,
        %mul3A_179 = arith.mulf %get3A_175, %get3A_178 : vector<16xf32>
        %get3A_180 = arith.index_cast %add3A_149 : i32 to index
        %get3A_181 = arith.constant 32 : index
        %get3A_182 = tpu.vector_load %arg14[%get3A_180, %get3A_181] {strides = array<i32>} : memref<256x64xf32, #tpu.memory_space<vmem>>, vector<16xf32>,
        %mul3A_183 = arith.mulf %mul3A_179, %get3A_182 : vector<16xf32>
        %add3A_184 = arith.addf %add3A_172, %mul3A_183 : vector<16xf32>
        %get3A_185 = arith.index_cast %add3A_149 : i32 to index
        %get3A_186 = arith.constant 48 : index
        %get3A_187 = tpu.vector_load %arg12[%get3A_185, %get3A_186] {strides = array<i32>} : memref<256x64xf32, #tpu.memory_space<vmem>>, vector<16xf32>,
        %get3A_188 = arith.index_cast %add3A_149 : i32 to index
        %get3A_189 = arith.constant 48 : index
        %get3A_190 = tpu.vector_load %arg13[%get3A_188, %get3A_189] {strides = array<i32>} : memref<256x64xf32, #tpu.memory_space<vmem>>, vector<16xf32>,
        %mul3A_191 = arith.mulf %get3A_187, %get3A_190 : vector<16xf32>
        %get3A_192 = arith.index_cast %add3A_149 : i32 to index
        %get3A_193 = arith.constant 48 : index
        %get3A_194 = tpu.vector_load %arg14[%get3A_192, %get3A_193] {strides = array<i32>} : memref<256x64xf32, #tpu.memory_space<vmem>>, vector<16xf32>,
        %mul3A_195 = arith.mulf %mul3A_191, %get3A_194 : vector<16xf32>
        %add3A_196 = arith.addf %add3A_184, %mul3A_195 : vector<16xf32>
        %lt3A_197 = arith.constant 0 : i32
        %lt3A_198 = vector.broadcast %lt3A_197 : i32 to vector<16xi32>
        %lt3A_199 = arith.cmpi slt, %xor3A_4, %lt3A_198 : vector<16xi32>
        %add3A_200 = arith.constant 16 : i32
        %add3A_201 = vector.broadcast %add3A_200 : i32 to vector<16xi32>
        %add3A_202 = arith.addi %xor3A_4, %add3A_201 : vector<16xi32>
        %select_n3A_203 = arith.select %lt3A_199, %add3A_202, %xor3A_4 : vector<16xi1>, vector<16xi32>
        %reshape3A_204 = vector.shape_cast %select_n3A_203 : vector<16xi32> to vector<16x1xi32>
        %gather3A_205 = vector.shape_cast %reshape3A_204 : vector<16x1xi32> to vector<16xi32>
        %gather3A_206 = tpu.dynamic_gather %add3A_196[%gather3A_205] in [0] : vector<16xf32>, vector<16xi32> -> vector<16xf32>
        %add3A_207 = arith.addf %add3A_196, %gather3A_206 : vector<16xf32>
        %lt3A_208 = arith.constant 0 : i32
        %lt3A_209 = vector.broadcast %lt3A_208 : i32 to vector<16xi32>
        %lt3A_210 = arith.cmpi slt, %xor3A_7, %lt3A_209 : vector<16xi32>
        %add3A_211 = arith.constant 16 : i32
        %add3A_212 = vector.broadcast %add3A_211 : i32 to vector<16xi32>
        %add3A_213 = arith.addi %xor3A_7, %add3A_212 : vector<16xi32>
        %select_n3A_214 = arith.select %lt3A_210, %add3A_213, %xor3A_7 : vector<16xi1>, vector<16xi32>
        %reshape3A_215 = vector.shape_cast %select_n3A_214 : vector<16xi32> to vector<16x1xi32>
        %gather3A_216 = vector.shape_cast %reshape3A_215 : vector<16x1xi32> to vector<16xi32>
        %gather3A_217 = tpu.dynamic_gather %add3A_207[%gather3A_216] in [0] : vector<16xf32>, vector<16xi32> -> vector<16xf32>
        %add3A_218 = arith.addf %add3A_207, %gather3A_217 : vector<16xf32>
        %lt3A_219 = arith.constant 0 : i32
        %lt3A_220 = vector.broadcast %lt3A_219 : i32 to vector<16xi32>
        %lt3A_221 = arith.cmpi slt, %xor3A_10, %lt3A_220 : vector<16xi32>
        %add3A_222 = arith.constant 16 : i32
        %add3A_223 = vector.broadcast %add3A_222 : i32 to vector<16xi32>
        %add3A_224 = arith.addi %xor3A_10, %add3A_223 : vector<16xi32>
        %select_n3A_225 = arith.select %lt3A_221, %add3A_224, %xor3A_10 : vector<16xi1>, vector<16xi32>
        %reshape3A_226 = vector.shape_cast %select_n3A_225 : vector<16xi32> to vector<16x1xi32>
        %gather3A_227 = vector.shape_cast %reshape3A_226 : vector<16x1xi32> to vector<16xi32>
        %gather3A_228 = tpu.dynamic_gather %add3A_218[%gather3A_227] in [0] : vector<16xf32>, vector<16xi32> -> vector<16xf32>
        %add3A_229 = arith.addf %add3A_218, %gather3A_228 : vector<16xf32>
        %lt3A_230 = arith.constant 0 : i32
        %lt3A_231 = vector.broadcast %lt3A_230 : i32 to vector<16xi32>
        %lt3A_232 = arith.cmpi slt, %xor3A_13, %lt3A_231 : vector<16xi32>
        %add3A_233 = arith.constant 16 : i32
        %add3A_234 = vector.broadcast %add3A_233 : i32 to vector<16xi32>
        %add3A_235 = arith.addi %xor3A_13, %add3A_234 : vector<16xi32>
        %select_n3A_236 = arith.select %lt3A_232, %add3A_235, %xor3A_13 : vector<16xi1>, vector<16xi32>
        %reshape3A_237 = vector.shape_cast %select_n3A_236 : vector<16xi32> to vector<16x1xi32>
        %gather3A_238 = vector.shape_cast %reshape3A_237 : vector<16x1xi32> to vector<16xi32>
        %gather3A_239 = tpu.dynamic_gather %add3A_229[%gather3A_238] in [0] : vector<16xf32>, vector<16xi32> -> vector<16xf32>
        %add3A_240 = arith.addf %add3A_229, %gather3A_239 : vector<16xf32>
        %eq3A_241 = arith.constant 1 : i32
        %eq3A_242 = vector.broadcast %eq3A_241 : i32 to vector<16xi32>
        %eq3A_243 = arith.cmpi eq, %iota3A, %eq3A_242 : vector<16xi32>
        %select_n3A_244 = arith.select %eq3A_243, %add3A_240, %select_n3A_145 : vector<16xi1>, vector<16xf32>
        %mul3A_245 = arith.constant 16 : i32
        %mul3A_246 = arith.muli %scan3A_51, %mul3A_245 : i32
        %add3A_247 = arith.constant 2 : i32
        %add3A_248 = arith.addi %mul3A_246, %add3A_247 : i32
        %get3A_249 = arith.index_cast %add3A_248 : i32 to index
        %get3A_250 = arith.constant 0 : index
        %get3A_251 = tpu.vector_load %arg12[%get3A_249, %get3A_250] {strides = array<i32>} : memref<256x64xf32, #tpu.memory_space<vmem>>, vector<16xf32>,
        %get3A_252 = arith.index_cast %add3A_248 : i32 to index
        %get3A_253 = arith.constant 0 : index
        %get3A_254 = tpu.vector_load %arg13[%get3A_252, %get3A_253] {strides = array<i32>} : memref<256x64xf32, #tpu.memory_space<vmem>>, vector<16xf32>,
        %mul3A_255 = arith.mulf %get3A_251, %get3A_254 : vector<16xf32>
        %get3A_256 = arith.index_cast %add3A_248 : i32 to index
        %get3A_257 = arith.constant 0 : index
        %get3A_258 = tpu.vector_load %arg14[%get3A_256, %get3A_257] {strides = array<i32>} : memref<256x64xf32, #tpu.memory_space<vmem>>, vector<16xf32>,
        %mul3A_259 = arith.mulf %mul3A_255, %get3A_258 : vector<16xf32>
        %get3A_260 = arith.index_cast %add3A_248 : i32 to index
        %get3A_261 = arith.constant 16 : index
        %get3A_262 = tpu.vector_load %arg12[%get3A_260, %get3A_261] {strides = array<i32>} : memref<256x64xf32, #tpu.memory_space<vmem>>, vector<16xf32>,
        %get3A_263 = arith.index_cast %add3A_248 : i32 to index
        %get3A_264 = arith.constant 16 : index
        %get3A_265 = tpu.vector_load %arg13[%get3A_263, %get3A_264] {strides = array<i32>} : memref<256x64xf32, #tpu.memory_space<vmem>>, vector<16xf32>,
        %mul3A_266 = arith.mulf %get3A_262, %get3A_265 : vector<16xf32>
        %get3A_267 = arith.index_cast %add3A_248 : i32 to index
        %get3A_268 = arith.constant 16 : index
        %get3A_269 = tpu.vector_load %arg14[%get3A_267, %get3A_268] {strides = array<i32>} : memref<256x64xf32, #tpu.memory_space<vmem>>, vector<16xf32>,
        %mul3A_270 = arith.mulf %mul3A_266, %get3A_269 : vector<16xf32>
        %add3A_271 = arith.addf %mul3A_259, %mul3A_270 : vector<16xf32>
        %get3A_272 = arith.index_cast %add3A_248 : i32 to index
        %get3A_273 = arith.constant 32 : index
        %get3A_274 = tpu.vector_load %arg12[%get3A_272, %get3A_273] {strides = array<i32>} : memref<256x64xf32, #tpu.memory_space<vmem>>, vector<16xf32>,
        %get3A_275 = arith.index_cast %add3A_248 : i32 to index
        %get3A_276 = arith.constant 32 : index
        %get3A_277 = tpu.vector_load %arg13[%get3A_275, %get3A_276] {strides = array<i32>} : memref<256x64xf32, #tpu.memory_space<vmem>>, vector<16xf32>,
        %mul3A_278 = arith.mulf %get3A_274, %get3A_277 : vector<16xf32>
        %get3A_279 = arith.index_cast %add3A_248 : i32 to index
        %get3A_280 = arith.constant 32 : index
        %get3A_281 = tpu.vector_load %arg14[%get3A_279, %get3A_280] {strides = array<i32>} : memref<256x64xf32, #tpu.memory_space<vmem>>, vector<16xf32>,
        %mul3A_282 = arith.mulf %mul3A_278, %get3A_281 : vector<16xf32>
        %add3A_283 = arith.addf %add3A_271, %mul3A_282 : vector<16xf32>
        %get3A_284 = arith.index_cast %add3A_248 : i32 to index
        %get3A_285 = arith.constant 48 : index
        %get3A_286 = tpu.vector_load %arg12[%get3A_284, %get3A_285] {strides = array<i32>} : memref<256x64xf32, #tpu.memory_space<vmem>>, vector<16xf32>,
        %get3A_287 = arith.index_cast %add3A_248 : i32 to index
        %get3A_288 = arith.constant 48 : index
        %get3A_289 = tpu.vector_load %arg13[%get3A_287, %get3A_288] {strides = array<i32>} : memref<256x64xf32, #tpu.memory_space<vmem>>, vector<16xf32>,
        %mul3A_290 = arith.mulf %get3A_286, %get3A_289 : vector<16xf32>
        %get3A_291 = arith.index_cast %add3A_248 : i32 to index
        %get3A_292 = arith.constant 48 : index
        %get3A_293 = tpu.vector_load %arg14[%get3A_291, %get3A_292] {strides = array<i32>} : memref<256x64xf32, #tpu.memory_space<vmem>>, vector<16xf32>,
        %mul3A_294 = arith.mulf %mul3A_290, %get3A_293 : vector<16xf32>
        %add3A_295 = arith.addf %add3A_283, %mul3A_294 : vector<16xf32>
        %lt3A_296 = arith.constant 0 : i32
        %lt3A_297 = vector.broadcast %lt3A_296 : i32 to vector<16xi32>
        %lt3A_298 = arith.cmpi slt, %xor3A_4, %lt3A_297 : vector<16xi32>
        %add3A_299 = arith.constant 16 : i32
        %add3A_300 = vector.broadcast %add3A_299 : i32 to vector<16xi32>
        %add3A_301 = arith.addi %xor3A_4, %add3A_300 : vector<16xi32>
        %select_n3A_302 = arith.select %lt3A_298, %add3A_301, %xor3A_4 : vector<16xi1>, vector<16xi32>
        %reshape3A_303 = vector.shape_cast %select_n3A_302 : vector<16xi32> to vector<16x1xi32>
        %gather3A_304 = vector.shape_cast %reshape3A_303 : vector<16x1xi32> to vector<16xi32>
        %gather3A_305 = tpu.dynamic_gather %add3A_295[%gather3A_304] in [0] : vector<16xf32>, vector<16xi32> -> vector<16xf32>
        %add3A_306 = arith.addf %add3A_295, %gather3A_305 : vector<16xf32>
        %lt3A_307 = arith.constant 0 : i32
        %lt3A_308 = vector.broadcast %lt3A_307 : i32 to vector<16xi32>
        %lt3A_309 = arith.cmpi slt, %xor3A_7, %lt3A_308 : vector<16xi32>
        %add3A_310 = arith.constant 16 : i32
        %add3A_311 = vector.broadcast %add3A_310 : i32 to vector<16xi32>
        %add3A_312 = arith.addi %xor3A_7, %add3A_311 : vector<16xi32>
        %select_n3A_313 = arith.select %lt3A_309, %add3A_312, %xor3A_7 : vector<16xi1>, vector<16xi32>
        %reshape3A_314 = vector.shape_cast %select_n3A_313 : vector<16xi32> to vector<16x1xi32>
        %gather3A_315 = vector.shape_cast %reshape3A_314 : vector<16x1xi32> to vector<16xi32>
        %gather3A_316 = tpu.dynamic_gather %add3A_306[%gather3A_315] in [0] : vector<16xf32>, vector<16xi32> -> vector<16xf32>
        %add3A_317 = arith.addf %add3A_306, %gather3A_316 : vector<16xf32>
        %lt3A_318 = arith.constant 0 : i32
        %lt3A_319 = vector.broadcast %lt3A_318 : i32 to vector<16xi32>
        %lt3A_320 = arith.cmpi slt, %xor3A_10, %lt3A_319 : vector<16xi32>
        %add3A_321 = arith.constant 16 : i32
        %add3A_322 = vector.broadcast %add3A_321 : i32 to vector<16xi32>
        %add3A_323 = arith.addi %xor3A_10, %add3A_322 : vector<16xi32>
        %select_n3A_324 = arith.select %lt3A_320, %add3A_323, %xor3A_10 : vector<16xi1>, vector<16xi32>
        %reshape3A_325 = vector.shape_cast %select_n3A_324 : vector<16xi32> to vector<16x1xi32>
        %gather3A_326 = vector.shape_cast %reshape3A_325 : vector<16x1xi32> to vector<16xi32>
        %gather3A_327 = tpu.dynamic_gather %add3A_317[%gather3A_326] in [0] : vector<16xf32>, vector<16xi32> -> vector<16xf32>
        %add3A_328 = arith.addf %add3A_317, %gather3A_327 : vector<16xf32>
        %lt3A_329 = arith.constant 0 : i32
        %lt3A_330 = vector.broadcast %lt3A_329 : i32 to vector<16xi32>
        %lt3A_331 = arith.cmpi slt, %xor3A_13, %lt3A_330 : vector<16xi32>
        %add3A_332 = arith.constant 16 : i32
        %add3A_333 = vector.broadcast %add3A_332 : i32 to vector<16xi32>
        %add3A_334 = arith.addi %xor3A_13, %add3A_333 : vector<16xi32>
        %select_n3A_335 = arith.select %lt3A_331, %add3A_334, %xor3A_13 : vector<16xi1>, vector<16xi32>
        %reshape3A_336 = vector.shape_cast %select_n3A_335 : vector<16xi32> to vector<16x1xi32>
        %gather3A_337 = vector.shape_cast %reshape3A_336 : vector<16x1xi32> to vector<16xi32>
        %gather3A_338 = tpu.dynamic_gather %add3A_328[%gather3A_337] in [0] : vector<16xf32>, vector<16xi32> -> vector<16xf32>
        %add3A_339 = arith.addf %add3A_328, %gather3A_338 : vector<16xf32>
        %eq3A_340 = arith.constant 2 : i32
        %eq3A_341 = vector.broadcast %eq3A_340 : i32 to vector<16xi32>
        %eq3A_342 = arith.cmpi eq, %iota3A, %eq3A_341 : vector<16xi32>
        %select_n3A_343 = arith.select %eq3A_342, %add3A_339, %select_n3A_244 : vector<16xi1>, vector<16xf32>
        %mul3A_344 = arith.constant 16 : i32
        %mul3A_345 = arith.muli %scan3A_51, %mul3A_344 : i32
        %add3A_346 = arith.constant 3 : i32
        %add3A_347 = arith.addi %mul3A_345, %add3A_346 : i32
        %get3A_348 = arith.index_cast %add3A_347 : i32 to index
        %get3A_349 = arith.constant 0 : index
        %get3A_350 = tpu.vector_load %arg12[%get3A_348, %get3A_349] {strides = array<i32>} : memref<256x64xf32, #tpu.memory_space<vmem>>, vector<16xf32>,
        %get3A_351 = arith.index_cast %add3A_347 : i32 to index
        %get3A_352 = arith.constant 0 : index
        %get3A_353 = tpu.vector_load %arg13[%get3A_351, %get3A_352] {strides = array<i32>} : memref<256x64xf32, #tpu.memory_space<vmem>>, vector<16xf32>,
        %mul3A_354 = arith.mulf %get3A_350, %get3A_353 : vector<16xf32>
        %get3A_355 = arith.index_cast %add3A_347 : i32 to index
        %get3A_356 = arith.constant 0 : index
        %get3A_357 = tpu.vector_load %arg14[%get3A_355, %get3A_356] {strides = array<i32>} : memref<256x64xf32, #tpu.memory_space<vmem>>, vector<16xf32>,
        %mul3A_358 = arith.mulf %mul3A_354, %get3A_357 : vector<16xf32>
        %get3A_359 = arith.index_cast %add3A_347 : i32 to index
        %get3A_360 = arith.constant 16 : index
        %get3A_361 = tpu.vector_load %arg12[%get3A_359, %get3A_360] {strides = array<i32>} : memref<256x64xf32, #tpu.memory_space<vmem>>, vector<16xf32>,
        %get3A_362 = arith.index_cast %add3A_347 : i32 to index
        %get3A_363 = arith.constant 16 : index
        %get3A_364 = tpu.vector_load %arg13[%get3A_362, %get3A_363] {strides = array<i32>} : memref<256x64xf32, #tpu.memory_space<vmem>>, vector<16xf32>,
        %mul3A_365 = arith.mulf %get3A_361, %get3A_364 : vector<16xf32>
        %get3A_366 = arith.index_cast %add3A_347 : i32 to index
        %get3A_367 = arith.constant 16 : index
        %get3A_368 = tpu.vector_load %arg14[%get3A_366, %get3A_367] {strides = array<i32>} : memref<256x64xf32, #tpu.memory_space<vmem>>, vector<16xf32>,
        %mul3A_369 = arith.mulf %mul3A_365, %get3A_368 : vector<16xf32>
        %add3A_370 = arith.addf %mul3A_358, %mul3A_369 : vector<16xf32>
        %get3A_371 = arith.index_cast %add3A_347 : i32 to index
        %get3A_372 = arith.constant 32 : index
        %get3A_373 = tpu.vector_load %arg12[%get3A_371, %get3A_372] {strides = array<i32>} : memref<256x64xf32, #tpu.memory_space<vmem>>, vector<16xf32>,
        %get3A_374 = arith.index_cast %add3A_347 : i32 to index
        %get3A_375 = arith.constant 32 : index
        %get3A_376 = tpu.vector_load %arg13[%get3A_374, %get3A_375] {strides = array<i32>} : memref<256x64xf32, #tpu.memory_space<vmem>>, vector<16xf32>,
        %mul3A_377 = arith.mulf %get3A_373, %get3A_376 : vector<16xf32>
        %get3A_378 = arith.index_cast %add3A_347 : i32 to index
        %get3A_379 = arith.constant 32 : index
        %get3A_380 = tpu.vector_load %arg14[%get3A_378, %get3A_379] {strides = array<i32>} : memref<256x64xf32, #tpu.memory_space<vmem>>, vector<16xf32>,
        %mul3A_381 = arith.mulf %mul3A_377, %get3A_380 : vector<16xf32>
        %add3A_382 = arith.addf %add3A_370, %mul3A_381 : vector<16xf32>
        %get3A_383 = arith.index_cast %add3A_347 : i32 to index
        %get3A_384 = arith.constant 48 : index
        %get3A_385 = tpu.vector_load %arg12[%get3A_383, %get3A_384] {strides = array<i32>} : memref<256x64xf32, #tpu.memory_space<vmem>>, vector<16xf32>,
        %get3A_386 = arith.index_cast %add3A_347 : i32 to index
        %get3A_387 = arith.constant 48 : index
        %get3A_388 = tpu.vector_load %arg13[%get3A_386, %get3A_387] {strides = array<i32>} : memref<256x64xf32, #tpu.memory_space<vmem>>, vector<16xf32>,
        %mul3A_389 = arith.mulf %get3A_385, %get3A_388 : vector<16xf32>
        %get3A_390 = arith.index_cast %add3A_347 : i32 to index
        %get3A_391 = arith.constant 48 : index
        %get3A_392 = tpu.vector_load %arg14[%get3A_390, %get3A_391] {strides = array<i32>} : memref<256x64xf32, #tpu.memory_space<vmem>>, vector<16xf32>,
        %mul3A_393 = arith.mulf %mul3A_389, %get3A_392 : vector<16xf32>
        %add3A_394 = arith.addf %add3A_382, %mul3A_393 : vector<16xf32>
        %lt3A_395 = arith.constant 0 : i32
        %lt3A_396 = vector.broadcast %lt3A_395 : i32 to vector<16xi32>
        %lt3A_397 = arith.cmpi slt, %xor3A_4, %lt3A_396 : vector<16xi32>
        %add3A_398 = arith.constant 16 : i32
        %add3A_399 = vector.broadcast %add3A_398 : i32 to vector<16xi32>
        %add3A_400 = arith.addi %xor3A_4, %add3A_399 : vector<16xi32>
        %select_n3A_401 = arith.select %lt3A_397, %add3A_400, %xor3A_4 : vector<16xi1>, vector<16xi32>
        %reshape3A_402 = vector.shape_cast %select_n3A_401 : vector<16xi32> to vector<16x1xi32>
        %gather3A_403 = vector.shape_cast %reshape3A_402 : vector<16x1xi32> to vector<16xi32>
        %gather3A_404 = tpu.dynamic_gather %add3A_394[%gather3A_403] in [0] : vector<16xf32>, vector<16xi32> -> vector<16xf32>
        %add3A_405 = arith.addf %add3A_394, %gather3A_404 : vector<16xf32>
        %lt3A_406 = arith.constant 0 : i32
        %lt3A_407 = vector.broadcast %lt3A_406 : i32 to vector<16xi32>
        %lt3A_408 = arith.cmpi slt, %xor3A_7, %lt3A_407 : vector<16xi32>
        %add3A_409 = arith.constant 16 : i32
        %add3A_410 = vector.broadcast %add3A_409 : i32 to vector<16xi32>
        %add3A_411 = arith.addi %xor3A_7, %add3A_410 : vector<16xi32>
        %select_n3A_412 = arith.select %lt3A_408, %add3A_411, %xor3A_7 : vector<16xi1>, vector<16xi32>
        %reshape3A_413 = vector.shape_cast %select_n3A_412 : vector<16xi32> to vector<16x1xi32>
        %gather3A_414 = vector.shape_cast %reshape3A_413 : vector<16x1xi32> to vector<16xi32>
        %gather3A_415 = tpu.dynamic_gather %add3A_405[%gather3A_414] in [0] : vector<16xf32>, vector<16xi32> -> vector<16xf32>
        %add3A_416 = arith.addf %add3A_405, %gather3A_415 : vector<16xf32>
        %lt3A_417 = arith.constant 0 : i32
        %lt3A_418 = vector.broadcast %lt3A_417 : i32 to vector<16xi32>
        %lt3A_419 = arith.cmpi slt, %xor3A_10, %lt3A_418 : vector<16xi32>
        %add3A_420 = arith.constant 16 : i32
        %add3A_421 = vector.broadcast %add3A_420 : i32 to vector<16xi32>
        %add3A_422 = arith.addi %xor3A_10, %add3A_421 : vector<16xi32>
        %select_n3A_423 = arith.select %lt3A_419, %add3A_422, %xor3A_10 : vector<16xi1>, vector<16xi32>
        %reshape3A_424 = vector.shape_cast %select_n3A_423 : vector<16xi32> to vector<16x1xi32>
        %gather3A_425 = vector.shape_cast %reshape3A_424 : vector<16x1xi32> to vector<16xi32>
        %gather3A_426 = tpu.dynamic_gather %add3A_416[%gather3A_425] in [0] : vector<16xf32>, vector<16xi32> -> vector<16xf32>
        %add3A_427 = arith.addf %add3A_416, %gather3A_426 : vector<16xf32>
        %lt3A_428 = arith.constant 0 : i32
        %lt3A_429 = vector.broadcast %lt3A_428 : i32 to vector<16xi32>
        %lt3A_430 = arith.cmpi slt, %xor3A_13, %lt3A_429 : vector<16xi32>
        %add3A_431 = arith.constant 16 : i32
        %add3A_432 = vector.broadcast %add3A_431 : i32 to vector<16xi32>
        %add3A_433 = arith.addi %xor3A_13, %add3A_432 : vector<16xi32>
        %select_n3A_434 = arith.select %lt3A_430, %add3A_433, %xor3A_13 : vector<16xi1>, vector<16xi32>
        %reshape3A_435 = vector.shape_cast %select_n3A_434 : vector<16xi32> to vector<16x1xi32>
        %gather3A_436 = vector.shape_cast %reshape3A_435 : vector<16x1xi32> to vector<16xi32>
        %gather3A_437 = tpu.dynamic_gather %add3A_427[%gather3A_436] in [0] : vector<16xf32>, vector<16xi32> -> vector<16xf32>
        %add3A_438 = arith.addf %add3A_427, %gather3A_437 : vector<16xf32>
        %eq3A_439 = arith.constant 3 : i32
        %eq3A_440 = vector.broadcast %eq3A_439 : i32 to vector<16xi32>
        %eq3A_441 = arith.cmpi eq, %iota3A, %eq3A_440 : vector<16xi32>
        %select_n3A_442 = arith.select %eq3A_441, %add3A_438, %select_n3A_343 : vector<16xi1>, vector<16xf32>
        %mul3A_443 = arith.constant 16 : i32
        %mul3A_444 = arith.muli %scan3A_51, %mul3A_443 : i32
        %add3A_445 = arith.constant 4 : i32
        %add3A_446 = arith.addi %mul3A_444, %add3A_445 : i32
        %get3A_447 = arith.index_cast %add3A_446 : i32 to index
        %get3A_448 = arith.constant 0 : index
        %get3A_449 = tpu.vector_load %arg12[%get3A_447, %get3A_448] {strides = array<i32>} : memref<256x64xf32, #tpu.memory_space<vmem>>, vector<16xf32>,
        %get3A_450 = arith.index_cast %add3A_446 : i32 to index
        %get3A_451 = arith.constant 0 : index
        %get3A_452 = tpu.vector_load %arg13[%get3A_450, %get3A_451] {strides = array<i32>} : memref<256x64xf32, #tpu.memory_space<vmem>>, vector<16xf32>,
        %mul3A_453 = arith.mulf %get3A_449, %get3A_452 : vector<16xf32>
        %get3A_454 = arith.index_cast %add3A_446 : i32 to index
        %get3A_455 = arith.constant 0 : index
        %get3A_456 = tpu.vector_load %arg14[%get3A_454, %get3A_455] {strides = array<i32>} : memref<256x64xf32, #tpu.memory_space<vmem>>, vector<16xf32>,
        %mul3A_457 = arith.mulf %mul3A_453, %get3A_456 : vector<16xf32>
        %get3A_458 = arith.index_cast %add3A_446 : i32 to index
        %get3A_459 = arith.constant 16 : index
        %get3A_460 = tpu.vector_load %arg12[%get3A_458, %get3A_459] {strides = array<i32>} : memref<256x64xf32, #tpu.memory_space<vmem>>, vector<16xf32>,
        %get3A_461 = arith.index_cast %add3A_446 : i32 to index
        %get3A_462 = arith.constant 16 : index
        %get3A_463 = tpu.vector_load %arg13[%get3A_461, %get3A_462] {strides = array<i32>} : memref<256x64xf32, #tpu.memory_space<vmem>>, vector<16xf32>,
        %mul3A_464 = arith.mulf %get3A_460, %get3A_463 : vector<16xf32>
        %get3A_465 = arith.index_cast %add3A_446 : i32 to index
        %get3A_466 = arith.constant 16 : index
        %get3A_467 = tpu.vector_load %arg14[%get3A_465, %get3A_466] {strides = array<i32>} : memref<256x64xf32, #tpu.memory_space<vmem>>, vector<16xf32>,
        %mul3A_468 = arith.mulf %mul3A_464, %get3A_467 : vector<16xf32>
        %add3A_469 = arith.addf %mul3A_457, %mul3A_468 : vector<16xf32>
        %get3A_470 = arith.index_cast %add3A_446 : i32 to index
        %get3A_471 = arith.constant 32 : index
        %get3A_472 = tpu.vector_load %arg12[%get3A_470, %get3A_471] {strides = array<i32>} : memref<256x64xf32, #tpu.memory_space<vmem>>, vector<16xf32>,
        %get3A_473 = arith.index_cast %add3A_446 : i32 to index
        %get3A_474 = arith.constant 32 : index
        %get3A_475 = tpu.vector_load %arg13[%get3A_473, %get3A_474] {strides = array<i32>} : memref<256x64xf32, #tpu.memory_space<vmem>>, vector<16xf32>,
        %mul3A_476 = arith.mulf %get3A_472, %get3A_475 : vector<16xf32>
        %get3A_477 = arith.index_cast %add3A_446 : i32 to index
        %get3A_478 = arith.constant 32 : index
        %get3A_479 = tpu.vector_load %arg14[%get3A_477, %get3A_478] {strides = array<i32>} : memref<256x64xf32, #tpu.memory_space<vmem>>, vector<16xf32>,
        %mul3A_480 = arith.mulf %mul3A_476, %get3A_479 : vector<16xf32>
        %add3A_481 = arith.addf %add3A_469, %mul3A_480 : vector<16xf32>
        %get3A_482 = arith.index_cast %add3A_446 : i32 to index
        %get3A_483 = arith.constant 48 : index
        %get3A_484 = tpu.vector_load %arg12[%get3A_482, %get3A_483] {strides = array<i32>} : memref<256x64xf32, #tpu.memory_space<vmem>>, vector<16xf32>,
        %get3A_485 = arith.index_cast %add3A_446 : i32 to index
        %get3A_486 = arith.constant 48 : index
        %get3A_487 = tpu.vector_load %arg13[%get3A_485, %get3A_486] {strides = array<i32>} : memref<256x64xf32, #tpu.memory_space<vmem>>, vector<16xf32>,
        %mul3A_488 = arith.mulf %get3A_484, %get3A_487 : vector<16xf32>
        %get3A_489 = arith.index_cast %add3A_446 : i32 to index
        %get3A_490 = arith.constant 48 : index
        %get3A_491 = tpu.vector_load %arg14[%get3A_489, %get3A_490] {strides = array<i32>} : memref<256x64xf32, #tpu.memory_space<vmem>>, vector<16xf32>,
        %mul3A_492 = arith.mulf %mul3A_488, %get3A_491 : vector<16xf32>
        %add3A_493 = arith.addf %add3A_481, %mul3A_492 : vector<16xf32>
        %lt3A_494 = arith.constant 0 : i32
        %lt3A_495 = vector.broadcast %lt3A_494 : i32 to vector<16xi32>
        %lt3A_496 = arith.cmpi slt, %xor3A_4, %lt3A_495 : vector<16xi32>
        %add3A_497 = arith.constant 16 : i32
        %add3A_498 = vector.broadcast %add3A_497 : i32 to vector<16xi32>
        %add3A_499 = arith.addi %xor3A_4, %add3A_498 : vector<16xi32>
        %select_n3A_500 = arith.select %lt3A_496, %add3A_499, %xor3A_4 : vector<16xi1>, vector<16xi32>
        %reshape3A_501 = vector.shape_cast %select_n3A_500 : vector<16xi32> to vector<16x1xi32>
        %gather3A_502 = vector.shape_cast %reshape3A_501 : vector<16x1xi32> to vector<16xi32>
        %gather3A_503 = tpu.dynamic_gather %add3A_493[%gather3A_502] in [0] : vector<16xf32>, vector<16xi32> -> vector<16xf32>
        %add3A_504 = arith.addf %add3A_493, %gather3A_503 : vector<16xf32>
        %lt3A_505 = arith.constant 0 : i32
        %lt3A_506 = vector.broadcast %lt3A_505 : i32 to vector<16xi32>
        %lt3A_507 = arith.cmpi slt, %xor3A_7, %lt3A_506 : vector<16xi32>
        %add3A_508 = arith.constant 16 : i32
        %add3A_509 = vector.broadcast %add3A_508 : i32 to vector<16xi32>
        %add3A_510 = arith.addi %xor3A_7, %add3A_509 : vector<16xi32>
        %select_n3A_511 = arith.select %lt3A_507, %add3A_510, %xor3A_7 : vector<16xi1>, vector<16xi32>
        %reshape3A_512 = vector.shape_cast %select_n3A_511 : vector<16xi32> to vector<16x1xi32>
        %gather3A_513 = vector.shape_cast %reshape3A_512 : vector<16x1xi32> to vector<16xi32>
        %gather3A_514 = tpu.dynamic_gather %add3A_504[%gather3A_513] in [0] : vector<16xf32>, vector<16xi32> -> vector<16xf32>
        %add3A_515 = arith.addf %add3A_504, %gather3A_514 : vector<16xf32>
        %lt3A_516 = arith.constant 0 : i32
        %lt3A_517 = vector.broadcast %lt3A_516 : i32 to vector<16xi32>
        %lt3A_518 = arith.cmpi slt, %xor3A_10, %lt3A_517 : vector<16xi32>
        %add3A_519 = arith.constant 16 : i32
        %add3A_520 = vector.broadcast %add3A_519 : i32 to vector<16xi32>
        %add3A_521 = arith.addi %xor3A_10, %add3A_520 : vector<16xi32>
        %select_n3A_522 = arith.select %lt3A_518, %add3A_521, %xor3A_10 : vector<16xi1>, vector<16xi32>
        %reshape3A_523 = vector.shape_cast %select_n3A_522 : vector<16xi32> to vector<16x1xi32>
        %gather3A_524 = vector.shape_cast %reshape3A_523 : vector<16x1xi32> to vector<16xi32>
        %gather3A_525 = tpu.dynamic_gather %add3A_515[%gather3A_524] in [0] : vector<16xf32>, vector<16xi32> -> vector<16xf32>
        %add3A_526 = arith.addf %add3A_515, %gather3A_525 : vector<16xf32>
        %lt3A_527 = arith.constant 0 : i32
        %lt3A_528 = vector.broadcast %lt3A_527 : i32 to vector<16xi32>
        %lt3A_529 = arith.cmpi slt, %xor3A_13, %lt3A_528 : vector<16xi32>
        %add3A_530 = arith.constant 16 : i32
        %add3A_531 = vector.broadcast %add3A_530 : i32 to vector<16xi32>
        %add3A_532 = arith.addi %xor3A_13, %add3A_531 : vector<16xi32>
        %select_n3A_533 = arith.select %lt3A_529, %add3A_532, %xor3A_13 : vector<16xi1>, vector<16xi32>
        %reshape3A_534 = vector.shape_cast %select_n3A_533 : vector<16xi32> to vector<16x1xi32>
        %gather3A_535 = vector.shape_cast %reshape3A_534 : vector<16x1xi32> to vector<16xi32>
        %gather3A_536 = tpu.dynamic_gather %add3A_526[%gather3A_535] in [0] : vector<16xf32>, vector<16xi32> -> vector<16xf32>
        %add3A_537 = arith.addf %add3A_526, %gather3A_536 : vector<16xf32>
        %eq3A_538 = arith.constant 4 : i32
        %eq3A_539 = vector.broadcast %eq3A_538 : i32 to vector<16xi32>
        %eq3A_540 = arith.cmpi eq, %iota3A, %eq3A_539 : vector<16xi32>
        %select_n3A_541 = arith.select %eq3A_540, %add3A_537, %select_n3A_442 : vector<16xi1>, vector<16xf32>
        %mul3A_542 = arith.constant 16 : i32
        %mul3A_543 = arith.muli %scan3A_51, %mul3A_542 : i32
        %add3A_544 = arith.constant 5 : i32
        %add3A_545 = arith.addi %mul3A_543, %add3A_544 : i32
        %get3A_546 = arith.index_cast %add3A_545 : i32 to index
        %get3A_547 = arith.constant 0 : index
        %get3A_548 = tpu.vector_load %arg12[%get3A_546, %get3A_547] {strides = array<i32>} : memref<256x64xf32, #tpu.memory_space<vmem>>, vector<16xf32>,
        %get3A_549 = arith.index_cast %add3A_545 : i32 to index
        %get3A_550 = arith.constant 0 : index
        %get3A_551 = tpu.vector_load %arg13[%get3A_549, %get3A_550] {strides = array<i32>} : memref<256x64xf32, #tpu.memory_space<vmem>>, vector<16xf32>,
        %mul3A_552 = arith.mulf %get3A_548, %get3A_551 : vector<16xf32>
        %get3A_553 = arith.index_cast %add3A_545 : i32 to index
        %get3A_554 = arith.constant 0 : index
        %get3A_555 = tpu.vector_load %arg14[%get3A_553, %get3A_554] {strides = array<i32>} : memref<256x64xf32, #tpu.memory_space<vmem>>, vector<16xf32>,
        %mul3A_556 = arith.mulf %mul3A_552, %get3A_555 : vector<16xf32>
        %get3A_557 = arith.index_cast %add3A_545 : i32 to index
        %get3A_558 = arith.constant 16 : index
        %get3A_559 = tpu.vector_load %arg12[%get3A_557, %get3A_558] {strides = array<i32>} : memref<256x64xf32, #tpu.memory_space<vmem>>, vector<16xf32>,
        %get3A_560 = arith.index_cast %add3A_545 : i32 to index
        %get3A_561 = arith.constant 16 : index
        %get3A_562 = tpu.vector_load %arg13[%get3A_560, %get3A_561] {strides = array<i32>} : memref<256x64xf32, #tpu.memory_space<vmem>>, vector<16xf32>,
        %mul3A_563 = arith.mulf %get3A_559, %get3A_562 : vector<16xf32>
        %get3A_564 = arith.index_cast %add3A_545 : i32 to index
        %get3A_565 = arith.constant 16 : index
        %get3A_566 = tpu.vector_load %arg14[%get3A_564, %get3A_565] {strides = array<i32>} : memref<256x64xf32, #tpu.memory_space<vmem>>, vector<16xf32>,
        %mul3A_567 = arith.mulf %mul3A_563, %get3A_566 : vector<16xf32>
        %add3A_568 = arith.addf %mul3A_556, %mul3A_567 : vector<16xf32>
        %get3A_569 = arith.index_cast %add3A_545 : i32 to index
        %get3A_570 = arith.constant 32 : index
        %get3A_571 = tpu.vector_load %arg12[%get3A_569, %get3A_570] {strides = array<i32>} : memref<256x64xf32, #tpu.memory_space<vmem>>, vector<16xf32>,
        %get3A_572 = arith.index_cast %add3A_545 : i32 to index
        %get3A_573 = arith.constant 32 : index
        %get3A_574 = tpu.vector_load %arg13[%get3A_572, %get3A_573] {strides = array<i32>} : memref<256x64xf32, #tpu.memory_space<vmem>>, vector<16xf32>,
        %mul3A_575 = arith.mulf %get3A_571, %get3A_574 : vector<16xf32>
        %get3A_576 = arith.index_cast %add3A_545 : i32 to index
        %get3A_577 = arith.constant 32 : index
        %get3A_578 = tpu.vector_load %arg14[%get3A_576, %get3A_577] {strides = array<i32>} : memref<256x64xf32, #tpu.memory_space<vmem>>, vector<16xf32>,
        %mul3A_579 = arith.mulf %mul3A_575, %get3A_578 : vector<16xf32>
        %add3A_580 = arith.addf %add3A_568, %mul3A_579 : vector<16xf32>
        %get3A_581 = arith.index_cast %add3A_545 : i32 to index
        %get3A_582 = arith.constant 48 : index
        %get3A_583 = tpu.vector_load %arg12[%get3A_581, %get3A_582] {strides = array<i32>} : memref<256x64xf32, #tpu.memory_space<vmem>>, vector<16xf32>,
        %get3A_584 = arith.index_cast %add3A_545 : i32 to index
        %get3A_585 = arith.constant 48 : index
        %get3A_586 = tpu.vector_load %arg13[%get3A_584, %get3A_585] {strides = array<i32>} : memref<256x64xf32, #tpu.memory_space<vmem>>, vector<16xf32>,
        %mul3A_587 = arith.mulf %get3A_583, %get3A_586 : vector<16xf32>
        %get3A_588 = arith.index_cast %add3A_545 : i32 to index
        %get3A_589 = arith.constant 48 : index
        %get3A_590 = tpu.vector_load %arg14[%get3A_588, %get3A_589] {strides = array<i32>} : memref<256x64xf32, #tpu.memory_space<vmem>>, vector<16xf32>,
        %mul3A_591 = arith.mulf %mul3A_587, %get3A_590 : vector<16xf32>
        %add3A_592 = arith.addf %add3A_580, %mul3A_591 : vector<16xf32>
        %lt3A_593 = arith.constant 0 : i32
        %lt3A_594 = vector.broadcast %lt3A_593 : i32 to vector<16xi32>
        %lt3A_595 = arith.cmpi slt, %xor3A_4, %lt3A_594 : vector<16xi32>
        %add3A_596 = arith.constant 16 : i32
        %add3A_597 = vector.broadcast %add3A_596 : i32 to vector<16xi32>
        %add3A_598 = arith.addi %xor3A_4, %add3A_597 : vector<16xi32>
        %select_n3A_599 = arith.select %lt3A_595, %add3A_598, %xor3A_4 : vector<16xi1>, vector<16xi32>
        %reshape3A_600 = vector.shape_cast %select_n3A_599 : vector<16xi32> to vector<16x1xi32>
        %gather3A_601 = vector.shape_cast %reshape3A_600 : vector<16x1xi32> to vector<16xi32>
        %gather3A_602 = tpu.dynamic_gather %add3A_592[%gather3A_601] in [0] : vector<16xf32>, vector<16xi32> -> vector<16xf32>
        %add3A_603 = arith.addf %add3A_592, %gather3A_602 : vector<16xf32>
        %lt3A_604 = arith.constant 0 : i32
        %lt3A_605 = vector.broadcast %lt3A_604 : i32 to vector<16xi32>
        %lt3A_606 = arith.cmpi slt, %xor3A_7, %lt3A_605 : vector<16xi32>
        %add3A_607 = arith.constant 16 : i32
        %add3A_608 = vector.broadcast %add3A_607 : i32 to vector<16xi32>
        %add3A_609 = arith.addi %xor3A_7, %add3A_608 : vector<16xi32>
        %select_n3A_610 = arith.select %lt3A_606, %add3A_609, %xor3A_7 : vector<16xi1>, vector<16xi32>
        %reshape3A_611 = vector.shape_cast %select_n3A_610 : vector<16xi32> to vector<16x1xi32>
        %gather3A_612 = vector.shape_cast %reshape3A_611 : vector<16x1xi32> to vector<16xi32>
        %gather3A_613 = tpu.dynamic_gather %add3A_603[%gather3A_612] in [0] : vector<16xf32>, vector<16xi32> -> vector<16xf32>
        %add3A_614 = arith.addf %add3A_603, %gather3A_613 : vector<16xf32>
        %lt3A_615 = arith.constant 0 : i32
        %lt3A_616 = vector.broadcast %lt3A_615 : i32 to vector<16xi32>
        %lt3A_617 = arith.cmpi slt, %xor3A_10, %lt3A_616 : vector<16xi32>
        %add3A_618 = arith.constant 16 : i32
        %add3A_619 = vector.broadcast %add3A_618 : i32 to vector<16xi32>
        %add3A_620 = arith.addi %xor3A_10, %add3A_619 : vector<16xi32>
        %select_n3A_621 = arith.select %lt3A_617, %add3A_620, %xor3A_10 : vector<16xi1>, vector<16xi32>
        %reshape3A_622 = vector.shape_cast %select_n3A_621 : vector<16xi32> to vector<16x1xi32>
        %gather3A_623 = vector.shape_cast %reshape3A_622 : vector<16x1xi32> to vector<16xi32>
        %gather3A_624 = tpu.dynamic_gather %add3A_614[%gather3A_623] in [0] : vector<16xf32>, vector<16xi32> -> vector<16xf32>
        %add3A_625 = arith.addf %add3A_614, %gather3A_624 : vector<16xf32>
        %lt3A_626 = arith.constant 0 : i32
        %lt3A_627 = vector.broadcast %lt3A_626 : i32 to vector<16xi32>
        %lt3A_628 = arith.cmpi slt, %xor3A_13, %lt3A_627 : vector<16xi32>
        %add3A_629 = arith.constant 16 : i32
        %add3A_630 = vector.broadcast %add3A_629 : i32 to vector<16xi32>
        %add3A_631 = arith.addi %xor3A_13, %add3A_630 : vector<16xi32>
        %select_n3A_632 = arith.select %lt3A_628, %add3A_631, %xor3A_13 : vector<16xi1>, vector<16xi32>
        %reshape3A_633 = vector.shape_cast %select_n3A_632 : vector<16xi32> to vector<16x1xi32>
        %gather3A_634 = vector.shape_cast %reshape3A_633 : vector<16x1xi32> to vector<16xi32>
        %gather3A_635 = tpu.dynamic_gather %add3A_625[%gather3A_634] in [0] : vector<16xf32>, vector<16xi32> -> vector<16xf32>
        %add3A_636 = arith.addf %add3A_625, %gather3A_635 : vector<16xf32>
        %eq3A_637 = arith.constant 5 : i32
        %eq3A_638 = vector.broadcast %eq3A_637 : i32 to vector<16xi32>
        %eq3A_639 = arith.cmpi eq, %iota3A, %eq3A_638 : vector<16xi32>
        %select_n3A_640 = arith.select %eq3A_639, %add3A_636, %select_n3A_541 : vector<16xi1>, vector<16xf32>
        %mul3A_641 = arith.constant 16 : i32
        %mul3A_642 = arith.muli %scan3A_51, %mul3A_641 : i32
        %add3A_643 = arith.constant 6 : i32
        %add3A_644 = arith.addi %mul3A_642, %add3A_643 : i32
        %get3A_645 = arith.index_cast %add3A_644 : i32 to index
        %get3A_646 = arith.constant 0 : index
        %get3A_647 = tpu.vector_load %arg12[%get3A_645, %get3A_646] {strides = array<i32>} : memref<256x64xf32, #tpu.memory_space<vmem>>, vector<16xf32>,
        %get3A_648 = arith.index_cast %add3A_644 : i32 to index
        %get3A_649 = arith.constant 0 : index
        %get3A_650 = tpu.vector_load %arg13[%get3A_648, %get3A_649] {strides = array<i32>} : memref<256x64xf32, #tpu.memory_space<vmem>>, vector<16xf32>,
        %mul3A_651 = arith.mulf %get3A_647, %get3A_650 : vector<16xf32>
        %get3A_652 = arith.index_cast %add3A_644 : i32 to index
        %get3A_653 = arith.constant 0 : index
        %get3A_654 = tpu.vector_load %arg14[%get3A_652, %get3A_653] {strides = array<i32>} : memref<256x64xf32, #tpu.memory_space<vmem>>, vector<16xf32>,
        %mul3A_655 = arith.mulf %mul3A_651, %get3A_654 : vector<16xf32>
        %get3A_656 = arith.index_cast %add3A_644 : i32 to index
        %get3A_657 = arith.constant 16 : index
        %get3A_658 = tpu.vector_load %arg12[%get3A_656, %get3A_657] {strides = array<i32>} : memref<256x64xf32, #tpu.memory_space<vmem>>, vector<16xf32>,
        %get3A_659 = arith.index_cast %add3A_644 : i32 to index
        %get3A_660 = arith.constant 16 : index
        %get3A_661 = tpu.vector_load %arg13[%get3A_659, %get3A_660] {strides = array<i32>} : memref<256x64xf32, #tpu.memory_space<vmem>>, vector<16xf32>,
        %mul3A_662 = arith.mulf %get3A_658, %get3A_661 : vector<16xf32>
        %get3A_663 = arith.index_cast %add3A_644 : i32 to index
        %get3A_664 = arith.constant 16 : index
        %get3A_665 = tpu.vector_load %arg14[%get3A_663, %get3A_664] {strides = array<i32>} : memref<256x64xf32, #tpu.memory_space<vmem>>, vector<16xf32>,
        %mul3A_666 = arith.mulf %mul3A_662, %get3A_665 : vector<16xf32>
        %add3A_667 = arith.addf %mul3A_655, %mul3A_666 : vector<16xf32>
        %get3A_668 = arith.index_cast %add3A_644 : i32 to index
        %get3A_669 = arith.constant 32 : index
        %get3A_670 = tpu.vector_load %arg12[%get3A_668, %get3A_669] {strides = array<i32>} : memref<256x64xf32, #tpu.memory_space<vmem>>, vector<16xf32>,
        %get3A_671 = arith.index_cast %add3A_644 : i32 to index
        %get3A_672 = arith.constant 32 : index
        %get3A_673 = tpu.vector_load %arg13[%get3A_671, %get3A_672] {strides = array<i32>} : memref<256x64xf32, #tpu.memory_space<vmem>>, vector<16xf32>,
        %mul3A_674 = arith.mulf %get3A_670, %get3A_673 : vector<16xf32>
        %get3A_675 = arith.index_cast %add3A_644 : i32 to index
        %get3A_676 = arith.constant 32 : index
        %get3A_677 = tpu.vector_load %arg14[%get3A_675, %get3A_676] {strides = array<i32>} : memref<256x64xf32, #tpu.memory_space<vmem>>, vector<16xf32>,
        %mul3A_678 = arith.mulf %mul3A_674, %get3A_677 : vector<16xf32>
        %add3A_679 = arith.addf %add3A_667, %mul3A_678 : vector<16xf32>
        %get3A_680 = arith.index_cast %add3A_644 : i32 to index
        %get3A_681 = arith.constant 48 : index
        %get3A_682 = tpu.vector_load %arg12[%get3A_680, %get3A_681] {strides = array<i32>} : memref<256x64xf32, #tpu.memory_space<vmem>>, vector<16xf32>,
        %get3A_683 = arith.index_cast %add3A_644 : i32 to index
        %get3A_684 = arith.constant 48 : index
        %get3A_685 = tpu.vector_load %arg13[%get3A_683, %get3A_684] {strides = array<i32>} : memref<256x64xf32, #tpu.memory_space<vmem>>, vector<16xf32>,
        %mul3A_686 = arith.mulf %get3A_682, %get3A_685 : vector<16xf32>
        %get3A_687 = arith.index_cast %add3A_644 : i32 to index
        %get3A_688 = arith.constant 48 : index
        %get3A_689 = tpu.vector_load %arg14[%get3A_687, %get3A_688] {strides = array<i32>} : memref<256x64xf32, #tpu.memory_space<vmem>>, vector<16xf32>,
        %mul3A_690 = arith.mulf %mul3A_686, %get3A_689 : vector<16xf32>
        %add3A_691 = arith.addf %add3A_679, %mul3A_690 : vector<16xf32>
        %lt3A_692 = arith.constant 0 : i32
        %lt3A_693 = vector.broadcast %lt3A_692 : i32 to vector<16xi32>
        %lt3A_694 = arith.cmpi slt, %xor3A_4, %lt3A_693 : vector<16xi32>
        %add3A_695 = arith.constant 16 : i32
        %add3A_696 = vector.broadcast %add3A_695 : i32 to vector<16xi32>
        %add3A_697 = arith.addi %xor3A_4, %add3A_696 : vector<16xi32>
        %select_n3A_698 = arith.select %lt3A_694, %add3A_697, %xor3A_4 : vector<16xi1>, vector<16xi32>
        %reshape3A_699 = vector.shape_cast %select_n3A_698 : vector<16xi32> to vector<16x1xi32>
        %gather3A_700 = vector.shape_cast %reshape3A_699 : vector<16x1xi32> to vector<16xi32>
        %gather3A_701 = tpu.dynamic_gather %add3A_691[%gather3A_700] in [0] : vector<16xf32>, vector<16xi32> -> vector<16xf32>
        %add3A_702 = arith.addf %add3A_691, %gather3A_701 : vector<16xf32>
        %lt3A_703 = arith.constant 0 : i32
        %lt3A_704 = vector.broadcast %lt3A_703 : i32 to vector<16xi32>
        %lt3A_705 = arith.cmpi slt, %xor3A_7, %lt3A_704 : vector<16xi32>
        %add3A_706 = arith.constant 16 : i32
        %add3A_707 = vector.broadcast %add3A_706 : i32 to vector<16xi32>
        %add3A_708 = arith.addi %xor3A_7, %add3A_707 : vector<16xi32>
        %select_n3A_709 = arith.select %lt3A_705, %add3A_708, %xor3A_7 : vector<16xi1>, vector<16xi32>
        %reshape3A_710 = vector.shape_cast %select_n3A_709 : vector<16xi32> to vector<16x1xi32>
        %gather3A_711 = vector.shape_cast %reshape3A_710 : vector<16x1xi32> to vector<16xi32>
        %gather3A_712 = tpu.dynamic_gather %add3A_702[%gather3A_711] in [0] : vector<16xf32>, vector<16xi32> -> vector<16xf32>
        %add3A_713 = arith.addf %add3A_702, %gather3A_712 : vector<16xf32>
        %lt3A_714 = arith.constant 0 : i32
        %lt3A_715 = vector.broadcast %lt3A_714 : i32 to vector<16xi32>
        %lt3A_716 = arith.cmpi slt, %xor3A_10, %lt3A_715 : vector<16xi32>
        %add3A_717 = arith.constant 16 : i32
        %add3A_718 = vector.broadcast %add3A_717 : i32 to vector<16xi32>
        %add3A_719 = arith.addi %xor3A_10, %add3A_718 : vector<16xi32>
        %select_n3A_720 = arith.select %lt3A_716, %add3A_719, %xor3A_10 : vector<16xi1>, vector<16xi32>
        %reshape3A_721 = vector.shape_cast %select_n3A_720 : vector<16xi32> to vector<16x1xi32>
        %gather3A_722 = vector.shape_cast %reshape3A_721 : vector<16x1xi32> to vector<16xi32>
        %gather3A_723 = tpu.dynamic_gather %add3A_713[%gather3A_722] in [0] : vector<16xf32>, vector<16xi32> -> vector<16xf32>
        %add3A_724 = arith.addf %add3A_713, %gather3A_723 : vector<16xf32>
        %lt3A_725 = arith.constant 0 : i32
        %lt3A_726 = vector.broadcast %lt3A_725 : i32 to vector<16xi32>
        %lt3A_727 = arith.cmpi slt, %xor3A_13, %lt3A_726 : vector<16xi32>
        %add3A_728 = arith.constant 16 : i32
        %add3A_729 = vector.broadcast %add3A_728 : i32 to vector<16xi32>
        %add3A_730 = arith.addi %xor3A_13, %add3A_729 : vector<16xi32>
        %select_n3A_731 = arith.select %lt3A_727, %add3A_730, %xor3A_13 : vector<16xi1>, vector<16xi32>
        %reshape3A_732 = vector.shape_cast %select_n3A_731 : vector<16xi32> to vector<16x1xi32>
        %gather3A_733 = vector.shape_cast %reshape3A_732 : vector<16x1xi32> to vector<16xi32>
        %gather3A_734 = tpu.dynamic_gather %add3A_724[%gather3A_733] in [0] : vector<16xf32>, vector<16xi32> -> vector<16xf32>
        %add3A_735 = arith.addf %add3A_724, %gather3A_734 : vector<16xf32>
        %eq3A_736 = arith.constant 6 : i32
        %eq3A_737 = vector.broadcast %eq3A_736 : i32 to vector<16xi32>
        %eq3A_738 = arith.cmpi eq, %iota3A, %eq3A_737 : vector<16xi32>
        %select_n3A_739 = arith.select %eq3A_738, %add3A_735, %select_n3A_640 : vector<16xi1>, vector<16xf32>
        %mul3A_740 = arith.constant 16 : i32
        %mul3A_741 = arith.muli %scan3A_51, %mul3A_740 : i32
        %add3A_742 = arith.constant 7 : i32
        %add3A_743 = arith.addi %mul3A_741, %add3A_742 : i32
        %get3A_744 = arith.index_cast %add3A_743 : i32 to index
        %get3A_745 = arith.constant 0 : index
        %get3A_746 = tpu.vector_load %arg12[%get3A_744, %get3A_745] {strides = array<i32>} : memref<256x64xf32, #tpu.memory_space<vmem>>, vector<16xf32>,
        %get3A_747 = arith.index_cast %add3A_743 : i32 to index
        %get3A_748 = arith.constant 0 : index
        %get3A_749 = tpu.vector_load %arg13[%get3A_747, %get3A_748] {strides = array<i32>} : memref<256x64xf32, #tpu.memory_space<vmem>>, vector<16xf32>,
        %mul3A_750 = arith.mulf %get3A_746, %get3A_749 : vector<16xf32>
        %get3A_751 = arith.index_cast %add3A_743 : i32 to index
        %get3A_752 = arith.constant 0 : index
        %get3A_753 = tpu.vector_load %arg14[%get3A_751, %get3A_752] {strides = array<i32>} : memref<256x64xf32, #tpu.memory_space<vmem>>, vector<16xf32>,
        %mul3A_754 = arith.mulf %mul3A_750, %get3A_753 : vector<16xf32>
        %get3A_755 = arith.index_cast %add3A_743 : i32 to index
        %get3A_756 = arith.constant 16 : index
        %get3A_757 = tpu.vector_load %arg12[%get3A_755, %get3A_756] {strides = array<i32>} : memref<256x64xf32, #tpu.memory_space<vmem>>, vector<16xf32>,
        %get3A_758 = arith.index_cast %add3A_743 : i32 to index
        %get3A_759 = arith.constant 16 : index
        %get3A_760 = tpu.vector_load %arg13[%get3A_758, %get3A_759] {strides = array<i32>} : memref<256x64xf32, #tpu.memory_space<vmem>>, vector<16xf32>,
        %mul3A_761 = arith.mulf %get3A_757, %get3A_760 : vector<16xf32>
        %get3A_762 = arith.index_cast %add3A_743 : i32 to index
        %get3A_763 = arith.constant 16 : index
        %get3A_764 = tpu.vector_load %arg14[%get3A_762, %get3A_763] {strides = array<i32>} : memref<256x64xf32, #tpu.memory_space<vmem>>, vector<16xf32>,
        %mul3A_765 = arith.mulf %mul3A_761, %get3A_764 : vector<16xf32>
        %add3A_766 = arith.addf %mul3A_754, %mul3A_765 : vector<16xf32>
        %get3A_767 = arith.index_cast %add3A_743 : i32 to index
        %get3A_768 = arith.constant 32 : index
        %get3A_769 = tpu.vector_load %arg12[%get3A_767, %get3A_768] {strides = array<i32>} : memref<256x64xf32, #tpu.memory_space<vmem>>, vector<16xf32>,
        %get3A_770 = arith.index_cast %add3A_743 : i32 to index
        %get3A_771 = arith.constant 32 : index
        %get3A_772 = tpu.vector_load %arg13[%get3A_770, %get3A_771] {strides = array<i32>} : memref<256x64xf32, #tpu.memory_space<vmem>>, vector<16xf32>,
        %mul3A_773 = arith.mulf %get3A_769, %get3A_772 : vector<16xf32>
        %get3A_774 = arith.index_cast %add3A_743 : i32 to index
        %get3A_775 = arith.constant 32 : index
        %get3A_776 = tpu.vector_load %arg14[%get3A_774, %get3A_775] {strides = array<i32>} : memref<256x64xf32, #tpu.memory_space<vmem>>, vector<16xf32>,
        %mul3A_777 = arith.mulf %mul3A_773, %get3A_776 : vector<16xf32>
        %add3A_778 = arith.addf %add3A_766, %mul3A_777 : vector<16xf32>
        %get3A_779 = arith.index_cast %add3A_743 : i32 to index
        %get3A_780 = arith.constant 48 : index
        %get3A_781 = tpu.vector_load %arg12[%get3A_779, %get3A_780] {strides = array<i32>} : memref<256x64xf32, #tpu.memory_space<vmem>>, vector<16xf32>,
        %get3A_782 = arith.index_cast %add3A_743 : i32 to index
        %get3A_783 = arith.constant 48 : index
        %get3A_784 = tpu.vector_load %arg13[%get3A_782, %get3A_783] {strides = array<i32>} : memref<256x64xf32, #tpu.memory_space<vmem>>, vector<16xf32>,
        %mul3A_785 = arith.mulf %get3A_781, %get3A_784 : vector<16xf32>
        %get3A_786 = arith.index_cast %add3A_743 : i32 to index
        %get3A_787 = arith.constant 48 : index
        %get3A_788 = tpu.vector_load %arg14[%get3A_786, %get3A_787] {strides = array<i32>} : memref<256x64xf32, #tpu.memory_space<vmem>>, vector<16xf32>,
        %mul3A_789 = arith.mulf %mul3A_785, %get3A_788 : vector<16xf32>
        %add3A_790 = arith.addf %add3A_778, %mul3A_789 : vector<16xf32>
        %lt3A_791 = arith.constant 0 : i32
        %lt3A_792 = vector.broadcast %lt3A_791 : i32 to vector<16xi32>
        %lt3A_793 = arith.cmpi slt, %xor3A_4, %lt3A_792 : vector<16xi32>
        %add3A_794 = arith.constant 16 : i32
        %add3A_795 = vector.broadcast %add3A_794 : i32 to vector<16xi32>
        %add3A_796 = arith.addi %xor3A_4, %add3A_795 : vector<16xi32>
        %select_n3A_797 = arith.select %lt3A_793, %add3A_796, %xor3A_4 : vector<16xi1>, vector<16xi32>
        %reshape3A_798 = vector.shape_cast %select_n3A_797 : vector<16xi32> to vector<16x1xi32>
        %gather3A_799 = vector.shape_cast %reshape3A_798 : vector<16x1xi32> to vector<16xi32>
        %gather3A_800 = tpu.dynamic_gather %add3A_790[%gather3A_799] in [0] : vector<16xf32>, vector<16xi32> -> vector<16xf32>
        %add3A_801 = arith.addf %add3A_790, %gather3A_800 : vector<16xf32>
        %lt3A_802 = arith.constant 0 : i32
        %lt3A_803 = vector.broadcast %lt3A_802 : i32 to vector<16xi32>
        %lt3A_804 = arith.cmpi slt, %xor3A_7, %lt3A_803 : vector<16xi32>
        %add3A_805 = arith.constant 16 : i32
        %add3A_806 = vector.broadcast %add3A_805 : i32 to vector<16xi32>
        %add3A_807 = arith.addi %xor3A_7, %add3A_806 : vector<16xi32>
        %select_n3A_808 = arith.select %lt3A_804, %add3A_807, %xor3A_7 : vector<16xi1>, vector<16xi32>
        %reshape3A_809 = vector.shape_cast %select_n3A_808 : vector<16xi32> to vector<16x1xi32>
        %gather3A_810 = vector.shape_cast %reshape3A_809 : vector<16x1xi32> to vector<16xi32>
        %gather3A_811 = tpu.dynamic_gather %add3A_801[%gather3A_810] in [0] : vector<16xf32>, vector<16xi32> -> vector<16xf32>
        %add3A_812 = arith.addf %add3A_801, %gather3A_811 : vector<16xf32>
        %lt3A_813 = arith.constant 0 : i32
        %lt3A_814 = vector.broadcast %lt3A_813 : i32 to vector<16xi32>
        %lt3A_815 = arith.cmpi slt, %xor3A_10, %lt3A_814 : vector<16xi32>
        %add3A_816 = arith.constant 16 : i32
        %add3A_817 = vector.broadcast %add3A_816 : i32 to vector<16xi32>
        %add3A_818 = arith.addi %xor3A_10, %add3A_817 : vector<16xi32>
        %select_n3A_819 = arith.select %lt3A_815, %add3A_818, %xor3A_10 : vector<16xi1>, vector<16xi32>
        %reshape3A_820 = vector.shape_cast %select_n3A_819 : vector<16xi32> to vector<16x1xi32>
        %gather3A_821 = vector.shape_cast %reshape3A_820 : vector<16x1xi32> to vector<16xi32>
        %gather3A_822 = tpu.dynamic_gather %add3A_812[%gather3A_821] in [0] : vector<16xf32>, vector<16xi32> -> vector<16xf32>
        %add3A_823 = arith.addf %add3A_812, %gather3A_822 : vector<16xf32>
        %lt3A_824 = arith.constant 0 : i32
        %lt3A_825 = vector.broadcast %lt3A_824 : i32 to vector<16xi32>
        %lt3A_826 = arith.cmpi slt, %xor3A_13, %lt3A_825 : vector<16xi32>
        %add3A_827 = arith.constant 16 : i32
        %add3A_828 = vector.broadcast %add3A_827 : i32 to vector<16xi32>
        %add3A_829 = arith.addi %xor3A_13, %add3A_828 : vector<16xi32>
        %select_n3A_830 = arith.select %lt3A_826, %add3A_829, %xor3A_13 : vector<16xi1>, vector<16xi32>
        %reshape3A_831 = vector.shape_cast %select_n3A_830 : vector<16xi32> to vector<16x1xi32>
        %gather3A_832 = vector.shape_cast %reshape3A_831 : vector<16x1xi32> to vector<16xi32>
        %gather3A_833 = tpu.dynamic_gather %add3A_823[%gather3A_832] in [0] : vector<16xf32>, vector<16xi32> -> vector<16xf32>
        %add3A_834 = arith.addf %add3A_823, %gather3A_833 : vector<16xf32>
        %eq3A_835 = arith.constant 7 : i32
        %eq3A_836 = vector.broadcast %eq3A_835 : i32 to vector<16xi32>
        %eq3A_837 = arith.cmpi eq, %iota3A, %eq3A_836 : vector<16xi32>
        %select_n3A_838 = arith.select %eq3A_837, %add3A_834, %select_n3A_739 : vector<16xi1>, vector<16xf32>
        %mul3A_839 = arith.constant 16 : i32
        %mul3A_840 = arith.muli %scan3A_51, %mul3A_839 : i32
        %add3A_841 = arith.constant 8 : i32
        %add3A_842 = arith.addi %mul3A_840, %add3A_841 : i32
        %get3A_843 = arith.index_cast %add3A_842 : i32 to index
        %get3A_844 = arith.constant 0 : index
        %get3A_845 = tpu.vector_load %arg12[%get3A_843, %get3A_844] {strides = array<i32>} : memref<256x64xf32, #tpu.memory_space<vmem>>, vector<16xf32>,
        %get3A_846 = arith.index_cast %add3A_842 : i32 to index
        %get3A_847 = arith.constant 0 : index
        %get3A_848 = tpu.vector_load %arg13[%get3A_846, %get3A_847] {strides = array<i32>} : memref<256x64xf32, #tpu.memory_space<vmem>>, vector<16xf32>,
        %mul3A_849 = arith.mulf %get3A_845, %get3A_848 : vector<16xf32>
        %get3A_850 = arith.index_cast %add3A_842 : i32 to index
        %get3A_851 = arith.constant 0 : index
        %get3A_852 = tpu.vector_load %arg14[%get3A_850, %get3A_851] {strides = array<i32>} : memref<256x64xf32, #tpu.memory_space<vmem>>, vector<16xf32>,
        %mul3A_853 = arith.mulf %mul3A_849, %get3A_852 : vector<16xf32>
        %get3A_854 = arith.index_cast %add3A_842 : i32 to index
        %get3A_855 = arith.constant 16 : index
        %get3A_856 = tpu.vector_load %arg12[%get3A_854, %get3A_855] {strides = array<i32>} : memref<256x64xf32, #tpu.memory_space<vmem>>, vector<16xf32>,
        %get3A_857 = arith.index_cast %add3A_842 : i32 to index
        %get3A_858 = arith.constant 16 : index
        %get3A_859 = tpu.vector_load %arg13[%get3A_857, %get3A_858] {strides = array<i32>} : memref<256x64xf32, #tpu.memory_space<vmem>>, vector<16xf32>,
        %mul3A_860 = arith.mulf %get3A_856, %get3A_859 : vector<16xf32>
        %get3A_861 = arith.index_cast %add3A_842 : i32 to index
        %get3A_862 = arith.constant 16 : index
        %get3A_863 = tpu.vector_load %arg14[%get3A_861, %get3A_862] {strides = array<i32>} : memref<256x64xf32, #tpu.memory_space<vmem>>, vector<16xf32>,
        %mul3A_864 = arith.mulf %mul3A_860, %get3A_863 : vector<16xf32>
        %add3A_865 = arith.addf %mul3A_853, %mul3A_864 : vector<16xf32>
        %get3A_866 = arith.index_cast %add3A_842 : i32 to index
        %get3A_867 = arith.constant 32 : index
        %get3A_868 = tpu.vector_load %arg12[%get3A_866, %get3A_867] {strides = array<i32>} : memref<256x64xf32, #tpu.memory_space<vmem>>, vector<16xf32>,
        %get3A_869 = arith.index_cast %add3A_842 : i32 to index
        %get3A_870 = arith.constant 32 : index
        %get3A_871 = tpu.vector_load %arg13[%get3A_869, %get3A_870] {strides = array<i32>} : memref<256x64xf32, #tpu.memory_space<vmem>>, vector<16xf32>,
        %mul3A_872 = arith.mulf %get3A_868, %get3A_871 : vector<16xf32>
        %get3A_873 = arith.index_cast %add3A_842 : i32 to index
        %get3A_874 = arith.constant 32 : index
        %get3A_875 = tpu.vector_load %arg14[%get3A_873, %get3A_874] {strides = array<i32>} : memref<256x64xf32, #tpu.memory_space<vmem>>, vector<16xf32>,
        %mul3A_876 = arith.mulf %mul3A_872, %get3A_875 : vector<16xf32>
        %add3A_877 = arith.addf %add3A_865, %mul3A_876 : vector<16xf32>
        %get3A_878 = arith.index_cast %add3A_842 : i32 to index
        %get3A_879 = arith.constant 48 : index
        %get3A_880 = tpu.vector_load %arg12[%get3A_878, %get3A_879] {strides = array<i32>} : memref<256x64xf32, #tpu.memory_space<vmem>>, vector<16xf32>,
        %get3A_881 = arith.index_cast %add3A_842 : i32 to index
        %get3A_882 = arith.constant 48 : index
        %get3A_883 = tpu.vector_load %arg13[%get3A_881, %get3A_882] {strides = array<i32>} : memref<256x64xf32, #tpu.memory_space<vmem>>, vector<16xf32>,
        %mul3A_884 = arith.mulf %get3A_880, %get3A_883 : vector<16xf32>
        %get3A_885 = arith.index_cast %add3A_842 : i32 to index
        %get3A_886 = arith.constant 48 : index
        %get3A_887 = tpu.vector_load %arg14[%get3A_885, %get3A_886] {strides = array<i32>} : memref<256x64xf32, #tpu.memory_space<vmem>>, vector<16xf32>,
        %mul3A_888 = arith.mulf %mul3A_884, %get3A_887 : vector<16xf32>
        %add3A_889 = arith.addf %add3A_877, %mul3A_888 : vector<16xf32>
        %lt3A_890 = arith.constant 0 : i32
        %lt3A_891 = vector.broadcast %lt3A_890 : i32 to vector<16xi32>
        %lt3A_892 = arith.cmpi slt, %xor3A_4, %lt3A_891 : vector<16xi32>
        %add3A_893 = arith.constant 16 : i32
        %add3A_894 = vector.broadcast %add3A_893 : i32 to vector<16xi32>
        %add3A_895 = arith.addi %xor3A_4, %add3A_894 : vector<16xi32>
        %select_n3A_896 = arith.select %lt3A_892, %add3A_895, %xor3A_4 : vector<16xi1>, vector<16xi32>
        %reshape3A_897 = vector.shape_cast %select_n3A_896 : vector<16xi32> to vector<16x1xi32>
        %gather3A_898 = vector.shape_cast %reshape3A_897 : vector<16x1xi32> to vector<16xi32>
        %gather3A_899 = tpu.dynamic_gather %add3A_889[%gather3A_898] in [0] : vector<16xf32>, vector<16xi32> -> vector<16xf32>
        %add3A_900 = arith.addf %add3A_889, %gather3A_899 : vector<16xf32>
        %lt3A_901 = arith.constant 0 : i32
        %lt3A_902 = vector.broadcast %lt3A_901 : i32 to vector<16xi32>
        %lt3A_903 = arith.cmpi slt, %xor3A_7, %lt3A_902 : vector<16xi32>
        %add3A_904 = arith.constant 16 : i32
        %add3A_905 = vector.broadcast %add3A_904 : i32 to vector<16xi32>
        %add3A_906 = arith.addi %xor3A_7, %add3A_905 : vector<16xi32>
        %select_n3A_907 = arith.select %lt3A_903, %add3A_906, %xor3A_7 : vector<16xi1>, vector<16xi32>
        %reshape3A_908 = vector.shape_cast %select_n3A_907 : vector<16xi32> to vector<16x1xi32>
        %gather3A_909 = vector.shape_cast %reshape3A_908 : vector<16x1xi32> to vector<16xi32>
        %gather3A_910 = tpu.dynamic_gather %add3A_900[%gather3A_909] in [0] : vector<16xf32>, vector<16xi32> -> vector<16xf32>
        %add3A_911 = arith.addf %add3A_900, %gather3A_910 : vector<16xf32>
        %lt3A_912 = arith.constant 0 : i32
        %lt3A_913 = vector.broadcast %lt3A_912 : i32 to vector<16xi32>
        %lt3A_914 = arith.cmpi slt, %xor3A_10, %lt3A_913 : vector<16xi32>
        %add3A_915 = arith.constant 16 : i32
        %add3A_916 = vector.broadcast %add3A_915 : i32 to vector<16xi32>
        %add3A_917 = arith.addi %xor3A_10, %add3A_916 : vector<16xi32>
        %select_n3A_918 = arith.select %lt3A_914, %add3A_917, %xor3A_10 : vector<16xi1>, vector<16xi32>
        %reshape3A_919 = vector.shape_cast %select_n3A_918 : vector<16xi32> to vector<16x1xi32>
        %gather3A_920 = vector.shape_cast %reshape3A_919 : vector<16x1xi32> to vector<16xi32>
        %gather3A_921 = tpu.dynamic_gather %add3A_911[%gather3A_920] in [0] : vector<16xf32>, vector<16xi32> -> vector<16xf32>
        %add3A_922 = arith.addf %add3A_911, %gather3A_921 : vector<16xf32>
        %lt3A_923 = arith.constant 0 : i32
        %lt3A_924 = vector.broadcast %lt3A_923 : i32 to vector<16xi32>
        %lt3A_925 = arith.cmpi slt, %xor3A_13, %lt3A_924 : vector<16xi32>
        %add3A_926 = arith.constant 16 : i32
        %add3A_927 = vector.broadcast %add3A_926 : i32 to vector<16xi32>
        %add3A_928 = arith.addi %xor3A_13, %add3A_927 : vector<16xi32>
        %select_n3A_929 = arith.select %lt3A_925, %add3A_928, %xor3A_13 : vector<16xi1>, vector<16xi32>
        %reshape3A_930 = vector.shape_cast %select_n3A_929 : vector<16xi32> to vector<16x1xi32>
        %gather3A_931 = vector.shape_cast %reshape3A_930 : vector<16x1xi32> to vector<16xi32>
        %gather3A_932 = tpu.dynamic_gather %add3A_922[%gather3A_931] in [0] : vector<16xf32>, vector<16xi32> -> vector<16xf32>
        %add3A_933 = arith.addf %add3A_922, %gather3A_932 : vector<16xf32>
        %eq3A_934 = arith.constant 8 : i32
        %eq3A_935 = vector.broadcast %eq3A_934 : i32 to vector<16xi32>
        %eq3A_936 = arith.cmpi eq, %iota3A, %eq3A_935 : vector<16xi32>
        %select_n3A_937 = arith.select %eq3A_936, %add3A_933, %select_n3A_838 : vector<16xi1>, vector<16xf32>
        %mul3A_938 = arith.constant 16 : i32
        %mul3A_939 = arith.muli %scan3A_51, %mul3A_938 : i32
        %add3A_940 = arith.constant 9 : i32
        %add3A_941 = arith.addi %mul3A_939, %add3A_940 : i32
        %get3A_942 = arith.index_cast %add3A_941 : i32 to index
        %get3A_943 = arith.constant 0 : index
        %get3A_944 = tpu.vector_load %arg12[%get3A_942, %get3A_943] {strides = array<i32>} : memref<256x64xf32, #tpu.memory_space<vmem>>, vector<16xf32>,
        %get3A_945 = arith.index_cast %add3A_941 : i32 to index
        %get3A_946 = arith.constant 0 : index
        %get3A_947 = tpu.vector_load %arg13[%get3A_945, %get3A_946] {strides = array<i32>} : memref<256x64xf32, #tpu.memory_space<vmem>>, vector<16xf32>,
        %mul3A_948 = arith.mulf %get3A_944, %get3A_947 : vector<16xf32>
        %get3A_949 = arith.index_cast %add3A_941 : i32 to index
        %get3A_950 = arith.constant 0 : index
        %get3A_951 = tpu.vector_load %arg14[%get3A_949, %get3A_950] {strides = array<i32>} : memref<256x64xf32, #tpu.memory_space<vmem>>, vector<16xf32>,
        %mul3A_952 = arith.mulf %mul3A_948, %get3A_951 : vector<16xf32>
        %get3A_953 = arith.index_cast %add3A_941 : i32 to index
        %get3A_954 = arith.constant 16 : index
        %get3A_955 = tpu.vector_load %arg12[%get3A_953, %get3A_954] {strides = array<i32>} : memref<256x64xf32, #tpu.memory_space<vmem>>, vector<16xf32>,
        %get3A_956 = arith.index_cast %add3A_941 : i32 to index
        %get3A_957 = arith.constant 16 : index
        %get3A_958 = tpu.vector_load %arg13[%get3A_956, %get3A_957] {strides = array<i32>} : memref<256x64xf32, #tpu.memory_space<vmem>>, vector<16xf32>,
        %mul3A_959 = arith.mulf %get3A_955, %get3A_958 : vector<16xf32>
        %get3A_960 = arith.index_cast %add3A_941 : i32 to index
        %get3A_961 = arith.constant 16 : index
        %get3A_962 = tpu.vector_load %arg14[%get3A_960, %get3A_961] {strides = array<i32>} : memref<256x64xf32, #tpu.memory_space<vmem>>, vector<16xf32>,
        %mul3A_963 = arith.mulf %mul3A_959, %get3A_962 : vector<16xf32>
        %add3A_964 = arith.addf %mul3A_952, %mul3A_963 : vector<16xf32>
        %get3A_965 = arith.index_cast %add3A_941 : i32 to index
        %get3A_966 = arith.constant 32 : index
        %get3A_967 = tpu.vector_load %arg12[%get3A_965, %get3A_966] {strides = array<i32>} : memref<256x64xf32, #tpu.memory_space<vmem>>, vector<16xf32>,
        %get3A_968 = arith.index_cast %add3A_941 : i32 to index
        %get3A_969 = arith.constant 32 : index
        %get3A_970 = tpu.vector_load %arg13[%get3A_968, %get3A_969] {strides = array<i32>} : memref<256x64xf32, #tpu.memory_space<vmem>>, vector<16xf32>,
        %mul3A_971 = arith.mulf %get3A_967, %get3A_970 : vector<16xf32>
        %get3A_972 = arith.index_cast %add3A_941 : i32 to index
        %get3A_973 = arith.constant 32 : index
        %get3A_974 = tpu.vector_load %arg14[%get3A_972, %get3A_973] {strides = array<i32>} : memref<256x64xf32, #tpu.memory_space<vmem>>, vector<16xf32>,
        %mul3A_975 = arith.mulf %mul3A_971, %get3A_974 : vector<16xf32>
        %add3A_976 = arith.addf %add3A_964, %mul3A_975 : vector<16xf32>
        %get3A_977 = arith.index_cast %add3A_941 : i32 to index
        %get3A_978 = arith.constant 48 : index
        %get3A_979 = tpu.vector_load %arg12[%get3A_977, %get3A_978] {strides = array<i32>} : memref<256x64xf32, #tpu.memory_space<vmem>>, vector<16xf32>,
        %get3A_980 = arith.index_cast %add3A_941 : i32 to index
        %get3A_981 = arith.constant 48 : index
        %get3A_982 = tpu.vector_load %arg13[%get3A_980, %get3A_981] {strides = array<i32>} : memref<256x64xf32, #tpu.memory_space<vmem>>, vector<16xf32>,
        %mul3A_983 = arith.mulf %get3A_979, %get3A_982 : vector<16xf32>
        %get3A_984 = arith.index_cast %add3A_941 : i32 to index
        %get3A_985 = arith.constant 48 : index
        %get3A_986 = tpu.vector_load %arg14[%get3A_984, %get3A_985] {strides = array<i32>} : memref<256x64xf32, #tpu.memory_space<vmem>>, vector<16xf32>,
        %mul3A_987 = arith.mulf %mul3A_983, %get3A_986 : vector<16xf32>
        %add3A_988 = arith.addf %add3A_976, %mul3A_987 : vector<16xf32>
        %lt3A_989 = arith.constant 0 : i32
        %lt3A_990 = vector.broadcast %lt3A_989 : i32 to vector<16xi32>
        %lt3A_991 = arith.cmpi slt, %xor3A_4, %lt3A_990 : vector<16xi32>
        %add3A_992 = arith.constant 16 : i32
        %add3A_993 = vector.broadcast %add3A_992 : i32 to vector<16xi32>
        %add3A_994 = arith.addi %xor3A_4, %add3A_993 : vector<16xi32>
        %select_n3A_995 = arith.select %lt3A_991, %add3A_994, %xor3A_4 : vector<16xi1>, vector<16xi32>
        %reshape3A_996 = vector.shape_cast %select_n3A_995 : vector<16xi32> to vector<16x1xi32>
        %gather3A_997 = vector.shape_cast %reshape3A_996 : vector<16x1xi32> to vector<16xi32>
        %gather3A_998 = tpu.dynamic_gather %add3A_988[%gather3A_997] in [0] : vector<16xf32>, vector<16xi32> -> vector<16xf32>
        %add3A_999 = arith.addf %add3A_988, %gather3A_998 : vector<16xf32>
        %lt3A_1000 = arith.constant 0 : i32
        %lt3A_1001 = vector.broadcast %lt3A_1000 : i32 to vector<16xi32>
        %lt3A_1002 = arith.cmpi slt, %xor3A_7, %lt3A_1001 : vector<16xi32>
        %add3A_1003 = arith.constant 16 : i32
        %add3A_1004 = vector.broadcast %add3A_1003 : i32 to vector<16xi32>
        %add3A_1005 = arith.addi %xor3A_7, %add3A_1004 : vector<16xi32>
        %select_n3A_1006 = arith.select %lt3A_1002, %add3A_1005, %xor3A_7 : vector<16xi1>, vector<16xi32>
        %reshape3A_1007 = vector.shape_cast %select_n3A_1006 : vector<16xi32> to vector<16x1xi32>
        %gather3A_1008 = vector.shape_cast %reshape3A_1007 : vector<16x1xi32> to vector<16xi32>
        %gather3A_1009 = tpu.dynamic_gather %add3A_999[%gather3A_1008] in [0] : vector<16xf32>, vector<16xi32> -> vector<16xf32>
        %add3A_1010 = arith.addf %add3A_999, %gather3A_1009 : vector<16xf32>
        %lt3A_1011 = arith.constant 0 : i32
        %lt3A_1012 = vector.broadcast %lt3A_1011 : i32 to vector<16xi32>
        %lt3A_1013 = arith.cmpi slt, %xor3A_10, %lt3A_1012 : vector<16xi32>
        %add3A_1014 = arith.constant 16 : i32
        %add3A_1015 = vector.broadcast %add3A_1014 : i32 to vector<16xi32>
        %add3A_1016 = arith.addi %xor3A_10, %add3A_1015 : vector<16xi32>
        %select_n3A_1017 = arith.select %lt3A_1013, %add3A_1016, %xor3A_10 : vector<16xi1>, vector<16xi32>
        %reshape3A_1018 = vector.shape_cast %select_n3A_1017 : vector<16xi32> to vector<16x1xi32>
        %gather3A_1019 = vector.shape_cast %reshape3A_1018 : vector<16x1xi32> to vector<16xi32>
        %gather3A_1020 = tpu.dynamic_gather %add3A_1010[%gather3A_1019] in [0] : vector<16xf32>, vector<16xi32> -> vector<16xf32>
        %add3A_1021 = arith.addf %add3A_1010, %gather3A_1020 : vector<16xf32>
        %lt3A_1022 = arith.constant 0 : i32
        %lt3A_1023 = vector.broadcast %lt3A_1022 : i32 to vector<16xi32>
        %lt3A_1024 = arith.cmpi slt, %xor3A_13, %lt3A_1023 : vector<16xi32>
        %add3A_1025 = arith.constant 16 : i32
        %add3A_1026 = vector.broadcast %add3A_1025 : i32 to vector<16xi32>
        %add3A_1027 = arith.addi %xor3A_13, %add3A_1026 : vector<16xi32>
        %select_n3A_1028 = arith.select %lt3A_1024, %add3A_1027, %xor3A_13 : vector<16xi1>, vector<16xi32>
        %reshape3A_1029 = vector.shape_cast %select_n3A_1028 : vector<16xi32> to vector<16x1xi32>
        %gather3A_1030 = vector.shape_cast %reshape3A_1029 : vector<16x1xi32> to vector<16xi32>
        %gather3A_1031 = tpu.dynamic_gather %add3A_1021[%gather3A_1030] in [0] : vector<16xf32>, vector<16xi32> -> vector<16xf32>
        %add3A_1032 = arith.addf %add3A_1021, %gather3A_1031 : vector<16xf32>
        %eq3A_1033 = arith.constant 9 : i32
        %eq3A_1034 = vector.broadcast %eq3A_1033 : i32 to vector<16xi32>
        %eq3A_1035 = arith.cmpi eq, %iota3A, %eq3A_1034 : vector<16xi32>
        %select_n3A_1036 = arith.select %eq3A_1035, %add3A_1032, %select_n3A_937 : vector<16xi1>, vector<16xf32>
        %mul3A_1037 = arith.constant 16 : i32
        %mul3A_1038 = arith.muli %scan3A_51, %mul3A_1037 : i32
        %add3A_1039 = arith.constant 10 : i32
        %add3A_1040 = arith.addi %mul3A_1038, %add3A_1039 : i32
        %get3A_1041 = arith.index_cast %add3A_1040 : i32 to index
        %get3A_1042 = arith.constant 0 : index
        %get3A_1043 = tpu.vector_load %arg12[%get3A_1041, %get3A_1042] {strides = array<i32>} : memref<256x64xf32, #tpu.memory_space<vmem>>, vector<16xf32>,
        %get3A_1044 = arith.index_cast %add3A_1040 : i32 to index
        %get3A_1045 = arith.constant 0 : index
        %get3A_1046 = tpu.vector_load %arg13[%get3A_1044, %get3A_1045] {strides = array<i32>} : memref<256x64xf32, #tpu.memory_space<vmem>>, vector<16xf32>,
        %mul3A_1047 = arith.mulf %get3A_1043, %get3A_1046 : vector<16xf32>
        %get3A_1048 = arith.index_cast %add3A_1040 : i32 to index
        %get3A_1049 = arith.constant 0 : index
        %get3A_1050 = tpu.vector_load %arg14[%get3A_1048, %get3A_1049] {strides = array<i32>} : memref<256x64xf32, #tpu.memory_space<vmem>>, vector<16xf32>,
        %mul3A_1051 = arith.mulf %mul3A_1047, %get3A_1050 : vector<16xf32>
        %get3A_1052 = arith.index_cast %add3A_1040 : i32 to index
        %get3A_1053 = arith.constant 16 : index
        %get3A_1054 = tpu.vector_load %arg12[%get3A_1052, %get3A_1053] {strides = array<i32>} : memref<256x64xf32, #tpu.memory_space<vmem>>, vector<16xf32>,
        %get3A_1055 = arith.index_cast %add3A_1040 : i32 to index
        %get3A_1056 = arith.constant 16 : index
        %get3A_1057 = tpu.vector_load %arg13[%get3A_1055, %get3A_1056] {strides = array<i32>} : memref<256x64xf32, #tpu.memory_space<vmem>>, vector<16xf32>,
        %mul3A_1058 = arith.mulf %get3A_1054, %get3A_1057 : vector<16xf32>
        %get3A_1059 = arith.index_cast %add3A_1040 : i32 to index
        %get3A_1060 = arith.constant 16 : index
        %get3A_1061 = tpu.vector_load %arg14[%get3A_1059, %get3A_1060] {strides = array<i32>} : memref<256x64xf32, #tpu.memory_space<vmem>>, vector<16xf32>,
        %mul3A_1062 = arith.mulf %mul3A_1058, %get3A_1061 : vector<16xf32>
        %add3A_1063 = arith.addf %mul3A_1051, %mul3A_1062 : vector<16xf32>
        %get3A_1064 = arith.index_cast %add3A_1040 : i32 to index
        %get3A_1065 = arith.constant 32 : index
        %get3A_1066 = tpu.vector_load %arg12[%get3A_1064, %get3A_1065] {strides = array<i32>} : memref<256x64xf32, #tpu.memory_space<vmem>>, vector<16xf32>,
        %get3A_1067 = arith.index_cast %add3A_1040 : i32 to index
        %get3A_1068 = arith.constant 32 : index
        %get3A_1069 = tpu.vector_load %arg13[%get3A_1067, %get3A_1068] {strides = array<i32>} : memref<256x64xf32, #tpu.memory_space<vmem>>, vector<16xf32>,
        %mul3A_1070 = arith.mulf %get3A_1066, %get3A_1069 : vector<16xf32>
        %get3A_1071 = arith.index_cast %add3A_1040 : i32 to index
        %get3A_1072 = arith.constant 32 : index
        %get3A_1073 = tpu.vector_load %arg14[%get3A_1071, %get3A_1072] {strides = array<i32>} : memref<256x64xf32, #tpu.memory_space<vmem>>, vector<16xf32>,
        %mul3A_1074 = arith.mulf %mul3A_1070, %get3A_1073 : vector<16xf32>
        %add3A_1075 = arith.addf %add3A_1063, %mul3A_1074 : vector<16xf32>
        %get3A_1076 = arith.index_cast %add3A_1040 : i32 to index
        %get3A_1077 = arith.constant 48 : index
        %get3A_1078 = tpu.vector_load %arg12[%get3A_1076, %get3A_1077] {strides = array<i32>} : memref<256x64xf32, #tpu.memory_space<vmem>>, vector<16xf32>,
        %get3A_1079 = arith.index_cast %add3A_1040 : i32 to index
        %get3A_1080 = arith.constant 48 : index
        %get3A_1081 = tpu.vector_load %arg13[%get3A_1079, %get3A_1080] {strides = array<i32>} : memref<256x64xf32, #tpu.memory_space<vmem>>, vector<16xf32>,
        %mul3A_1082 = arith.mulf %get3A_1078, %get3A_1081 : vector<16xf32>
        %get3A_1083 = arith.index_cast %add3A_1040 : i32 to index
        %get3A_1084 = arith.constant 48 : index
        %get3A_1085 = tpu.vector_load %arg14[%get3A_1083, %get3A_1084] {strides = array<i32>} : memref<256x64xf32, #tpu.memory_space<vmem>>, vector<16xf32>,
        %mul3A_1086 = arith.mulf %mul3A_1082, %get3A_1085 : vector<16xf32>
        %add3A_1087 = arith.addf %add3A_1075, %mul3A_1086 : vector<16xf32>
        %lt3A_1088 = arith.constant 0 : i32
        %lt3A_1089 = vector.broadcast %lt3A_1088 : i32 to vector<16xi32>
        %lt3A_1090 = arith.cmpi slt, %xor3A_4, %lt3A_1089 : vector<16xi32>
        %add3A_1091 = arith.constant 16 : i32
        %add3A_1092 = vector.broadcast %add3A_1091 : i32 to vector<16xi32>
        %add3A_1093 = arith.addi %xor3A_4, %add3A_1092 : vector<16xi32>
        %select_n3A_1094 = arith.select %lt3A_1090, %add3A_1093, %xor3A_4 : vector<16xi1>, vector<16xi32>
        %reshape3A_1095 = vector.shape_cast %select_n3A_1094 : vector<16xi32> to vector<16x1xi32>
        %gather3A_1096 = vector.shape_cast %reshape3A_1095 : vector<16x1xi32> to vector<16xi32>
        %gather3A_1097 = tpu.dynamic_gather %add3A_1087[%gather3A_1096] in [0] : vector<16xf32>, vector<16xi32> -> vector<16xf32>
        %add3A_1098 = arith.addf %add3A_1087, %gather3A_1097 : vector<16xf32>
        %lt3A_1099 = arith.constant 0 : i32
        %lt3A_1100 = vector.broadcast %lt3A_1099 : i32 to vector<16xi32>
        %lt3A_1101 = arith.cmpi slt, %xor3A_7, %lt3A_1100 : vector<16xi32>
        %add3A_1102 = arith.constant 16 : i32
        %add3A_1103 = vector.broadcast %add3A_1102 : i32 to vector<16xi32>
        %add3A_1104 = arith.addi %xor3A_7, %add3A_1103 : vector<16xi32>
        %select_n3A_1105 = arith.select %lt3A_1101, %add3A_1104, %xor3A_7 : vector<16xi1>, vector<16xi32>
        %reshape3A_1106 = vector.shape_cast %select_n3A_1105 : vector<16xi32> to vector<16x1xi32>
        %gather3A_1107 = vector.shape_cast %reshape3A_1106 : vector<16x1xi32> to vector<16xi32>
        %gather3A_1108 = tpu.dynamic_gather %add3A_1098[%gather3A_1107] in [0] : vector<16xf32>, vector<16xi32> -> vector<16xf32>
        %add3A_1109 = arith.addf %add3A_1098, %gather3A_1108 : vector<16xf32>
        %lt3A_1110 = arith.constant 0 : i32
        %lt3A_1111 = vector.broadcast %lt3A_1110 : i32 to vector<16xi32>
        %lt3A_1112 = arith.cmpi slt, %xor3A_10, %lt3A_1111 : vector<16xi32>
        %add3A_1113 = arith.constant 16 : i32
        %add3A_1114 = vector.broadcast %add3A_1113 : i32 to vector<16xi32>
        %add3A_1115 = arith.addi %xor3A_10, %add3A_1114 : vector<16xi32>
        %select_n3A_1116 = arith.select %lt3A_1112, %add3A_1115, %xor3A_10 : vector<16xi1>, vector<16xi32>
        %reshape3A_1117 = vector.shape_cast %select_n3A_1116 : vector<16xi32> to vector<16x1xi32>
        %gather3A_1118 = vector.shape_cast %reshape3A_1117 : vector<16x1xi32> to vector<16xi32>
        %gather3A_1119 = tpu.dynamic_gather %add3A_1109[%gather3A_1118] in [0] : vector<16xf32>, vector<16xi32> -> vector<16xf32>
        %add3A_1120 = arith.addf %add3A_1109, %gather3A_1119 : vector<16xf32>
        %lt3A_1121 = arith.constant 0 : i32
        %lt3A_1122 = vector.broadcast %lt3A_1121 : i32 to vector<16xi32>
        %lt3A_1123 = arith.cmpi slt, %xor3A_13, %lt3A_1122 : vector<16xi32>
        %add3A_1124 = arith.constant 16 : i32
        %add3A_1125 = vector.broadcast %add3A_1124 : i32 to vector<16xi32>
        %add3A_1126 = arith.addi %xor3A_13, %add3A_1125 : vector<16xi32>
        %select_n3A_1127 = arith.select %lt3A_1123, %add3A_1126, %xor3A_13 : vector<16xi1>, vector<16xi32>
        %reshape3A_1128 = vector.shape_cast %select_n3A_1127 : vector<16xi32> to vector<16x1xi32>
        %gather3A_1129 = vector.shape_cast %reshape3A_1128 : vector<16x1xi32> to vector<16xi32>
        %gather3A_1130 = tpu.dynamic_gather %add3A_1120[%gather3A_1129] in [0] : vector<16xf32>, vector<16xi32> -> vector<16xf32>
        %add3A_1131 = arith.addf %add3A_1120, %gather3A_1130 : vector<16xf32>
        %eq3A_1132 = arith.constant 10 : i32
        %eq3A_1133 = vector.broadcast %eq3A_1132 : i32 to vector<16xi32>
        %eq3A_1134 = arith.cmpi eq, %iota3A, %eq3A_1133 : vector<16xi32>
        %select_n3A_1135 = arith.select %eq3A_1134, %add3A_1131, %select_n3A_1036 : vector<16xi1>, vector<16xf32>
        %mul3A_1136 = arith.constant 16 : i32
        %mul3A_1137 = arith.muli %scan3A_51, %mul3A_1136 : i32
        %add3A_1138 = arith.constant 11 : i32
        %add3A_1139 = arith.addi %mul3A_1137, %add3A_1138 : i32
        %get3A_1140 = arith.index_cast %add3A_1139 : i32 to index
        %get3A_1141 = arith.constant 0 : index
        %get3A_1142 = tpu.vector_load %arg12[%get3A_1140, %get3A_1141] {strides = array<i32>} : memref<256x64xf32, #tpu.memory_space<vmem>>, vector<16xf32>,
        %get3A_1143 = arith.index_cast %add3A_1139 : i32 to index
        %get3A_1144 = arith.constant 0 : index
        %get3A_1145 = tpu.vector_load %arg13[%get3A_1143, %get3A_1144] {strides = array<i32>} : memref<256x64xf32, #tpu.memory_space<vmem>>, vector<16xf32>,
        %mul3A_1146 = arith.mulf %get3A_1142, %get3A_1145 : vector<16xf32>
        %get3A_1147 = arith.index_cast %add3A_1139 : i32 to index
        %get3A_1148 = arith.constant 0 : index
        %get3A_1149 = tpu.vector_load %arg14[%get3A_1147, %get3A_1148] {strides = array<i32>} : memref<256x64xf32, #tpu.memory_space<vmem>>, vector<16xf32>,
        %mul3A_1150 = arith.mulf %mul3A_1146, %get3A_1149 : vector<16xf32>
        %get3A_1151 = arith.index_cast %add3A_1139 : i32 to index
        %get3A_1152 = arith.constant 16 : index
        %get3A_1153 = tpu.vector_load %arg12[%get3A_1151, %get3A_1152] {strides = array<i32>} : memref<256x64xf32, #tpu.memory_space<vmem>>, vector<16xf32>,
        %get3A_1154 = arith.index_cast %add3A_1139 : i32 to index
        %get3A_1155 = arith.constant 16 : index
        %get3A_1156 = tpu.vector_load %arg13[%get3A_1154, %get3A_1155] {strides = array<i32>} : memref<256x64xf32, #tpu.memory_space<vmem>>, vector<16xf32>,
        %mul3A_1157 = arith.mulf %get3A_1153, %get3A_1156 : vector<16xf32>
        %get3A_1158 = arith.index_cast %add3A_1139 : i32 to index
        %get3A_1159 = arith.constant 16 : index
        %get3A_1160 = tpu.vector_load %arg14[%get3A_1158, %get3A_1159] {strides = array<i32>} : memref<256x64xf32, #tpu.memory_space<vmem>>, vector<16xf32>,
        %mul3A_1161 = arith.mulf %mul3A_1157, %get3A_1160 : vector<16xf32>
        %add3A_1162 = arith.addf %mul3A_1150, %mul3A_1161 : vector<16xf32>
        %get3A_1163 = arith.index_cast %add3A_1139 : i32 to index
        %get3A_1164 = arith.constant 32 : index
        %get3A_1165 = tpu.vector_load %arg12[%get3A_1163, %get3A_1164] {strides = array<i32>} : memref<256x64xf32, #tpu.memory_space<vmem>>, vector<16xf32>,
        %get3A_1166 = arith.index_cast %add3A_1139 : i32 to index
        %get3A_1167 = arith.constant 32 : index
        %get3A_1168 = tpu.vector_load %arg13[%get3A_1166, %get3A_1167] {strides = array<i32>} : memref<256x64xf32, #tpu.memory_space<vmem>>, vector<16xf32>,
        %mul3A_1169 = arith.mulf %get3A_1165, %get3A_1168 : vector<16xf32>
        %get3A_1170 = arith.index_cast %add3A_1139 : i32 to index
        %get3A_1171 = arith.constant 32 : index
        %get3A_1172 = tpu.vector_load %arg14[%get3A_1170, %get3A_1171] {strides = array<i32>} : memref<256x64xf32, #tpu.memory_space<vmem>>, vector<16xf32>,
        %mul3A_1173 = arith.mulf %mul3A_1169, %get3A_1172 : vector<16xf32>
        %add3A_1174 = arith.addf %add3A_1162, %mul3A_1173 : vector<16xf32>
        %get3A_1175 = arith.index_cast %add3A_1139 : i32 to index
        %get3A_1176 = arith.constant 48 : index
        %get3A_1177 = tpu.vector_load %arg12[%get3A_1175, %get3A_1176] {strides = array<i32>} : memref<256x64xf32, #tpu.memory_space<vmem>>, vector<16xf32>,
        %get3A_1178 = arith.index_cast %add3A_1139 : i32 to index
        %get3A_1179 = arith.constant 48 : index
        %get3A_1180 = tpu.vector_load %arg13[%get3A_1178, %get3A_1179] {strides = array<i32>} : memref<256x64xf32, #tpu.memory_space<vmem>>, vector<16xf32>,
        %mul3A_1181 = arith.mulf %get3A_1177, %get3A_1180 : vector<16xf32>
        %get3A_1182 = arith.index_cast %add3A_1139 : i32 to index
        %get3A_1183 = arith.constant 48 : index
        %get3A_1184 = tpu.vector_load %arg14[%get3A_1182, %get3A_1183] {strides = array<i32>} : memref<256x64xf32, #tpu.memory_space<vmem>>, vector<16xf32>,
        %mul3A_1185 = arith.mulf %mul3A_1181, %get3A_1184 : vector<16xf32>
        %add3A_1186 = arith.addf %add3A_1174, %mul3A_1185 : vector<16xf32>
        %lt3A_1187 = arith.constant 0 : i32
        %lt3A_1188 = vector.broadcast %lt3A_1187 : i32 to vector<16xi32>
        %lt3A_1189 = arith.cmpi slt, %xor3A_4, %lt3A_1188 : vector<16xi32>
        %add3A_1190 = arith.constant 16 : i32
        %add3A_1191 = vector.broadcast %add3A_1190 : i32 to vector<16xi32>
        %add3A_1192 = arith.addi %xor3A_4, %add3A_1191 : vector<16xi32>
        %select_n3A_1193 = arith.select %lt3A_1189, %add3A_1192, %xor3A_4 : vector<16xi1>, vector<16xi32>
        %reshape3A_1194 = vector.shape_cast %select_n3A_1193 : vector<16xi32> to vector<16x1xi32>
        %gather3A_1195 = vector.shape_cast %reshape3A_1194 : vector<16x1xi32> to vector<16xi32>
        %gather3A_1196 = tpu.dynamic_gather %add3A_1186[%gather3A_1195] in [0] : vector<16xf32>, vector<16xi32> -> vector<16xf32>
        %add3A_1197 = arith.addf %add3A_1186, %gather3A_1196 : vector<16xf32>
        %lt3A_1198 = arith.constant 0 : i32
        %lt3A_1199 = vector.broadcast %lt3A_1198 : i32 to vector<16xi32>
        %lt3A_1200 = arith.cmpi slt, %xor3A_7, %lt3A_1199 : vector<16xi32>
        %add3A_1201 = arith.constant 16 : i32
        %add3A_1202 = vector.broadcast %add3A_1201 : i32 to vector<16xi32>
        %add3A_1203 = arith.addi %xor3A_7, %add3A_1202 : vector<16xi32>
        %select_n3A_1204 = arith.select %lt3A_1200, %add3A_1203, %xor3A_7 : vector<16xi1>, vector<16xi32>
        %reshape3A_1205 = vector.shape_cast %select_n3A_1204 : vector<16xi32> to vector<16x1xi32>
        %gather3A_1206 = vector.shape_cast %reshape3A_1205 : vector<16x1xi32> to vector<16xi32>
        %gather3A_1207 = tpu.dynamic_gather %add3A_1197[%gather3A_1206] in [0] : vector<16xf32>, vector<16xi32> -> vector<16xf32>
        %add3A_1208 = arith.addf %add3A_1197, %gather3A_1207 : vector<16xf32>
        %lt3A_1209 = arith.constant 0 : i32
        %lt3A_1210 = vector.broadcast %lt3A_1209 : i32 to vector<16xi32>
        %lt3A_1211 = arith.cmpi slt, %xor3A_10, %lt3A_1210 : vector<16xi32>
        %add3A_1212 = arith.constant 16 : i32
        %add3A_1213 = vector.broadcast %add3A_1212 : i32 to vector<16xi32>
        %add3A_1214 = arith.addi %xor3A_10, %add3A_1213 : vector<16xi32>
        %select_n3A_1215 = arith.select %lt3A_1211, %add3A_1214, %xor3A_10 : vector<16xi1>, vector<16xi32>
        %reshape3A_1216 = vector.shape_cast %select_n3A_1215 : vector<16xi32> to vector<16x1xi32>
        %gather3A_1217 = vector.shape_cast %reshape3A_1216 : vector<16x1xi32> to vector<16xi32>
        %gather3A_1218 = tpu.dynamic_gather %add3A_1208[%gather3A_1217] in [0] : vector<16xf32>, vector<16xi32> -> vector<16xf32>
        %add3A_1219 = arith.addf %add3A_1208, %gather3A_1218 : vector<16xf32>
        %lt3A_1220 = arith.constant 0 : i32
        %lt3A_1221 = vector.broadcast %lt3A_1220 : i32 to vector<16xi32>
        %lt3A_1222 = arith.cmpi slt, %xor3A_13, %lt3A_1221 : vector<16xi32>
        %add3A_1223 = arith.constant 16 : i32
        %add3A_1224 = vector.broadcast %add3A_1223 : i32 to vector<16xi32>
        %add3A_1225 = arith.addi %xor3A_13, %add3A_1224 : vector<16xi32>
        %select_n3A_1226 = arith.select %lt3A_1222, %add3A_1225, %xor3A_13 : vector<16xi1>, vector<16xi32>
        %reshape3A_1227 = vector.shape_cast %select_n3A_1226 : vector<16xi32> to vector<16x1xi32>
        %gather3A_1228 = vector.shape_cast %reshape3A_1227 : vector<16x1xi32> to vector<16xi32>
        %gather3A_1229 = tpu.dynamic_gather %add3A_1219[%gather3A_1228] in [0] : vector<16xf32>, vector<16xi32> -> vector<16xf32>
        %add3A_1230 = arith.addf %add3A_1219, %gather3A_1229 : vector<16xf32>
        %eq3A_1231 = arith.constant 11 : i32
        %eq3A_1232 = vector.broadcast %eq3A_1231 : i32 to vector<16xi32>
        %eq3A_1233 = arith.cmpi eq, %iota3A, %eq3A_1232 : vector<16xi32>
        %select_n3A_1234 = arith.select %eq3A_1233, %add3A_1230, %select_n3A_1135 : vector<16xi1>, vector<16xf32>
        %mul3A_1235 = arith.constant 16 : i32
        %mul3A_1236 = arith.muli %scan3A_51, %mul3A_1235 : i32
        %add3A_1237 = arith.constant 12 : i32
        %add3A_1238 = arith.addi %mul3A_1236, %add3A_1237 : i32
        %get3A_1239 = arith.index_cast %add3A_1238 : i32 to index
        %get3A_1240 = arith.constant 0 : index
        %get3A_1241 = tpu.vector_load %arg12[%get3A_1239, %get3A_1240] {strides = array<i32>} : memref<256x64xf32, #tpu.memory_space<vmem>>, vector<16xf32>,
        %get3A_1242 = arith.index_cast %add3A_1238 : i32 to index
        %get3A_1243 = arith.constant 0 : index
        %get3A_1244 = tpu.vector_load %arg13[%get3A_1242, %get3A_1243] {strides = array<i32>} : memref<256x64xf32, #tpu.memory_space<vmem>>, vector<16xf32>,
        %mul3A_1245 = arith.mulf %get3A_1241, %get3A_1244 : vector<16xf32>
        %get3A_1246 = arith.index_cast %add3A_1238 : i32 to index
        %get3A_1247 = arith.constant 0 : index
        %get3A_1248 = tpu.vector_load %arg14[%get3A_1246, %get3A_1247] {strides = array<i32>} : memref<256x64xf32, #tpu.memory_space<vmem>>, vector<16xf32>,
        %mul3A_1249 = arith.mulf %mul3A_1245, %get3A_1248 : vector<16xf32>
        %get3A_1250 = arith.index_cast %add3A_1238 : i32 to index
        %get3A_1251 = arith.constant 16 : index
        %get3A_1252 = tpu.vector_load %arg12[%get3A_1250, %get3A_1251] {strides = array<i32>} : memref<256x64xf32, #tpu.memory_space<vmem>>, vector<16xf32>,
        %get3A_1253 = arith.index_cast %add3A_1238 : i32 to index
        %get3A_1254 = arith.constant 16 : index
        %get3A_1255 = tpu.vector_load %arg13[%get3A_1253, %get3A_1254] {strides = array<i32>} : memref<256x64xf32, #tpu.memory_space<vmem>>, vector<16xf32>,
        %mul3A_1256 = arith.mulf %get3A_1252, %get3A_1255 : vector<16xf32>
        %get3A_1257 = arith.index_cast %add3A_1238 : i32 to index
        %get3A_1258 = arith.constant 16 : index
        %get3A_1259 = tpu.vector_load %arg14[%get3A_1257, %get3A_1258] {strides = array<i32>} : memref<256x64xf32, #tpu.memory_space<vmem>>, vector<16xf32>,
        %mul3A_1260 = arith.mulf %mul3A_1256, %get3A_1259 : vector<16xf32>
        %add3A_1261 = arith.addf %mul3A_1249, %mul3A_1260 : vector<16xf32>
        %get3A_1262 = arith.index_cast %add3A_1238 : i32 to index
        %get3A_1263 = arith.constant 32 : index
        %get3A_1264 = tpu.vector_load %arg12[%get3A_1262, %get3A_1263] {strides = array<i32>} : memref<256x64xf32, #tpu.memory_space<vmem>>, vector<16xf32>,
        %get3A_1265 = arith.index_cast %add3A_1238 : i32 to index
        %get3A_1266 = arith.constant 32 : index
        %get3A_1267 = tpu.vector_load %arg13[%get3A_1265, %get3A_1266] {strides = array<i32>} : memref<256x64xf32, #tpu.memory_space<vmem>>, vector<16xf32>,
        %mul3A_1268 = arith.mulf %get3A_1264, %get3A_1267 : vector<16xf32>
        %get3A_1269 = arith.index_cast %add3A_1238 : i32 to index
        %get3A_1270 = arith.constant 32 : index
        %get3A_1271 = tpu.vector_load %arg14[%get3A_1269, %get3A_1270] {strides = array<i32>} : memref<256x64xf32, #tpu.memory_space<vmem>>, vector<16xf32>,
        %mul3A_1272 = arith.mulf %mul3A_1268, %get3A_1271 : vector<16xf32>
        %add3A_1273 = arith.addf %add3A_1261, %mul3A_1272 : vector<16xf32>
        %get3A_1274 = arith.index_cast %add3A_1238 : i32 to index
        %get3A_1275 = arith.constant 48 : index
        %get3A_1276 = tpu.vector_load %arg12[%get3A_1274, %get3A_1275] {strides = array<i32>} : memref<256x64xf32, #tpu.memory_space<vmem>>, vector<16xf32>,
        %get3A_1277 = arith.index_cast %add3A_1238 : i32 to index
        %get3A_1278 = arith.constant 48 : index
        %get3A_1279 = tpu.vector_load %arg13[%get3A_1277, %get3A_1278] {strides = array<i32>} : memref<256x64xf32, #tpu.memory_space<vmem>>, vector<16xf32>,
        %mul3A_1280 = arith.mulf %get3A_1276, %get3A_1279 : vector<16xf32>
        %get3A_1281 = arith.index_cast %add3A_1238 : i32 to index
        %get3A_1282 = arith.constant 48 : index
        %get3A_1283 = tpu.vector_load %arg14[%get3A_1281, %get3A_1282] {strides = array<i32>} : memref<256x64xf32, #tpu.memory_space<vmem>>, vector<16xf32>,
        %mul3A_1284 = arith.mulf %mul3A_1280, %get3A_1283 : vector<16xf32>
        %add3A_1285 = arith.addf %add3A_1273, %mul3A_1284 : vector<16xf32>
        %lt3A_1286 = arith.constant 0 : i32
        %lt3A_1287 = vector.broadcast %lt3A_1286 : i32 to vector<16xi32>
        %lt3A_1288 = arith.cmpi slt, %xor3A_4, %lt3A_1287 : vector<16xi32>
        %add3A_1289 = arith.constant 16 : i32
        %add3A_1290 = vector.broadcast %add3A_1289 : i32 to vector<16xi32>
        %add3A_1291 = arith.addi %xor3A_4, %add3A_1290 : vector<16xi32>
        %select_n3A_1292 = arith.select %lt3A_1288, %add3A_1291, %xor3A_4 : vector<16xi1>, vector<16xi32>
        %reshape3A_1293 = vector.shape_cast %select_n3A_1292 : vector<16xi32> to vector<16x1xi32>
        %gather3A_1294 = vector.shape_cast %reshape3A_1293 : vector<16x1xi32> to vector<16xi32>
        %gather3A_1295 = tpu.dynamic_gather %add3A_1285[%gather3A_1294] in [0] : vector<16xf32>, vector<16xi32> -> vector<16xf32>
        %add3A_1296 = arith.addf %add3A_1285, %gather3A_1295 : vector<16xf32>
        %lt3A_1297 = arith.constant 0 : i32
        %lt3A_1298 = vector.broadcast %lt3A_1297 : i32 to vector<16xi32>
        %lt3A_1299 = arith.cmpi slt, %xor3A_7, %lt3A_1298 : vector<16xi32>
        %add3A_1300 = arith.constant 16 : i32
        %add3A_1301 = vector.broadcast %add3A_1300 : i32 to vector<16xi32>
        %add3A_1302 = arith.addi %xor3A_7, %add3A_1301 : vector<16xi32>
        %select_n3A_1303 = arith.select %lt3A_1299, %add3A_1302, %xor3A_7 : vector<16xi1>, vector<16xi32>
        %reshape3A_1304 = vector.shape_cast %select_n3A_1303 : vector<16xi32> to vector<16x1xi32>
        %gather3A_1305 = vector.shape_cast %reshape3A_1304 : vector<16x1xi32> to vector<16xi32>
        %gather3A_1306 = tpu.dynamic_gather %add3A_1296[%gather3A_1305] in [0] : vector<16xf32>, vector<16xi32> -> vector<16xf32>
        %add3A_1307 = arith.addf %add3A_1296, %gather3A_1306 : vector<16xf32>
        %lt3A_1308 = arith.constant 0 : i32
        %lt3A_1309 = vector.broadcast %lt3A_1308 : i32 to vector<16xi32>
        %lt3A_1310 = arith.cmpi slt, %xor3A_10, %lt3A_1309 : vector<16xi32>
        %add3A_1311 = arith.constant 16 : i32
        %add3A_1312 = vector.broadcast %add3A_1311 : i32 to vector<16xi32>
        %add3A_1313 = arith.addi %xor3A_10, %add3A_1312 : vector<16xi32>
        %select_n3A_1314 = arith.select %lt3A_1310, %add3A_1313, %xor3A_10 : vector<16xi1>, vector<16xi32>
        %reshape3A_1315 = vector.shape_cast %select_n3A_1314 : vector<16xi32> to vector<16x1xi32>
        %gather3A_1316 = vector.shape_cast %reshape3A_1315 : vector<16x1xi32> to vector<16xi32>
        %gather3A_1317 = tpu.dynamic_gather %add3A_1307[%gather3A_1316] in [0] : vector<16xf32>, vector<16xi32> -> vector<16xf32>
        %add3A_1318 = arith.addf %add3A_1307, %gather3A_1317 : vector<16xf32>
        %lt3A_1319 = arith.constant 0 : i32
        %lt3A_1320 = vector.broadcast %lt3A_1319 : i32 to vector<16xi32>
        %lt3A_1321 = arith.cmpi slt, %xor3A_13, %lt3A_1320 : vector<16xi32>
        %add3A_1322 = arith.constant 16 : i32
        %add3A_1323 = vector.broadcast %add3A_1322 : i32 to vector<16xi32>
        %add3A_1324 = arith.addi %xor3A_13, %add3A_1323 : vector<16xi32>
        %select_n3A_1325 = arith.select %lt3A_1321, %add3A_1324, %xor3A_13 : vector<16xi1>, vector<16xi32>
        %reshape3A_1326 = vector.shape_cast %select_n3A_1325 : vector<16xi32> to vector<16x1xi32>
        %gather3A_1327 = vector.shape_cast %reshape3A_1326 : vector<16x1xi32> to vector<16xi32>
        %gather3A_1328 = tpu.dynamic_gather %add3A_1318[%gather3A_1327] in [0] : vector<16xf32>, vector<16xi32> -> vector<16xf32>
        %add3A_1329 = arith.addf %add3A_1318, %gather3A_1328 : vector<16xf32>
        %eq3A_1330 = arith.constant 12 : i32
        %eq3A_1331 = vector.broadcast %eq3A_1330 : i32 to vector<16xi32>
        %eq3A_1332 = arith.cmpi eq, %iota3A, %eq3A_1331 : vector<16xi32>
        %select_n3A_1333 = arith.select %eq3A_1332, %add3A_1329, %select_n3A_1234 : vector<16xi1>, vector<16xf32>
        %mul3A_1334 = arith.constant 16 : i32
        %mul3A_1335 = arith.muli %scan3A_51, %mul3A_1334 : i32
        %add3A_1336 = arith.constant 13 : i32
        %add3A_1337 = arith.addi %mul3A_1335, %add3A_1336 : i32
        %get3A_1338 = arith.index_cast %add3A_1337 : i32 to index
        %get3A_1339 = arith.constant 0 : index
        %get3A_1340 = tpu.vector_load %arg12[%get3A_1338, %get3A_1339] {strides = array<i32>} : memref<256x64xf32, #tpu.memory_space<vmem>>, vector<16xf32>,
        %get3A_1341 = arith.index_cast %add3A_1337 : i32 to index
        %get3A_1342 = arith.constant 0 : index
        %get3A_1343 = tpu.vector_load %arg13[%get3A_1341, %get3A_1342] {strides = array<i32>} : memref<256x64xf32, #tpu.memory_space<vmem>>, vector<16xf32>,
        %mul3A_1344 = arith.mulf %get3A_1340, %get3A_1343 : vector<16xf32>
        %get3A_1345 = arith.index_cast %add3A_1337 : i32 to index
        %get3A_1346 = arith.constant 0 : index
        %get3A_1347 = tpu.vector_load %arg14[%get3A_1345, %get3A_1346] {strides = array<i32>} : memref<256x64xf32, #tpu.memory_space<vmem>>, vector<16xf32>,
        %mul3A_1348 = arith.mulf %mul3A_1344, %get3A_1347 : vector<16xf32>
        %get3A_1349 = arith.index_cast %add3A_1337 : i32 to index
        %get3A_1350 = arith.constant 16 : index
        %get3A_1351 = tpu.vector_load %arg12[%get3A_1349, %get3A_1350] {strides = array<i32>} : memref<256x64xf32, #tpu.memory_space<vmem>>, vector<16xf32>,
        %get3A_1352 = arith.index_cast %add3A_1337 : i32 to index
        %get3A_1353 = arith.constant 16 : index
        %get3A_1354 = tpu.vector_load %arg13[%get3A_1352, %get3A_1353] {strides = array<i32>} : memref<256x64xf32, #tpu.memory_space<vmem>>, vector<16xf32>,
        %mul3A_1355 = arith.mulf %get3A_1351, %get3A_1354 : vector<16xf32>
        %get3A_1356 = arith.index_cast %add3A_1337 : i32 to index
        %get3A_1357 = arith.constant 16 : index
        %get3A_1358 = tpu.vector_load %arg14[%get3A_1356, %get3A_1357] {strides = array<i32>} : memref<256x64xf32, #tpu.memory_space<vmem>>, vector<16xf32>,
        %mul3A_1359 = arith.mulf %mul3A_1355, %get3A_1358 : vector<16xf32>
        %add3A_1360 = arith.addf %mul3A_1348, %mul3A_1359 : vector<16xf32>
        %get3A_1361 = arith.index_cast %add3A_1337 : i32 to index
        %get3A_1362 = arith.constant 32 : index
        %get3A_1363 = tpu.vector_load %arg12[%get3A_1361, %get3A_1362] {strides = array<i32>} : memref<256x64xf32, #tpu.memory_space<vmem>>, vector<16xf32>,
        %get3A_1364 = arith.index_cast %add3A_1337 : i32 to index
        %get3A_1365 = arith.constant 32 : index
        %get3A_1366 = tpu.vector_load %arg13[%get3A_1364, %get3A_1365] {strides = array<i32>} : memref<256x64xf32, #tpu.memory_space<vmem>>, vector<16xf32>,
        %mul3A_1367 = arith.mulf %get3A_1363, %get3A_1366 : vector<16xf32>
        %get3A_1368 = arith.index_cast %add3A_1337 : i32 to index
        %get3A_1369 = arith.constant 32 : index
        %get3A_1370 = tpu.vector_load %arg14[%get3A_1368, %get3A_1369] {strides = array<i32>} : memref<256x64xf32, #tpu.memory_space<vmem>>, vector<16xf32>,
        %mul3A_1371 = arith.mulf %mul3A_1367, %get3A_1370 : vector<16xf32>
        %add3A_1372 = arith.addf %add3A_1360, %mul3A_1371 : vector<16xf32>
        %get3A_1373 = arith.index_cast %add3A_1337 : i32 to index
        %get3A_1374 = arith.constant 48 : index
        %get3A_1375 = tpu.vector_load %arg12[%get3A_1373, %get3A_1374] {strides = array<i32>} : memref<256x64xf32, #tpu.memory_space<vmem>>, vector<16xf32>,
        %get3A_1376 = arith.index_cast %add3A_1337 : i32 to index
        %get3A_1377 = arith.constant 48 : index
        %get3A_1378 = tpu.vector_load %arg13[%get3A_1376, %get3A_1377] {strides = array<i32>} : memref<256x64xf32, #tpu.memory_space<vmem>>, vector<16xf32>,
        %mul3A_1379 = arith.mulf %get3A_1375, %get3A_1378 : vector<16xf32>
        %get3A_1380 = arith.index_cast %add3A_1337 : i32 to index
        %get3A_1381 = arith.constant 48 : index
        %get3A_1382 = tpu.vector_load %arg14[%get3A_1380, %get3A_1381] {strides = array<i32>} : memref<256x64xf32, #tpu.memory_space<vmem>>, vector<16xf32>,
        %mul3A_1383 = arith.mulf %mul3A_1379, %get3A_1382 : vector<16xf32>
        %add3A_1384 = arith.addf %add3A_1372, %mul3A_1383 : vector<16xf32>
        %lt3A_1385 = arith.constant 0 : i32
        %lt3A_1386 = vector.broadcast %lt3A_1385 : i32 to vector<16xi32>
        %lt3A_1387 = arith.cmpi slt, %xor3A_4, %lt3A_1386 : vector<16xi32>
        %add3A_1388 = arith.constant 16 : i32
        %add3A_1389 = vector.broadcast %add3A_1388 : i32 to vector<16xi32>
        %add3A_1390 = arith.addi %xor3A_4, %add3A_1389 : vector<16xi32>
        %select_n3A_1391 = arith.select %lt3A_1387, %add3A_1390, %xor3A_4 : vector<16xi1>, vector<16xi32>
        %reshape3A_1392 = vector.shape_cast %select_n3A_1391 : vector<16xi32> to vector<16x1xi32>
        %gather3A_1393 = vector.shape_cast %reshape3A_1392 : vector<16x1xi32> to vector<16xi32>
        %gather3A_1394 = tpu.dynamic_gather %add3A_1384[%gather3A_1393] in [0] : vector<16xf32>, vector<16xi32> -> vector<16xf32>
        %add3A_1395 = arith.addf %add3A_1384, %gather3A_1394 : vector<16xf32>
        %lt3A_1396 = arith.constant 0 : i32
        %lt3A_1397 = vector.broadcast %lt3A_1396 : i32 to vector<16xi32>
        %lt3A_1398 = arith.cmpi slt, %xor3A_7, %lt3A_1397 : vector<16xi32>
        %add3A_1399 = arith.constant 16 : i32
        %add3A_1400 = vector.broadcast %add3A_1399 : i32 to vector<16xi32>
        %add3A_1401 = arith.addi %xor3A_7, %add3A_1400 : vector<16xi32>
        %select_n3A_1402 = arith.select %lt3A_1398, %add3A_1401, %xor3A_7 : vector<16xi1>, vector<16xi32>
        %reshape3A_1403 = vector.shape_cast %select_n3A_1402 : vector<16xi32> to vector<16x1xi32>
        %gather3A_1404 = vector.shape_cast %reshape3A_1403 : vector<16x1xi32> to vector<16xi32>
        %gather3A_1405 = tpu.dynamic_gather %add3A_1395[%gather3A_1404] in [0] : vector<16xf32>, vector<16xi32> -> vector<16xf32>
        %add3A_1406 = arith.addf %add3A_1395, %gather3A_1405 : vector<16xf32>
        %lt3A_1407 = arith.constant 0 : i32
        %lt3A_1408 = vector.broadcast %lt3A_1407 : i32 to vector<16xi32>
        %lt3A_1409 = arith.cmpi slt, %xor3A_10, %lt3A_1408 : vector<16xi32>
        %add3A_1410 = arith.constant 16 : i32
        %add3A_1411 = vector.broadcast %add3A_1410 : i32 to vector<16xi32>
        %add3A_1412 = arith.addi %xor3A_10, %add3A_1411 : vector<16xi32>
        %select_n3A_1413 = arith.select %lt3A_1409, %add3A_1412, %xor3A_10 : vector<16xi1>, vector<16xi32>
        %reshape3A_1414 = vector.shape_cast %select_n3A_1413 : vector<16xi32> to vector<16x1xi32>
        %gather3A_1415 = vector.shape_cast %reshape3A_1414 : vector<16x1xi32> to vector<16xi32>
        %gather3A_1416 = tpu.dynamic_gather %add3A_1406[%gather3A_1415] in [0] : vector<16xf32>, vector<16xi32> -> vector<16xf32>
        %add3A_1417 = arith.addf %add3A_1406, %gather3A_1416 : vector<16xf32>
        %lt3A_1418 = arith.constant 0 : i32
        %lt3A_1419 = vector.broadcast %lt3A_1418 : i32 to vector<16xi32>
        %lt3A_1420 = arith.cmpi slt, %xor3A_13, %lt3A_1419 : vector<16xi32>
        %add3A_1421 = arith.constant 16 : i32
        %add3A_1422 = vector.broadcast %add3A_1421 : i32 to vector<16xi32>
        %add3A_1423 = arith.addi %xor3A_13, %add3A_1422 : vector<16xi32>
        %select_n3A_1424 = arith.select %lt3A_1420, %add3A_1423, %xor3A_13 : vector<16xi1>, vector<16xi32>
        %reshape3A_1425 = vector.shape_cast %select_n3A_1424 : vector<16xi32> to vector<16x1xi32>
        %gather3A_1426 = vector.shape_cast %reshape3A_1425 : vector<16x1xi32> to vector<16xi32>
        %gather3A_1427 = tpu.dynamic_gather %add3A_1417[%gather3A_1426] in [0] : vector<16xf32>, vector<16xi32> -> vector<16xf32>
        %add3A_1428 = arith.addf %add3A_1417, %gather3A_1427 : vector<16xf32>
        %eq3A_1429 = arith.constant 13 : i32
        %eq3A_1430 = vector.broadcast %eq3A_1429 : i32 to vector<16xi32>
        %eq3A_1431 = arith.cmpi eq, %iota3A, %eq3A_1430 : vector<16xi32>
        %select_n3A_1432 = arith.select %eq3A_1431, %add3A_1428, %select_n3A_1333 : vector<16xi1>, vector<16xf32>
        %mul3A_1433 = arith.constant 16 : i32
        %mul3A_1434 = arith.muli %scan3A_51, %mul3A_1433 : i32
        %add3A_1435 = arith.constant 14 : i32
        %add3A_1436 = arith.addi %mul3A_1434, %add3A_1435 : i32
        %get3A_1437 = arith.index_cast %add3A_1436 : i32 to index
        %get3A_1438 = arith.constant 0 : index
        %get3A_1439 = tpu.vector_load %arg12[%get3A_1437, %get3A_1438] {strides = array<i32>} : memref<256x64xf32, #tpu.memory_space<vmem>>, vector<16xf32>,
        %get3A_1440 = arith.index_cast %add3A_1436 : i32 to index
        %get3A_1441 = arith.constant 0 : index
        %get3A_1442 = tpu.vector_load %arg13[%get3A_1440, %get3A_1441] {strides = array<i32>} : memref<256x64xf32, #tpu.memory_space<vmem>>, vector<16xf32>,
        %mul3A_1443 = arith.mulf %get3A_1439, %get3A_1442 : vector<16xf32>
        %get3A_1444 = arith.index_cast %add3A_1436 : i32 to index
        %get3A_1445 = arith.constant 0 : index
        %get3A_1446 = tpu.vector_load %arg14[%get3A_1444, %get3A_1445] {strides = array<i32>} : memref<256x64xf32, #tpu.memory_space<vmem>>, vector<16xf32>,
        %mul3A_1447 = arith.mulf %mul3A_1443, %get3A_1446 : vector<16xf32>
        %get3A_1448 = arith.index_cast %add3A_1436 : i32 to index
        %get3A_1449 = arith.constant 16 : index
        %get3A_1450 = tpu.vector_load %arg12[%get3A_1448, %get3A_1449] {strides = array<i32>} : memref<256x64xf32, #tpu.memory_space<vmem>>, vector<16xf32>,
        %get3A_1451 = arith.index_cast %add3A_1436 : i32 to index
        %get3A_1452 = arith.constant 16 : index
        %get3A_1453 = tpu.vector_load %arg13[%get3A_1451, %get3A_1452] {strides = array<i32>} : memref<256x64xf32, #tpu.memory_space<vmem>>, vector<16xf32>,
        %mul3A_1454 = arith.mulf %get3A_1450, %get3A_1453 : vector<16xf32>
        %get3A_1455 = arith.index_cast %add3A_1436 : i32 to index
        %get3A_1456 = arith.constant 16 : index
        %get3A_1457 = tpu.vector_load %arg14[%get3A_1455, %get3A_1456] {strides = array<i32>} : memref<256x64xf32, #tpu.memory_space<vmem>>, vector<16xf32>,
        %mul3A_1458 = arith.mulf %mul3A_1454, %get3A_1457 : vector<16xf32>
        %add3A_1459 = arith.addf %mul3A_1447, %mul3A_1458 : vector<16xf32>
        %get3A_1460 = arith.index_cast %add3A_1436 : i32 to index
        %get3A_1461 = arith.constant 32 : index
        %get3A_1462 = tpu.vector_load %arg12[%get3A_1460, %get3A_1461] {strides = array<i32>} : memref<256x64xf32, #tpu.memory_space<vmem>>, vector<16xf32>,
        %get3A_1463 = arith.index_cast %add3A_1436 : i32 to index
        %get3A_1464 = arith.constant 32 : index
        %get3A_1465 = tpu.vector_load %arg13[%get3A_1463, %get3A_1464] {strides = array<i32>} : memref<256x64xf32, #tpu.memory_space<vmem>>, vector<16xf32>,
        %mul3A_1466 = arith.mulf %get3A_1462, %get3A_1465 : vector<16xf32>
        %get3A_1467 = arith.index_cast %add3A_1436 : i32 to index
        %get3A_1468 = arith.constant 32 : index
        %get3A_1469 = tpu.vector_load %arg14[%get3A_1467, %get3A_1468] {strides = array<i32>} : memref<256x64xf32, #tpu.memory_space<vmem>>, vector<16xf32>,
        %mul3A_1470 = arith.mulf %mul3A_1466, %get3A_1469 : vector<16xf32>
        %add3A_1471 = arith.addf %add3A_1459, %mul3A_1470 : vector<16xf32>
        %get3A_1472 = arith.index_cast %add3A_1436 : i32 to index
        %get3A_1473 = arith.constant 48 : index
        %get3A_1474 = tpu.vector_load %arg12[%get3A_1472, %get3A_1473] {strides = array<i32>} : memref<256x64xf32, #tpu.memory_space<vmem>>, vector<16xf32>,
        %get3A_1475 = arith.index_cast %add3A_1436 : i32 to index
        %get3A_1476 = arith.constant 48 : index
        %get3A_1477 = tpu.vector_load %arg13[%get3A_1475, %get3A_1476] {strides = array<i32>} : memref<256x64xf32, #tpu.memory_space<vmem>>, vector<16xf32>,
        %mul3A_1478 = arith.mulf %get3A_1474, %get3A_1477 : vector<16xf32>
        %get3A_1479 = arith.index_cast %add3A_1436 : i32 to index
        %get3A_1480 = arith.constant 48 : index
        %get3A_1481 = tpu.vector_load %arg14[%get3A_1479, %get3A_1480] {strides = array<i32>} : memref<256x64xf32, #tpu.memory_space<vmem>>, vector<16xf32>,
        %mul3A_1482 = arith.mulf %mul3A_1478, %get3A_1481 : vector<16xf32>
        %add3A_1483 = arith.addf %add3A_1471, %mul3A_1482 : vector<16xf32>
        %lt3A_1484 = arith.constant 0 : i32
        %lt3A_1485 = vector.broadcast %lt3A_1484 : i32 to vector<16xi32>
        %lt3A_1486 = arith.cmpi slt, %xor3A_4, %lt3A_1485 : vector<16xi32>
        %add3A_1487 = arith.constant 16 : i32
        %add3A_1488 = vector.broadcast %add3A_1487 : i32 to vector<16xi32>
        %add3A_1489 = arith.addi %xor3A_4, %add3A_1488 : vector<16xi32>
        %select_n3A_1490 = arith.select %lt3A_1486, %add3A_1489, %xor3A_4 : vector<16xi1>, vector<16xi32>
        %reshape3A_1491 = vector.shape_cast %select_n3A_1490 : vector<16xi32> to vector<16x1xi32>
        %gather3A_1492 = vector.shape_cast %reshape3A_1491 : vector<16x1xi32> to vector<16xi32>
        %gather3A_1493 = tpu.dynamic_gather %add3A_1483[%gather3A_1492] in [0] : vector<16xf32>, vector<16xi32> -> vector<16xf32>
        %add3A_1494 = arith.addf %add3A_1483, %gather3A_1493 : vector<16xf32>
        %lt3A_1495 = arith.constant 0 : i32
        %lt3A_1496 = vector.broadcast %lt3A_1495 : i32 to vector<16xi32>
        %lt3A_1497 = arith.cmpi slt, %xor3A_7, %lt3A_1496 : vector<16xi32>
        %add3A_1498 = arith.constant 16 : i32
        %add3A_1499 = vector.broadcast %add3A_1498 : i32 to vector<16xi32>
        %add3A_1500 = arith.addi %xor3A_7, %add3A_1499 : vector<16xi32>
        %select_n3A_1501 = arith.select %lt3A_1497, %add3A_1500, %xor3A_7 : vector<16xi1>, vector<16xi32>
        %reshape3A_1502 = vector.shape_cast %select_n3A_1501 : vector<16xi32> to vector<16x1xi32>
        %gather3A_1503 = vector.shape_cast %reshape3A_1502 : vector<16x1xi32> to vector<16xi32>
        %gather3A_1504 = tpu.dynamic_gather %add3A_1494[%gather3A_1503] in [0] : vector<16xf32>, vector<16xi32> -> vector<16xf32>
        %add3A_1505 = arith.addf %add3A_1494, %gather3A_1504 : vector<16xf32>
        %lt3A_1506 = arith.constant 0 : i32
        %lt3A_1507 = vector.broadcast %lt3A_1506 : i32 to vector<16xi32>
        %lt3A_1508 = arith.cmpi slt, %xor3A_10, %lt3A_1507 : vector<16xi32>
        %add3A_1509 = arith.constant 16 : i32
        %add3A_1510 = vector.broadcast %add3A_1509 : i32 to vector<16xi32>
        %add3A_1511 = arith.addi %xor3A_10, %add3A_1510 : vector<16xi32>
        %select_n3A_1512 = arith.select %lt3A_1508, %add3A_1511, %xor3A_10 : vector<16xi1>, vector<16xi32>
        %reshape3A_1513 = vector.shape_cast %select_n3A_1512 : vector<16xi32> to vector<16x1xi32>
        %gather3A_1514 = vector.shape_cast %reshape3A_1513 : vector<16x1xi32> to vector<16xi32>
        %gather3A_1515 = tpu.dynamic_gather %add3A_1505[%gather3A_1514] in [0] : vector<16xf32>, vector<16xi32> -> vector<16xf32>
        %add3A_1516 = arith.addf %add3A_1505, %gather3A_1515 : vector<16xf32>
        %lt3A_1517 = arith.constant 0 : i32
        %lt3A_1518 = vector.broadcast %lt3A_1517 : i32 to vector<16xi32>
        %lt3A_1519 = arith.cmpi slt, %xor3A_13, %lt3A_1518 : vector<16xi32>
        %add3A_1520 = arith.constant 16 : i32
        %add3A_1521 = vector.broadcast %add3A_1520 : i32 to vector<16xi32>
        %add3A_1522 = arith.addi %xor3A_13, %add3A_1521 : vector<16xi32>
        %select_n3A_1523 = arith.select %lt3A_1519, %add3A_1522, %xor3A_13 : vector<16xi1>, vector<16xi32>
        %reshape3A_1524 = vector.shape_cast %select_n3A_1523 : vector<16xi32> to vector<16x1xi32>
        %gather3A_1525 = vector.shape_cast %reshape3A_1524 : vector<16x1xi32> to vector<16xi32>
        %gather3A_1526 = tpu.dynamic_gather %add3A_1516[%gather3A_1525] in [0] : vector<16xf32>, vector<16xi32> -> vector<16xf32>
        %add3A_1527 = arith.addf %add3A_1516, %gather3A_1526 : vector<16xf32>
        %eq3A_1528 = arith.constant 14 : i32
        %eq3A_1529 = vector.broadcast %eq3A_1528 : i32 to vector<16xi32>
        %eq3A_1530 = arith.cmpi eq, %iota3A, %eq3A_1529 : vector<16xi32>
        %select_n3A_1531 = arith.select %eq3A_1530, %add3A_1527, %select_n3A_1432 : vector<16xi1>, vector<16xf32>
        %mul3A_1532 = arith.constant 16 : i32
        %mul3A_1533 = arith.muli %scan3A_51, %mul3A_1532 : i32
        %add3A_1534 = arith.constant 15 : i32
        %add3A_1535 = arith.addi %mul3A_1533, %add3A_1534 : i32
        %get3A_1536 = arith.index_cast %add3A_1535 : i32 to index
        %get3A_1537 = arith.constant 0 : index
        %get3A_1538 = tpu.vector_load %arg12[%get3A_1536, %get3A_1537] {strides = array<i32>} : memref<256x64xf32, #tpu.memory_space<vmem>>, vector<16xf32>,
        %get3A_1539 = arith.index_cast %add3A_1535 : i32 to index
        %get3A_1540 = arith.constant 0 : index
        %get3A_1541 = tpu.vector_load %arg13[%get3A_1539, %get3A_1540] {strides = array<i32>} : memref<256x64xf32, #tpu.memory_space<vmem>>, vector<16xf32>,
        %mul3A_1542 = arith.mulf %get3A_1538, %get3A_1541 : vector<16xf32>
        %get3A_1543 = arith.index_cast %add3A_1535 : i32 to index
        %get3A_1544 = arith.constant 0 : index
        %get3A_1545 = tpu.vector_load %arg14[%get3A_1543, %get3A_1544] {strides = array<i32>} : memref<256x64xf32, #tpu.memory_space<vmem>>, vector<16xf32>,
        %mul3A_1546 = arith.mulf %mul3A_1542, %get3A_1545 : vector<16xf32>
        %get3A_1547 = arith.index_cast %add3A_1535 : i32 to index
        %get3A_1548 = arith.constant 16 : index
        %get3A_1549 = tpu.vector_load %arg12[%get3A_1547, %get3A_1548] {strides = array<i32>} : memref<256x64xf32, #tpu.memory_space<vmem>>, vector<16xf32>,
        %get3A_1550 = arith.index_cast %add3A_1535 : i32 to index
        %get3A_1551 = arith.constant 16 : index
        %get3A_1552 = tpu.vector_load %arg13[%get3A_1550, %get3A_1551] {strides = array<i32>} : memref<256x64xf32, #tpu.memory_space<vmem>>, vector<16xf32>,
        %mul3A_1553 = arith.mulf %get3A_1549, %get3A_1552 : vector<16xf32>
        %get3A_1554 = arith.index_cast %add3A_1535 : i32 to index
        %get3A_1555 = arith.constant 16 : index
        %get3A_1556 = tpu.vector_load %arg14[%get3A_1554, %get3A_1555] {strides = array<i32>} : memref<256x64xf32, #tpu.memory_space<vmem>>, vector<16xf32>,
        %mul3A_1557 = arith.mulf %mul3A_1553, %get3A_1556 : vector<16xf32>
        %add3A_1558 = arith.addf %mul3A_1546, %mul3A_1557 : vector<16xf32>
        %get3A_1559 = arith.index_cast %add3A_1535 : i32 to index
        %get3A_1560 = arith.constant 32 : index
        %get3A_1561 = tpu.vector_load %arg12[%get3A_1559, %get3A_1560] {strides = array<i32>} : memref<256x64xf32, #tpu.memory_space<vmem>>, vector<16xf32>,
        %get3A_1562 = arith.index_cast %add3A_1535 : i32 to index
        %get3A_1563 = arith.constant 32 : index
        %get3A_1564 = tpu.vector_load %arg13[%get3A_1562, %get3A_1563] {strides = array<i32>} : memref<256x64xf32, #tpu.memory_space<vmem>>, vector<16xf32>,
        %mul3A_1565 = arith.mulf %get3A_1561, %get3A_1564 : vector<16xf32>
        %get3A_1566 = arith.index_cast %add3A_1535 : i32 to index
        %get3A_1567 = arith.constant 32 : index
        %get3A_1568 = tpu.vector_load %arg14[%get3A_1566, %get3A_1567] {strides = array<i32>} : memref<256x64xf32, #tpu.memory_space<vmem>>, vector<16xf32>,
        %mul3A_1569 = arith.mulf %mul3A_1565, %get3A_1568 : vector<16xf32>
        %add3A_1570 = arith.addf %add3A_1558, %mul3A_1569 : vector<16xf32>
        %get3A_1571 = arith.index_cast %add3A_1535 : i32 to index
        %get3A_1572 = arith.constant 48 : index
        %get3A_1573 = tpu.vector_load %arg12[%get3A_1571, %get3A_1572] {strides = array<i32>} : memref<256x64xf32, #tpu.memory_space<vmem>>, vector<16xf32>,
        %get3A_1574 = arith.index_cast %add3A_1535 : i32 to index
        %get3A_1575 = arith.constant 48 : index
        %get3A_1576 = tpu.vector_load %arg13[%get3A_1574, %get3A_1575] {strides = array<i32>} : memref<256x64xf32, #tpu.memory_space<vmem>>, vector<16xf32>,
        %mul3A_1577 = arith.mulf %get3A_1573, %get3A_1576 : vector<16xf32>
        %get3A_1578 = arith.index_cast %add3A_1535 : i32 to index
        %get3A_1579 = arith.constant 48 : index
        %get3A_1580 = tpu.vector_load %arg14[%get3A_1578, %get3A_1579] {strides = array<i32>} : memref<256x64xf32, #tpu.memory_space<vmem>>, vector<16xf32>,
        %mul3A_1581 = arith.mulf %mul3A_1577, %get3A_1580 : vector<16xf32>
        %add3A_1582 = arith.addf %add3A_1570, %mul3A_1581 : vector<16xf32>
        %lt3A_1583 = arith.constant 0 : i32
        %lt3A_1584 = vector.broadcast %lt3A_1583 : i32 to vector<16xi32>
        %lt3A_1585 = arith.cmpi slt, %xor3A_4, %lt3A_1584 : vector<16xi32>
        %add3A_1586 = arith.constant 16 : i32
        %add3A_1587 = vector.broadcast %add3A_1586 : i32 to vector<16xi32>
        %add3A_1588 = arith.addi %xor3A_4, %add3A_1587 : vector<16xi32>
        %select_n3A_1589 = arith.select %lt3A_1585, %add3A_1588, %xor3A_4 : vector<16xi1>, vector<16xi32>
        %reshape3A_1590 = vector.shape_cast %select_n3A_1589 : vector<16xi32> to vector<16x1xi32>
        %gather3A_1591 = vector.shape_cast %reshape3A_1590 : vector<16x1xi32> to vector<16xi32>
        %gather3A_1592 = tpu.dynamic_gather %add3A_1582[%gather3A_1591] in [0] : vector<16xf32>, vector<16xi32> -> vector<16xf32>
        %add3A_1593 = arith.addf %add3A_1582, %gather3A_1592 : vector<16xf32>
        %lt3A_1594 = arith.constant 0 : i32
        %lt3A_1595 = vector.broadcast %lt3A_1594 : i32 to vector<16xi32>
        %lt3A_1596 = arith.cmpi slt, %xor3A_7, %lt3A_1595 : vector<16xi32>
        %add3A_1597 = arith.constant 16 : i32
        %add3A_1598 = vector.broadcast %add3A_1597 : i32 to vector<16xi32>
        %add3A_1599 = arith.addi %xor3A_7, %add3A_1598 : vector<16xi32>
        %select_n3A_1600 = arith.select %lt3A_1596, %add3A_1599, %xor3A_7 : vector<16xi1>, vector<16xi32>
        %reshape3A_1601 = vector.shape_cast %select_n3A_1600 : vector<16xi32> to vector<16x1xi32>
        %gather3A_1602 = vector.shape_cast %reshape3A_1601 : vector<16x1xi32> to vector<16xi32>
        %gather3A_1603 = tpu.dynamic_gather %add3A_1593[%gather3A_1602] in [0] : vector<16xf32>, vector<16xi32> -> vector<16xf32>
        %add3A_1604 = arith.addf %add3A_1593, %gather3A_1603 : vector<16xf32>
        %lt3A_1605 = arith.constant 0 : i32
        %lt3A_1606 = vector.broadcast %lt3A_1605 : i32 to vector<16xi32>
        %lt3A_1607 = arith.cmpi slt, %xor3A_10, %lt3A_1606 : vector<16xi32>
        %add3A_1608 = arith.constant 16 : i32
        %add3A_1609 = vector.broadcast %add3A_1608 : i32 to vector<16xi32>
        %add3A_1610 = arith.addi %xor3A_10, %add3A_1609 : vector<16xi32>
        %select_n3A_1611 = arith.select %lt3A_1607, %add3A_1610, %xor3A_10 : vector<16xi1>, vector<16xi32>
        %reshape3A_1612 = vector.shape_cast %select_n3A_1611 : vector<16xi32> to vector<16x1xi32>
        %gather3A_1613 = vector.shape_cast %reshape3A_1612 : vector<16x1xi32> to vector<16xi32>
        %gather3A_1614 = tpu.dynamic_gather %add3A_1604[%gather3A_1613] in [0] : vector<16xf32>, vector<16xi32> -> vector<16xf32>
        %add3A_1615 = arith.addf %add3A_1604, %gather3A_1614 : vector<16xf32>
        %lt3A_1616 = arith.constant 0 : i32
        %lt3A_1617 = vector.broadcast %lt3A_1616 : i32 to vector<16xi32>
        %lt3A_1618 = arith.cmpi slt, %xor3A_13, %lt3A_1617 : vector<16xi32>
        %add3A_1619 = arith.constant 16 : i32
        %add3A_1620 = vector.broadcast %add3A_1619 : i32 to vector<16xi32>
        %add3A_1621 = arith.addi %xor3A_13, %add3A_1620 : vector<16xi32>
        %select_n3A_1622 = arith.select %lt3A_1618, %add3A_1621, %xor3A_13 : vector<16xi1>, vector<16xi32>
        %reshape3A_1623 = vector.shape_cast %select_n3A_1622 : vector<16xi32> to vector<16x1xi32>
        %gather3A_1624 = vector.shape_cast %reshape3A_1623 : vector<16x1xi32> to vector<16xi32>
        %gather3A_1625 = tpu.dynamic_gather %add3A_1615[%gather3A_1624] in [0] : vector<16xf32>, vector<16xi32> -> vector<16xf32>
        %add3A_1626 = arith.addf %add3A_1615, %gather3A_1625 : vector<16xf32>
        %eq3A_1627 = arith.constant 15 : i32
        %eq3A_1628 = vector.broadcast %eq3A_1627 : i32 to vector<16xi32>
        %eq3A_1629 = arith.cmpi eq, %iota3A, %eq3A_1628 : vector<16xi32>
        %select_n3A_1630 = arith.select %eq3A_1629, %add3A_1626, %select_n3A_1531 : vector<16xi1>, vector<16xf32>
        %mul3A_1631 = arith.constant 16 : i32
        %mul3A_1632 = arith.muli %scan3A_51, %mul3A_1631 : i32
        %add3A_1633 = arith.addi %mul3A_21, %mul3A_1632 : i32
        %swap3A = arith.index_cast %add3A_1633 : i32 to index
        %swap3A_1634 = tpu.vector_load %arg15[%swap3A] {strides = array<i32>} : memref<512xf32, #tpu.memory_space<vmem>>, vector<16xf32>,
        tpu.vector_store %arg15[%swap3A], %select_n3A_1630 {strides = array<i32>} : memref<512xf32, #tpu.memory_space<vmem>>, vector<16xf32>,
      }
      %scan3A_50 = arith.constant 16 : i32
    }
    %scan3A_18 = arith.constant 2 : i32
    "tpu.region"() ({
      %run_scoped3A = tpu.sem_alloc : memref<!tpu.dma_semaphore, #tpu.memory_space<semaphore_mem>>
      %dma_start3A = tpu.memref_slice %arg8[%mul3A_2] : memref<16384xf32, #tpu.memory_space<hbm>> -> memref<512xf32, #tpu.memory_space<hbm>>
      %dma_start3A_19 = tpu.memref_slice %arg8[%mul3A_2] : memref<16384xf32, #tpu.memory_space<hbm>> -> memref<512xf32, #tpu.memory_space<hbm>>
      tpu.enqueue_dma source(%arg15 : memref<512xf32, #tpu.memory_space<vmem>>) target(%dma_start3A_19 : memref<512xf32, #tpu.memory_space<hbm>>) target_semaphore(%run_scoped3A : memref<!tpu.dma_semaphore, #tpu.memory_space<semaphore_mem>>)
      %dma_wait3A = tpu.memref_slice %arg8[%mul3A_2] : memref<16384xf32, #tpu.memory_space<hbm>> -> memref<512xf32, #tpu.memory_space<hbm>>
      %dma_wait3A_20 = tpu.memref_slice %arg8[%mul3A_2] : memref<16384xf32, #tpu.memory_space<hbm>> -> memref<512xf32, #tpu.memory_space<hbm>>
      tpu.wait_dma2 semaphore(%run_scoped3A : memref<!tpu.dma_semaphore, #tpu.memory_space<semaphore_mem>>) src(%arg15 : memref<512xf32, #tpu.memory_space<vmem>>) dst(%dma_wait3A_20 : memref<512xf32, #tpu.memory_space<hbm>>)
      tpu.yield
    }) : () -> ()
    return
  }
}

</mosaic_0001>

<sc_bundles>
// kernel: kernel.3.cloned.1.call-start
scs
__scs_entry_jumppad:
0x0: {  	(pc) =	sbr.rel $0x88, $3  }
0x1: {  	(tag) =	ssettag $0x0;
	lr =	simm.s32 $0x1  }
0x2: {  	[smem:$0x3F9D] =	sst lr;
	_ =	strace $0xD0000000  }
0x3: {  	_ = 	snop  }
0x4: {  	_ = 	snop  }
0x5: {  	_ = 	snop  }
0x6: {  	_ = 	snop  }
0x7: {  	_ = 	snop  }
__scs_overlays_trampoline_lowered:
0x8: {  	[smem:$0x3FAC] =	sst s0  }
0x9: {  	[smem:$0x3FAD] =	sst s1  }
0xa: {  	[smem:$0x3FAE] =	sst s2  }
0xb: {  	[smem:$0x3FAF] =	sst s3  }
0xc: {  	[smem:$0x3FB0] =	sst s4  }
0xd: {  	[smem:$0x3FB1] =	sst s5  }
0xe: {  	[smem:$0x3FB2] =	sst s6  }
0xf: {  	[smem:$0x3FB3] =	sst s7  }
0x10: {  	[smem:$0x3FB4] =	sst s8  }
0x11: {  	[smem:$0x3FB5] =	sst s9;
	s0 =	simm.s32 @!p0 $0x0  }
0x12: {  	s1 =	sld [smem:$0x3F9B];
	s0 =	simm.s32 @p0 $0x1  }
0x13: {  	[smem:$0x3FB6] =	sst s0;
	s0 =	simm.s32 @!p1 $0x0  }
0x14: {  	s2 =	sld [smem:$0x3F9A];
	s0 =	simm.s32 @p1 $0x1  }
0x15: {  	[smem:$0x3FB7] =	sst s0;
	s0 =	simm.s32 @!p2 $0x0  }
0x16: {  	s3 =	sld [smem:$0x3FDB];
	s0 =	simm.s32 @p2 $0x1  }
0x17: {  	s4 =	simm.s32 $0x1BF5;
	[smem:$0x3FB9] =	sst s0  }
0x18: {  	s0 =	sld [smem:$0x3F9C];
	_ =	swait.ge [sflag:s4], $0x0  }
0x19: {  	s7 =	sld [smem:$0x3F9D]  }
0x1a: {  	s8 =	sadd.s32 $0xFFFFE003, lr  }
0x1b: {  	s9 =	sadd.s32 $0xFFFFFEF7, lr;
	s5 =	simm.s32 $0xFFFFFFFF;
	p2 =	slt.u32 s8, $0xFFFFF086  }
0x1c: {  	p1 =	slt.u32 s9, $0xF7A;
	s5 =	simm.s32 @!p2 $0x0  }
0x1d: {  	s5 =	simm.s32 @p1 $0x1;
	p0 =	seq.s32 s7, s2  }
0x1e: {  	s7 =	smul.u32 @!p0 $0xF7A, s2;
	p2 =	seq.s32 @!p0 s5, $0x0  }
0x1f: {  	s9 =	smul.u32 $0xF7A, s1;
	s8 =	simm.s32 @!p0 $0x1BF5;
	p2 =	por !p2, p0  }
0x20: {  	[sflag:s8] =	ssyncset.s32 @!p0 $0xFFFFF086;
	s6 =	sadd.s32 @!p0 s3, s7;
	s7 =	simm.s32 @!p0 $0x108  }
0x21: {  	s3 =	sadd.s32 s3, s9;
	s6 =	sadd.s32 @!p0 $0x88, s6;
	s7 =	simm.s32 @p2 $0x1082  }
0x22: {  	[simem:s7], [sflag:s8] =	dma.local @!p0 [hbm:s6], $0xF7A  }
0x23: {  	s9 =	sor.u32 $0xD0000000, s2;
	s6 =	simm.s32 $0x108;
	_ =	swait.ge @!p0 [sflag:s8], $0x0  }
0x24: {  	s3 =	sadd.s32 $0x88, s3;
	s6 =	simm.s32 @!p1 $0x1082;
	[sflag:s4] =	ssyncset.s32 $0xFFFFF086  }
0x25: {  	[simem:s6], [sflag:s4] =	dma.local [hbm:s3], $0xF7A  }
0x26: {  	[smem:$0x3F9D] =	sst s1;
	(tag) =	ssettag s2;
	_ =	strace s9  }
0x27: {  	s1 =	sld [smem:$0x3FAD]  }
0x28: {  	s2 =	sld [smem:$0x3FAE]  }
0x29: {  	s4 =	sld [smem:$0x3FB0]  }
0x2a: {  	p0 =	seq.s32 s5, $0x0;
	s5 =	sld [smem:$0x3FB1]  }
0x2b: {  	s6 =	sld [smem:$0x3FB2]  }
0x2c: {  	s7 =	sld [smem:$0x3FB3]  }
0x2d: {  	s3 =	simm.s32 $0x108;
	s8 =	sld [smem:$0x3FB4]  }
0x2e: {  	s3 =	simm.s32 @!p0 $0x1082;
	s9 =	sld [smem:$0x3FB5]  }
0x2f: {  	lr =	sadd.s32 s0, s3;
	s0 =	sld [smem:$0x3FAC]  }
0x30: {  	s3 =	sld [smem:$0x3FAF]  }
0x31: {  	[smem:$0x3FB8] =	sst s10  }
0x32: {  	s10 =	sld [smem:$0x3FB6];
	_ =	sdelay $0x3  }
0x33: {  	p0 =	seq.s32 s10, $0x1;
	s10 =	sld [smem:$0x3FB8];
	_ =	sdelay $0x3  }
0x34: {  	[smem:$0x3FB8] =	sst s10  }
0x35: {  	s10 =	sld [smem:$0x3FB7];
	_ =	sdelay $0x3  }
0x36: {  	p1 =	seq.s32 s10, $0x1;
	s10 =	sld [smem:$0x3FB8];
	_ =	sdelay $0x3  }
0x37: {  	[smem:$0x3FB8] =	sst s10  }
0x38: {  	s10 =	sld [smem:$0x3FB9]  }
0x39: {  	_ = 	snop;
	(pc) =	sbr.ind lr, $3  }
0x3a: {  	_ = 	snop  }
0x3b: {  	_ = 	snop  }
0x3c: {  	p2 =	seq.s32 s10, $0x1;
	s10 =	sld [smem:$0x3FB8]  }
0x3d: {  	_ =	shalt  }
0x3e: {  	_ =	shalt  }
0x3f: {  	_ =	shalt  }
0x40: {  	_ =	shalt  }
0x41: {  	_ =	shalt  }
0x42: {  	_ =	shalt  }
0x43: {  	_ =	shalt  }
0x44: {  	_ =	shalt  }
0x45: {  	_ =	shalt  }
0x46: {  	_ =	shalt  }
0x47: {  	_ =	shalt  }
0x48: {  	_ =	shalt  }
0x49: {  	_ =	shalt  }
0x4a: {  	_ =	shalt  }
0x4b: {  	_ =	shalt  }
0x4c: {  	_ =	shalt  }
0x4d: {  	_ =	shalt  }
0x4e: {  	_ =	shalt  }
0x4f: {  	_ =	shalt  }
0x50: {  	_ =	shalt  }
0x51: {  	_ =	shalt  }
0x52: {  	_ =	shalt  }
0x53: {  	_ =	shalt  }
0x54: {  	_ =	shalt  }
0x55: {  	_ =	shalt  }
0x56: {  	_ =	shalt  }
0x57: {  	_ =	shalt  }
0x58: {  	_ =	shalt  }
0x59: {  	_ =	shalt  }
0x5a: {  	_ =	shalt  }
0x5b: {  	_ =	shalt  }
0x5c: {  	_ =	shalt  }
0x5d: {  	_ =	shalt  }
0x5e: {  	_ =	shalt  }
0x5f: {  	_ =	shalt  }
0x60: {  	_ =	shalt  }
0x61: {  	_ =	shalt  }
0x62: {  	_ =	shalt  }
0x63: {  	_ =	shalt  }
0x64: {  	_ =	shalt  }
0x65: {  	_ =	shalt  }
0x66: {  	_ =	shalt  }
0x67: {  	_ =	shalt  }
0x68: {  	_ =	shalt  }
0x69: {  	_ =	shalt  }
0x6a: {  	_ =	shalt  }
0x6b: {  	_ =	shalt  }
0x6c: {  	_ =	shalt  }
0x6d: {  	_ =	shalt  }
0x6e: {  	_ =	shalt  }
0x6f: {  	_ =	shalt  }
0x70: {  	_ =	shalt  }
0x71: {  	_ =	shalt  }
0x72: {  	_ =	shalt  }
0x73: {  	_ =	shalt  }
0x74: {  	_ =	shalt  }
0x75: {  	_ =	shalt  }
0x76: {  	_ =	shalt  }
0x77: {  	_ =	shalt  }
0x78: {  	_ =	shalt  }
0x79: {  	_ =	shalt  }
0x7a: {  	_ =	shalt  }
0x7b: {  	_ =	shalt  }
0x7c: {  	_ =	shalt  }
0x7d: {  	_ =	shalt  }
0x7e: {  	_ =	shalt  }
0x7f: {  	_ =	shalt  }
0x80: {  	_ =	shalt  }
0x81: {  	_ =	shalt  }
0x82: {  	_ =	shalt  }
0x83: {  	_ =	shalt  }
0x84: {  	_ =	shalt  }
0x85: {  	_ =	shalt  }
0x86: {  	_ =	shalt  }
0x87: {  	_ =	shalt  }
.Lfunc_end0:
.L_simem_size_0:
called_computation_lowered:
.L_overlay_start_0:
0x88: {  	s2 =	sld [smem:$0x3FD9]  }
0x89: {  	s3 =	sld [smem:$0x3FFE];
	_ =	sdelay $0x1  }
0x8a: {  	s1 =	srdreg.scid  }
0x8b: {  	s0 =	sand.u32 $0x1, s1  }
0x8c: {  	s17 =	sshll.u32 s0, $0xA;
	s2 =	sadd.s32 s3, s2  }
0x8d: {  	s2 =	sadd.s32 s2, s17  }
0x8e: {  	[smem:$0x3FC4] =	sst s2  }
0x8f: {  	_ = 	snop  }
0x90: {  	s2 =	sld [smem:$0x3FD0];
	(tm) =	ssettm $0x1  }
0x91: {  	s18 =	sld [smem:$0x3FFB];
	_ =	sdelay $0x3  }
0x92: {  	_ =	strace s18  }
0x93: {  	s3 =	sld [smem:$0x3FFC];
	_ =	sdelay $0x3  }
0x94: {  	_ =	strace s3  }
0x95: {  	s3 =	sld [smem:$0x3FFD];
	_ =	sdelay $0x3  }
0x96: {  	_ =	strace s3  }
0x97: {  	_ =	strace $0x8FFFFFFF  }
0x98: {  	s19 =	sld [smem:$0x3FDB];
	_ =	sdelay $0x1  }
0x99: {  	s4 =	simm.s32 $_scs_section_size  }
0x9a: {  	s5 =	simm.s32 $_size__tile_overlayer_lowered;
	s6 =	simm.s32 $_tile_overlayer_lowered  }
0x9b: {  	s22 =	simm.s32 $0x1BFF;
	s21 =	sshll.u32 s6, $0x1;
	s3 =	sadd.s32 s4, s19  }
0x9c: {  	s7 =	simm.s32 $0x0;
	s20 =	sshll.u32 s5, $0x1;
	s5 =	sadd.s32 s21, s3  }
0x9d: {  	[timem:s7], [sflag:s22] =	dma.local [hbm:s5], s20  }
0x9e: {  	_ =	swait.ge [sflag:s22], s20  }
0x9f: {  	s4 =	ssub.s32 $0x0, s20;
	[sflag:s22] =	ssyncset.done $0x0  }
0xa0: {  	[sflag:s22] =	ssyncadd.s32 s4;
	_ =	sdelay $0x1  }
0xa1: {  	s23 =	simm.s32 $0x1B8B  }
0xa2: {  	_ =	swait.ge [sflag:s23], $0x1  }
0xa3: {  	[sflag:s23] =	ssyncset.done $0x0  }
0xa4: {  	s25 =	simm.s32 $0x1B8E;
	s24 =	sld [smem:$0x3FFE];
	[sflag:s23] =	ssyncadd.s32 $0xFFFFFFFF  }
0xa5: {  	s26 =	simm.s32 $execute0_lowered;
	[smem:$0x3FD2] =	sst s25  }
0xa6: {  	s5 =	sshll.u32 s26, $0x1;
	_ =	strace $0x80000046;
	[dreg:$0x1] =	wrdreg $0xFFFFFFFF  }
0xa7: {  	s28 =	simm.s32 $_size_execute0_lowered;
	s3 =	sadd.s32 s3, s5;
	[dreg:$0x0] =	wrdreg $0x0  }
0xa8: {  	s5 =	sshll.u32 s28, $0x1;
	[dreg:$0x2] =	wrdreg s3  }
0xa9: {  	[dreg:$0x3] =	wrdreg s5  }
0xaa: {  	[dreg:$0x4] =	wrdreg $0xC0  }
0xab: {  	_ =	task [dreg:s7], $0x5FFFF  }
0xac: {  	[dreg:$0x1] =	wrdreg $0xFFFFFFFF  }
0xad: {  	[dreg:$0x0] =	wrdreg $0x60  }
0xae: {  	[dreg:$0x2] =	wrdreg s24  }
0xaf: {  	[dreg:$0x3] =	wrdreg s2  }
0xb0: {  	[dreg:$0x4] =	wrdreg $0x9  }
0xb1: {  	_ =	task.clear_ibuf [dreg:s7], $0x5FFFF;
	_ =	strace $0x90000046  }
0xb2: {  	s29 =	simm.s32 $0x9;
	_ =	strace $0x80000048  }
0xb3: {  	_ =	swait.ge [sflag:s29], $0x1  }
0xb4: {  	[sflag:s29] =	ssyncadd.s32 $0xFFFFFFFF  }
0xb5: {  	_ =	strace $0x90000048  }
0xb6: {  	_ =	sfence  }
0xb7: {  	s30 =	sld [smem:$0x0];
	_ =	sdelay $0x2  }
0xb8: {  	s31 =	sshll.u32 s1, $0xD;
	s1 =	sshrl.u32 s1, $0x2  }
0xb9: {  	s3 =	sand.u32 $0x4000, s31;
	s1 =	sadd.s32 s1, s30  }
0xba: {  	s0 =	sor.u32 s3, s0;
	s1 =	sshll.u32 s1, $0x11  }
0xbb: {  	s0 =	sor.u32 s1, s0  }
0xbc: {  	s0 =	sadd.s32 $0x8F2B, s0  }
0xbd: {  	[sflag:s0] =	ssyncadd.remote.s32 $0x1  }
0xbe: {  	_ =	sfence.sel $0xFFFF  }
0xbf: {  	[dreg:$0x0] =	wrdreg $0xFFFFFFFF;
	(pc) =	sbr.abs _section_cstart, $3  }
0xc0: {  	[dreg:$0x1] =	wrdreg $0xFFFFFFFF  }
0xc1: {  	_ =	task.clear_ibuf [dreg:s7], $0x2FFFF;
	_ =	strace $0x9FFFFFFF  }
0xc2: {  	(tm) =	ssettm $0x7FFFFFFF  }
0xc3: {  	_ =	shalt  }
tec
execute0_lowered:
.L_overlay_start_1:
0x0: {  	(tag) =	ssettag $0x1  }
0x1: {  	v0 =	vimm.s32 $0xFEDCBA98;
	v1 =	vimm.s32 $0x76543210  }
0x2: {  	v2 =	vimm.s32 $0xBA98FEDC;
	v3 =	vimm.s32 $0x32107654;
	v4 =	vimm.s32 $0xDCFE98BA  }
0x3: {  	v5 =	vimm.s32 $0x54761032;
	v6 =	vimm.s32 $0xEFCDAB89;
	v7 =	vimm.s32 $0x67452301  }
0x4: {  	vm0 =	vmmov $0x1;
	vm1 =	vmmov $0x3;
	vm2 =	vmmov $0x7  }
0x5: {  	vm3 =	vmmov $0xf;
	vm4 =	vmmov $0x1f;
	v0 =	vunpack.c.l.s4.s8 v0  }
0x6: {  	s0 =	rddreg [dreg:$0x0];
	v1 =	vunpack.c.l.s4.s8 v1;
	v2 =	vunpack.c.l.s4.s8 v2;
	v3 =	vunpack.c.l.s4.s8 v3  }
0x7: {  	s1 =	rddreg [dreg:$0x1];
	s2 =	srdreg.scid;
	v4 =	vunpack.c.l.s4.s8 v4;
	v5 =	vunpack.c.l.s4.s8 v5;
	v6 =	vunpack.c.l.s4.s8 v6  }
0x8: {  	s4 =	stileid.u32;
	v7 =	vunpack.c.l.s4.s8 v7;
	s3 =	sand.u32 $0x1, s2;
	s2 =	simm.s32 $0x0;
	v0 =	vunpack.c.0.s8.s32 v0;
	v2 =	vunpack.c.0.s8.s32 v2  }
0x9: {  	s4 =	sshll.u32 s4, $0x7;
	s30 =	sadd.s32 $0x3A00, s0;
	s5 =	sshll.u32 s3, $0x6;
	v4 =	vunpack.c.0.s8.s32 v4;
	v5 =	vunpack.c.0.s8.s32 v5;
	v1 =	vunpack.c.0.s8.s32 v1  }
0xa: {  	s13 =	sadd.s32 $0x18A400, s0;
	[smem:$0x7FF] =	sst s2;
	v6 =	vunpack.c.0.s8.s32 v6;
	v7 =	vunpack.c.0.s8.s32 v7;
	s4 =	sor.u32 s5, s4;
	v0 =	vand.u32 $0xF, v0  }
0xb: {  	s3 =	ssub.s32 $0x2, s3;
	v3 =	vunpack.c.0.s8.s32 v3;
	s5 =	sadd.s32 s4, s0;
	s1 =	sadd.s32 s1, s4;
	v58 =	vcombine.low v5, v4;
	v63 =	vcombine.low v0, v1  }
0xc: {  	vm5 =	vmmov $0x3f;
	vm6 =	vmmov $0x7f;
	_ =	strace $0x80000047;
	v59 =	vcombine.low v7, v6;
	s28 =	sadd.s32 $0x3200, s5;
	[smem:$0x7FC] =	sst s1  }
0xd: {  	vm7 =	vmmov $0xff;
	s6 =	sshrl.u32 s3, $0x1;
	v2 =	vcombine.low v3, v2;
	s29 =	sadd.s32 $0x2A00, s5;
	[dreg:$0x1e] =	wrdreg s28;
	v54 =	vand.u32 $0xF, v58;
	[tilespmem:$0x1FFC0] =	vst v63  }
0xe: {  	vm8 =	vmmov $0x1ff;
	vm9 =	vmmov $0x3ff;
	s26 =	ssub.s32 s3, s6;
	s31 =	sadd.s32 $0x2200, s5;
	[dreg:$0x1f] =	wrdreg s29;
	v62 =	vand.u32 $0xF, v59;
	[tilespmem:$0x1FFD0] =	vst v54  }
0xf: {  	vm10 =	vmmov $0x7ff;
	vm11 =	vmmov $0xfff;
	s14 =	sadd.s32 $0x310E00, s0;
	s0 =	smax.u32 s26, $0x1;
	[smem:$0x7FB] =	sst s31;
	v60 =	vand.u32 $0xF, v2;
	[tilespmem:$0x1FFE0] =	vst v62  }
0x10: {  	vm12 =	vmmov $0x1fff;
	vm13 =	vmmov $0x3fff;
	vm14 =	vmmov $0x7fff;
	s3 =	simm.s32 $0x0;
	s1 =	simm.s32 $0x4;
	[smem:$0x7FD] =	sst s0;
	[tilespmem:$0x1FFF0] =	vst v60  }
.LBB2_1:
0x11: {  	[smem:$0x7FA] =	sst s3  }
0x12: {  	s0 =	rddreg [dreg:$0x1e]  }
0x13: {  	[tilespmem:s2], [sflag:$0x4] =	stream.linear.gather [hbm4b:s0+s2], $0x200, $0x38;
	[tilespmem:$0x18800] =	vst v63  }
0x14: {  	_ =	swait.ge [sflag:s1], $0x200  }
0x15: {  	[sflag:s1] =	ssyncset.done $0x0  }
0x16: {  	s28 =	simm.s32 $0x200;
	s26 =	rddreg [dreg:$0x1f];
	[sflag:s1] =	ssyncadd.s32 $0xFFFFFE00  }
0x17: {  	[tilespmem:s28], [sflag:$0x4] =	stream.linear.gather [hbm4b:s26+s2], $0x200, $0x38;
	[tilespmem:$0x18800] =	vst v63  }
0x18: {  	_ =	swait.ge [sflag:s1], $0x200  }
0x19: {  	s29 =	sld [smem:$0x7FB]  }
0x1a: {  	[sflag:s1] =	ssyncset.done $0x0  }
0x1b: {  	s31 =	simm.s32 $0x400;
	[sflag:s1] =	ssyncadd.s32 $0xFFFFFE00  }
0x1c: {  	[tilespmem:s31], [sflag:$0x4] =	stream.linear.gather [hbm4b:s29+s2], $0x200, $0x38;
	[tilespmem:$0x18800] =	vst v63  }
0x1d: {  	_ =	swait.ge [sflag:s1], $0x200  }
0x1e: {  	[sflag:s1] =	ssyncset.done $0x0  }
0x1f: {  	p1 =	por $0x1, $0x1;
	s0 =	simm.s32 $0x0;
	[sflag:s1] =	ssyncadd.s32 $0xFFFFFE00  }
.LBB2_2:
0x20: {  	s17 =	sshll.u32 s0, $0x2  }
0x21: {  	[smem:$0x7F9] =	sst s0;
	s0 =	sshra.s32 s17, $0x2  }
0x22: {  	v0 =	vld [tilespmem:s0+$0x0]  }
0x23: {  	s1 =	sadd.s32 $0x200, s0  }
0x24: {  	v1 =	vld [tilespmem:s1+$0x0]  }
0x25: {  	s3 =	sadd.s32 $0x400, s0  }
0x26: {  	v2 =	vld [tilespmem:s3+$0x0]  }
0x27: {  	v6 =	vshll.u32 v0, $0x4  }
0x28: {  	(v2sf) =	vpush v6, $0x0  }
0x29: {  	v5 =	vshll.u32 v1, $0x4  }
0x2a: {  	(v2sf) =	vpush v5, $0x0  }
0x2b: {  	v4 =	vshll.u32 v2, $0x4  }
0x2c: {  	(v2sf) =	vpush v4, $0x0  }
0x2d: {  	(v2sf) =	vpush v6, $0x1  }
0x2e: {  	(v2sf) =	vpush v5, $0x1;
	_ =	sdelay $0x1  }
0x2f: {  	(v2sf) =	vpush v4, $0x1;
	_ =	sdelay $0x1  }
0x30: {  	(v2sf) =	vpush v6, $0x2  }
0x31: {  	s24 =	simm.s32 $0x2000;
	s19 =	simm.s32 $0x0  }
0x32: {  	s5 =	simm.s32 $0x10600;
	s6 =	simm.s32 $0x8780;
	s4 =	simm.s32 $0x980;
	(v2sf) =	vpush v5, $0x2  }
0x33: {  	s18 =	simm.s32 $0x600;
	s7 =	simm.s32 $0x8600;
	s10 =	simm.s32 $0x10680  }
0x34: {  	s25 =	simm.s32 $0x680;
	s29 =	simm.s32 $0x8680;
	p0 =	por p1, p1  }
0x35: {  	s17 =	simm.s32 $0x700;
	s15 =	sadd.s32 $0x10, s1;
	s8 =	spop (v2sf)  }
0x36: {  	s16 =	sadd.s32 $0x10, s3;
	s3 =	simm.s32 $0xA00;
	s8 =	sand.u32 $0x1FFFFFF0, s8  }
0x37: {  	s1 =	simm.s32 $0xA80;
	s9 =	spop (v2sf);
	s8 =	sadd.s32 s30, s8  }
0x38: {  	(v2sf) =	vpush v4, $0x2;
	[tilespmem:s18], [sflag:$0x1] =	stream.linear.gather [hbm4b:s8+s2], $0x80, $0x38;
	[tilespmem:$0x18800] =	vst v63  }
0x39: {  	s9 =	sand.u32 $0x1FFFFFF0, s9;
	s11 =	spop (v2sf);
	s8 =	simm.s32 $0x780  }
0x3a: {  	(v2sf) =	vpush v6, $0x3;
	s20 =	sadd.s32 s13, s9;
	s21 =	sand.u32 $0x1FFFFFF0, s11;
	s22 =	spop (v2sf)  }
0x3b: {  	(v2sf) =	vpush v5, $0x3;
	s9 =	sand.u32 $0x1FFFFFF0, s22;
	s23 =	spop (v2sf);
	s22 =	simm.s32 $0x10700  }
0x3c: {  	[tilespmem:s7], [sflag:$0x2] =	stream.linear.gather [hbm4b:s20+s2], $0x80, $0x38;
	[tilespmem:$0x18800] =	vst v63  }
0x3d: {  	(v2sf) =	vpush v4, $0x3;
	s7 =	sadd.s32 s14, s21;
	s26 =	sadd.s32 s30, s9;
	s31 =	spop (v2sf)  }
0x3e: {  	(v2sf) =	vpush v6, $0x4;
	[tilespmem:s5], [sflag:$0x3] =	stream.linear.gather [hbm4b:s7+s2], $0x80, $0x38;
	[tilespmem:$0x18800] =	vst v63  }
0x3f: {  	s28 =	sand.u32 $0x1FFFFFF0, s23;
	s20 =	simm.s32 $0x8700;
	s11 =	spop (v2sf)  }
0x40: {  	(v2sf) =	vpush v5, $0x4;
	[tilespmem:s25], [sflag:$0x1] =	stream.linear.gather [hbm4b:s26+s2], $0x80, $0x38;
	[tilespmem:$0x18800] =	vst v63  }
0x41: {  	s9 =	sadd.s32 s13, s28;
	s7 =	sand.u32 $0x1FFFFFF0, s31;
	s12 =	spop (v2sf)  }
0x42: {  	[tilespmem:s29], [sflag:$0x2] =	stream.linear.gather [hbm4b:s9+s2], $0x80, $0x38;
	[tilespmem:$0x18800] =	vst v63  }
0x43: {  	(v2sf) =	vpush v4, $0x4;
	s31 =	simm.s32 $0x8800;
	s5 =	sadd.s32 s14, s7;
	s7 =	sand.u32 $0x1FFFFFF0, s11  }
0x44: {  	[tilespmem:s10], [sflag:$0x3] =	stream.linear.gather [hbm4b:s5+s2], $0x80, $0x38;
	[tilespmem:$0x18800] =	vst v63  }
0x45: {  	s18 =	sand.u32 $0x1FFFFFF0, s12;
	(v2sf) =	vpush v6, $0x5;
	s7 =	sadd.s32 s30, s7;
	s9 =	simm.s32 $0x10780  }
0x46: {  	[tilespmem:s17], [sflag:$0x1] =	stream.linear.gather [hbm4b:s7+s2], $0x80, $0x38;
	[tilespmem:$0x18800] =	vst v63  }
0x47: {  	(v2sf) =	vpush v5, $0x5;
	s10 =	sadd.s32 s13, s18;
	s5 =	simm.s32 $0x10A80;
	s21 =	spop (v2sf)  }
0x48: {  	[tilespmem:s20], [sflag:$0x2] =	stream.linear.gather [hbm4b:s10+s2], $0x80, $0x38;
	[tilespmem:$0x18800] =	vst v63  }
0x49: {  	s17 =	simm.s32 $0x800;
	s7 =	sand.u32 $0x1FFFFFF0, s21;
	s23 =	spop (v2sf)  }
0x4a: {  	s21 =	simm.s32 $0x10800;
	s7 =	sadd.s32 s14, s7;
	s25 =	spop (v2sf)  }
0x4b: {  	[tilespmem:s22], [sflag:$0x3] =	stream.linear.gather [hbm4b:s7+s2], $0x80, $0x38;
	[tilespmem:$0x18800] =	vst v63  }
0x4c: {  	s10 =	sand.u32 $0x1FFFFFF0, s23;
	s7 =	simm.s32 $0x8880;
	s29 =	spop (v2sf)  }
0x4d: {  	(v2sf) =	vpush v4, $0x5;
	s26 =	sadd.s32 s30, s10;
	s28 =	sand.u32 $0x1FFFFFF0, s25;
	s11 =	spop (v2sf)  }
0x4e: {  	(v2sf) =	vpush v6, $0x6;
	[tilespmem:s8], [sflag:$0x1] =	stream.linear.gather [hbm4b:s26+s2], $0x80, $0x38;
	[tilespmem:$0x18800] =	vst v63  }
0x4f: {  	s10 =	sadd.s32 s13, s28;
	s8 =	sand.u32 $0x1FFFFFF0, s29;
	s12 =	spop (v2sf)  }
0x50: {  	(v2sf) =	vpush v5, $0x6;
	s26 =	simm.s32 $0x880;
	s8 =	sadd.s32 s14, s8;
	s20 =	sand.u32 $0x1FFFFFF0, s12  }
0x51: {  	(v2sf) =	vpush v4, $0x6;
	[tilespmem:s6], [sflag:$0x2] =	stream.linear.gather [hbm4b:s10+s2], $0x80, $0x38;
	[tilespmem:$0x18800] =	vst v63  }
0x52: {  	s22 =	spop (v2sf);
	s12 =	simm.s32 $0x10880;
	s10 =	sand.u32 $0x1FFFFFF0, s11  }
0x53: {  	(v2sf) =	vpush v6, $0x7;
	[tilespmem:s9], [sflag:$0x3] =	stream.linear.gather [hbm4b:s8+s2], $0x80, $0x38;
	[tilespmem:$0x18800] =	vst v63  }
0x54: {  	s6 =	simm.s32 $0xB00;
	(v2sf) =	vpush v5, $0x7;
	s23 =	spop (v2sf);
	s18 =	sadd.s32 s30, s10  }
0x55: {  	[tilespmem:s17], [sflag:$0x1] =	stream.linear.gather [hbm4b:s18+s2], $0x80, $0x38;
	[tilespmem:$0x18800] =	vst v63  }
0x56: {  	s10 =	sadd.s32 s13, s20;
	s25 =	spop (v2sf);
	(v2sf) =	vpush v4, $0x7;
	s9 =	sand.u32 $0x1FFFFFF0, s22  }
0x57: {  	[tilespmem:s31], [sflag:$0x2] =	stream.linear.gather [hbm4b:s10+s2], $0x80, $0x38;
	[tilespmem:$0x18800] =	vst v63  }
0x58: {  	s20 =	simm.s32 $0x900;
	(v2sf) =	vpush v6, $0x8;
	s9 =	sadd.s32 s14, s9;
	s10 =	sand.u32 $0x1FFFFFF0, s23  }
0x59: {  	[tilespmem:s21], [sflag:$0x3] =	stream.linear.gather [hbm4b:s9+s2], $0x80, $0x38;
	[tilespmem:$0x18800] =	vst v63  }
0x5a: {  	s29 =	sand.u32 $0x1FFFFFF0, s25;
	s25 =	simm.s32 $0x10900;
	s28 =	sadd.s32 s30, s10  }
0x5b: {  	[tilespmem:s26], [sflag:$0x1] =	stream.linear.gather [hbm4b:s28+s2], $0x80, $0x38;
	[tilespmem:$0x18800] =	vst v63  }
0x5c: {  	s8 =	simm.s32 $0x8A80;
	s31 =	simm.s32 $0x8900;
	s11 =	spop (v2sf)  }
0x5d: {  	s10 =	sadd.s32 s13, s29;
	s9 =	sand.u32 $0x1FFFFFF0, s11;
	s17 =	spop (v2sf)  }
0x5e: {  	(v2sf) =	vpush v5, $0x8;
	[tilespmem:s7], [sflag:$0x2] =	stream.linear.gather [hbm4b:s10+s2], $0x80, $0x38;
	[tilespmem:$0x18800] =	vst v63  }
0x5f: {  	s11 =	simm.s32 $0x8980;
	s9 =	sadd.s32 s14, s9;
	s18 =	spop (v2sf)  }
0x60: {  	(v2sf) =	vpush v4, $0x8;
	s10 =	sand.u32 $0x1FFFFFF0, s17;
	s7 =	simm.s32 $0x8B00;
	s23 =	spop (v2sf)  }
0x61: {  	[tilespmem:s12], [sflag:$0x3] =	stream.linear.gather [hbm4b:s9+s2], $0x80, $0x38;
	[tilespmem:$0x18800] =	vst v63  }
0x62: {  	s17 =	simm.s32 $0x10980;
	s21 =	sadd.s32 s30, s10;
	s26 =	spop (v2sf)  }
0x63: {  	(v2sf) =	vpush v6, $0x9;
	s22 =	sand.u32 $0x1FFFFFF0, s18;
	s9 =	sand.u32 $0x1FFFFFF0, s23;
	s28 =	spop (v2sf)  }
0x64: {  	(v2sf) =	vpush v5, $0x9;
	[tilespmem:s20], [sflag:$0x1] =	stream.linear.gather [hbm4b:s21+s2], $0x80, $0x38;
	[tilespmem:$0x18800] =	vst v63  }
0x65: {  	s10 =	sadd.s32 s13, s22;
	s9 =	sadd.s32 s14, s9;
	s12 =	spop (v2sf)  }
0x66: {  	[tilespmem:s31], [sflag:$0x2] =	stream.linear.gather [hbm4b:s10+s2], $0x80, $0x38;
	[tilespmem:$0x18800] =	vst v63  }
0x67: {  	s21 =	simm.s32 $0x8A00;
	s18 =	spop (v2sf);
	s10 =	sand.u32 $0x1FFFFFF0, s26  }
0x68: {  	(v2sf) =	vpush v4, $0x9;
	[tilespmem:s25], [sflag:$0x3] =	stream.linear.gather [hbm4b:s9+s2], $0x80, $0x38;
	[tilespmem:$0x18800] =	vst v63  }
0x69: {  	s31 =	sand.u32 $0x1FFFFFF0, s28;
	s29 =	sadd.s32 s30, s10;
	s9 =	sand.u32 $0x1FFFFFF0, s12  }
0x6a: {  	(v2sf) =	vpush v6, $0xA;
	[tilespmem:s4], [sflag:$0x1] =	stream.linear.gather [hbm4b:s29+s2], $0x80, $0x38;
	[tilespmem:$0x18800] =	vst v63  }
0x6b: {  	s10 =	sadd.s32 s13, s31;
	s25 =	simm.s32 $0x10A00;
	s9 =	sadd.s32 s14, s9  }
0x6c: {  	(v2sf) =	vpush v5, $0xA;
	[tilespmem:s11], [sflag:$0x2] =	stream.linear.gather [hbm4b:s10+s2], $0x80, $0x38;
	[tilespmem:$0x18800] =	vst v63  }
0x6d: {  	s10 =	sand.u32 $0x1FFFFFF0, s18;
	s11 =	simm.s32 $0xC80;
	s20 =	spop (v2sf)  }
0x6e: {  	(v2sf) =	vpush v4, $0xA;
	[tilespmem:s17], [sflag:$0x3] =	stream.linear.gather [hbm4b:s9+s2], $0x80, $0x38;
	[tilespmem:$0x18800] =	vst v63  }
0x6f: {  	s18 =	sadd.s32 $0x10, s0;
	s23 =	sand.u32 $0x1FFFFFF0, s20;
	s26 =	spop (v2sf)  }
0x70: {  	s22 =	sadd.s32 s30, s10;
	(v2sf) =	vpush v6, $0xB;
	s10 =	sadd.s32 s13, s23;
	s28 =	sand.u32 $0x1FFFFFF0, s26  }
0x71: {  	(v2sf) =	vpush v5, $0xB;
	[tilespmem:s3], [sflag:$0x1] =	stream.linear.gather [hbm4b:s22+s2], $0x80, $0x38;
	[tilespmem:$0x18800] =	vst v63  }
0x72: {  	s29 =	spop (v2sf);
	s26 =	simm.s32 $0x10B00;
	s4 =	sadd.s32 s14, s28  }
0x73: {  	(v2sf) =	vpush v4, $0xB;
	s9 =	sand.u32 $0x1FFFFFF0, s29;
	s31 =	spop (v2sf);
	s28 =	simm.s32 $0xB80  }
0x74: {  	(v2sf) =	vpush v6, $0xC;
	[tilespmem:s21], [sflag:$0x2] =	stream.linear.gather [hbm4b:s10+s2], $0x80, $0x38;
	[tilespmem:$0x18800] =	vst v63  }
0x75: {  	s0 =	sand.u32 $0x1FFFFFF0, s31;
	s31 =	simm.s32 $0x8B80;
	s10 =	simm.s32 $0x8D80  }
0x76: {  	[tilespmem:s25], [sflag:$0x3] =	stream.linear.gather [hbm4b:s4+s2], $0x80, $0x38;
	[tilespmem:$0x18800] =	vst v63  }
0x77: {  	s0 =	sadd.s32 s13, s0;
	s4 =	sadd.s32 s30, s9;
	s9 =	spop (v2sf)  }
0x78: {  	[tilespmem:s1], [sflag:$0x1] =	stream.linear.gather [hbm4b:s4+s2], $0x80, $0x38;
	[tilespmem:$0x18800] =	vst v63  }
0x79: {  	s21 =	simm.s32 $0x10B80;
	(v2sf) =	vpush v5, $0xC;
	s3 =	sand.u32 $0x1FFFFFF0, s9;
	s12 =	spop (v2sf)  }
0x7a: {  	[tilespmem:s8], [sflag:$0x2] =	stream.linear.gather [hbm4b:s0+s2], $0x80, $0x38;
	[tilespmem:$0x18800] =	vst v63  }
0x7b: {  	(v2sf) =	vpush v4, $0xC;
	s17 =	sadd.s32 s14, s3;
	s20 =	sand.u32 $0x1FFFFFF0, s12;
	s22 =	spop (v2sf)  }
0x7c: {  	[tilespmem:s5], [sflag:$0x3] =	stream.linear.gather [hbm4b:s17+s2], $0x80, $0x38;
	[tilespmem:$0x18800] =	vst v63  }
0x7d: {  	s1 =	simm.s32 $0x8C00;
	s3 =	sadd.s32 s30, s20;
	s23 =	spop (v2sf)  }
0x7e: {  	[tilespmem:s6], [sflag:$0x1] =	stream.linear.gather [hbm4b:s3+s2], $0x80, $0x38;
	[tilespmem:$0x18800] =	vst v63  }
0x7f: {  	s4 =	sand.u32 $0x1FFFFFF0, s22;
	(v2sf) =	vpush v6, $0xD;
	s8 =	simm.s32 $0x10D00;
	s25 =	spop (v2sf)  }
0x80: {  	s4 =	sadd.s32 s13, s4;
	s5 =	sand.u32 $0x1FFFFFF0, s23;
	s29 =	spop (v2sf)  }
0x81: {  	(v2sf) =	vpush v5, $0xD;
	[tilespmem:s7], [sflag:$0x2] =	stream.linear.gather [hbm4b:s4+s2], $0x80, $0x38;
	[tilespmem:$0x18800] =	vst v63  }
0x82: {  	s0 =	simm.s32 $0x10C80;
	s5 =	sadd.s32 s14, s5;
	s7 =	spop (v2sf)  }
0x83: {  	s3 =	simm.s32 $0xC00;
	s6 =	sand.u32 $0x1FFFFFF0, s25;
	s9 =	spop (v2sf)  }
0x84: {  	[tilespmem:s26], [sflag:$0x3] =	stream.linear.gather [hbm4b:s5+s2], $0x80, $0x38;
	[tilespmem:$0x18800] =	vst v63  }
0x85: {  	s6 =	sadd.s32 s30, s6;
	s5 =	sand.u32 $0x1FFFFFF0, s29;
	s17 =	sand.u32 $0x1FFFFFF0, s9  }
0x86: {  	[tilespmem:s28], [sflag:$0x1] =	stream.linear.gather [hbm4b:s6+s2], $0x80, $0x38;
	[tilespmem:$0x18800] =	vst v63  }
0x87: {  	s9 =	simm.s32 $0x8D00;
	s5 =	sadd.s32 s13, s5;
	s6 =	sand.u32 $0x1FFFFFF0, s7  }
0x88: {  	s7 =	simm.s32 $0xD80;
	s28 =	simm.s32 $0x10C00;
	s20 =	spop (v2sf)  }
0x89: {  	[tilespmem:s31], [sflag:$0x2] =	stream.linear.gather [hbm4b:s5+s2], $0x80, $0x38;
	[tilespmem:$0x18800] =	vst v63  }
0x8a: {  	s12 =	sadd.s32 s14, s6;
	s22 =	sand.u32 $0x1FFFFFF0, s20;
	s23 =	spop (v2sf)  }
0x8b: {  	(v2sf) =	vpush v4, $0xD;
	[tilespmem:s21], [sflag:$0x3] =	stream.linear.gather [hbm4b:s12+s2], $0x80, $0x38;
	[tilespmem:$0x18800] =	vst v63  }
0x8c: {  	(v2sf) =	vpush v6, $0xE;
	s20 =	simm.s32 $0xD00;
	s26 =	sand.u32 $0x1FFFFFF0, s23;
	s21 =	sadd.s32 s30, s17  }
0x8d: {  	(v2sf) =	vpush v5, $0xE;
	[tilespmem:s3], [sflag:$0x1] =	stream.linear.gather [hbm4b:s21+s2], $0x80, $0x38;
	[tilespmem:$0x18800] =	vst v63  }
0x8e: {  	(v2sf) =	vpush v4, $0xE;
	s25 =	sadd.s32 s13, s22;
	s29 =	sadd.s32 s14, s26;
	s31 =	spop (v2sf)  }
0x8f: {  	(v2sf) =	vpush v6, $0xF;
	[tilespmem:s1], [sflag:$0x2] =	stream.linear.gather [hbm4b:s25+s2], $0x80, $0x38;
	[tilespmem:$0x18800] =	vst v63  }
0x90: {  	(v2sf) =	vpush v5, $0xF;
	s3 =	sand.u32 $0x1FFFFFF0, s31;
	s1 =	simm.s32 $0x8C80;
	s4 =	spop (v2sf)  }
0x91: {  	(v2sf) =	vpush v4, $0xF;
	[tilespmem:s28], [sflag:$0x3] =	stream.linear.gather [hbm4b:s29+s2], $0x80, $0x38;
	[tilespmem:$0x18800] =	vst v63  }
.LBB2_3:
0x92: {  	_ =	sdelay $0x3  }
0x93: {  	s3 =	sadd.s32 s30, s3;
	s4 =	sand.u32 $0x1FFFFFF0, s4  }
0x94: {  	[tilespmem:s11], [sflag:$0x1] =	stream.linear.gather [hbm4b:s3+s2], $0x80, $0x38;
	[tilespmem:$0x18800] =	vst v63  }
0x95: {  	s28 =	sadd.s32 s13, s4  }
0x96: {  	[tilespmem:s1], [sflag:$0x2] =	stream.linear.gather [hbm4b:s28+s2], $0x80, $0x38;
	[tilespmem:$0x18800] =	vst v63  }
0x97: {  	s5 =	spop (v2sf)  }
0x98: {  	s29 =	sand.u32 $0x1FFFFFF0, s5;
	s31 =	spop (v2sf)  }
0x99: {  	s4 =	sadd.s32 s14, s29;
	s11 =	sand.u32 $0x1FFFFFF0, s31;
	s12 =	spop (v2sf)  }
0x9a: {  	[tilespmem:s0], [sflag:$0x3] =	stream.linear.gather [hbm4b:s4+s2], $0x80, $0x38;
	[tilespmem:$0x18800] =	vst v63  }
0x9b: {  	s17 =	sadd.s32 s30, s11;
	s21 =	sand.u32 $0x1FFFFFF0, s12;
	s22 =	spop (v2sf)  }
0x9c: {  	[tilespmem:s20], [sflag:$0x1] =	stream.linear.gather [hbm4b:s17+s2], $0x80, $0x38;
	[tilespmem:$0x18800] =	vst v63  }
0x9d: {  	s23 =	sadd.s32 s13, s21;
	s25 =	sand.u32 $0x1FFFFFF0, s22;
	s26 =	spop (v2sf)  }
0x9e: {  	[tilespmem:s9], [sflag:$0x2] =	stream.linear.gather [hbm4b:s23+s2], $0x80, $0x38;
	[tilespmem:$0x18800] =	vst v63  }
0x9f: {  	s28 =	sadd.s32 s14, s25;
	s29 =	sand.u32 $0x1FFFFFF0, s26  }
0xa0: {  	[tilespmem:s8], [sflag:$0x3] =	stream.linear.gather [hbm4b:s28+s2], $0x80, $0x38;
	[tilespmem:$0x18800] =	vst v63  }
0xa1: {  	s6 =	smov.u32 s24;
	s31 =	spop (v2sf);
	s1 =	sadd.s32 s30, s29  }
0xa2: {  	[tilespmem:s7], [sflag:$0x1] =	stream.linear.gather [hbm4b:s1+s2], $0x80, $0x38;
	[tilespmem:$0x18800] =	vst v63  }
0xa3: {  	s3 =	sand.u32 $0x1FFFFFF0, s31;
	s7 =	sadd.s32 $0x10D80, s19;
	s19 =	sshra.s32 s6, $0x2  }
0xa4: {  	s5 =	sadd.s32 s13, s3;
	s9 =	sadd.s32 $0x8780, s19  }
0xa5: {  	[tilespmem:s10], [sflag:$0x2] =	stream.linear.gather [hbm4b:s5+s2], $0x80, $0x38;
	[tilespmem:$0x18800] =	vst v63  }
0xa6: {  	s11 =	sadd.s32 $0xA00, s19;
	[dreg:$0x1c] =	wrdreg s9  }
0xa7: {  	s12 =	sadd.s32 $0xA80, s19;
	[dreg:$0xd] =	wrdreg s11  }
0xa8: {  	s4 =	spop (v2sf);
	s17 =	sadd.s32 $0x8880, s19;
	[dreg:$0xa] =	wrdreg s12  }
0xa9: {  	s3 =	sand.u32 $0x1FFFFFF0, s4;
	s21 =	sadd.s32 $0x10A80, s19;
	[dreg:$0x17] =	wrdreg s17  }
0xaa: {  	s8 =	sadd.s32 s14, s3;
	s22 =	sadd.s32 $0x8800, s19;
	[dreg:$0x8] =	wrdreg s21  }
0xab: {  	[tilespmem:s7], [sflag:$0x3] =	stream.linear.gather [hbm4b:s8+s2], $0x80, $0x38;
	[tilespmem:$0x18800] =	vst v63  }
0xac: {  	p1 =	sne.s32 s24, $0x1E000;
	s23 =	sadd.s32 $0x10800, s19;
	[dreg:$0x1b] =	wrdreg s22;
	v0 =	vld [tilespmem:s18+$0x0]  }
0xad: {  	s24 =	sadd.s32 $0x2000, s24;
	s26 =	sadd.s32 $0xB00, s19;
	[dreg:$0x19] =	wrdreg s23;
	v1 =	vld [tilespmem:s15+$0x0]  }
0xae: {  	s20 =	simm.s32 $0x0;
	s28 =	sadd.s32 $0x8900, s19;
	[dreg:$0x7] =	wrdreg s26;
	v2 =	vld [tilespmem:s16+$0x0]  }
0xaf: {  	s3 =	sadd.s32 $0x10600, s19;
	s29 =	sadd.s32 $0x8B00, s19;
	[dreg:$0x15] =	wrdreg s28  }
0xb0: {  	s1 =	sadd.s32 $0x600, s19;
	s31 =	sadd.s32 $0x8A80, s19;
	[dreg:$0x5] =	wrdreg s29  }
0xb1: {  	s25 =	sadd.s32 $0x780, s19;
	s4 =	sadd.s32 $0x10A00, s19;
	[dreg:$0xc] =	wrdreg s31;
	v6 =	vshll.u32 v0, $0x4  }
0xb2: {  	s6 =	sadd.s32 $0x880, s19;
	s5 =	sadd.s32 $0x10, s16;
	[dreg:$0xe] =	wrdreg s4;
	v5 =	vshll.u32 v1, $0x4;
	(v2sf) =	vpush v6, $0x0  }
0xb3: {  	s10 =	sadd.s32 $0x980, s19;
	s11 =	sadd.s32 $0x10780, s19;
	[dreg:$0x1d] =	wrdreg s6;
	v4 =	vshll.u32 v2, $0x4;
	(v2sf) =	vpush v5, $0x0  }
0xb4: {  	s9 =	sadd.s32 $0x800, s19;
	s12 =	sadd.s32 $0x10880, s19;
	[dreg:$0xf] =	wrdreg s10;
	(v2sf) =	vpush v4, $0x0  }
0xb5: {  	s28 =	sadd.s32 $0x680, s19;
	s17 =	sadd.s32 $0x10900, s19;
	[dreg:$0x1a] =	wrdreg s12  }
0xb6: {  	s26 =	sadd.s32 $0x700, s19;
	s21 =	sadd.s32 $0x8C00, s19;
	[dreg:$0x16] =	wrdreg s17;
	(v2sf) =	vpush v6, $0x1  }
0xb7: {  	s22 =	sadd.s32 $0x8700, s19;
	s23 =	sadd.s32 $0x10D00, s19;
	[dreg:$0x3] =	wrdreg s21  }
0xb8: {  	s4 =	sadd.s32 $0xD80, s19;
	s29 =	sadd.s32 $0x10B80, s19;
	[dreg:$0x18] =	wrdreg s23  }
0xb9: {  	s31 =	sadd.s32 $0xC00, s19;
	s6 =	sadd.s32 $0x8B80, s19;
	[dreg:$0x6] =	wrdreg s29;
	(v2sf) =	vpush v5, $0x1  }
0xba: {  	s10 =	sadd.s32 $0x10980, s19;
	s12 =	sadd.s32 $0x10700, s19;
	[dreg:$0x4] =	wrdreg s31  }
0xbb: {  	s17 =	sadd.s32 $0x8680, s19;
	[dreg:$0x9] =	wrdreg s6;
	s6 =	sadd.s32 $0x8D00, s19;
	(v2sf) =	vpush v4, $0x1  }
0xbc: {  	s31 =	sadd.s32 $0x900, s19;
	s23 =	sadd.s32 $0x10C80, s19;
	s7 =	smov.u32 s13  }
0xbd: {  	s13 =	sadd.s32 $0x8600, s19;
	s2 =	sadd.s32 $0x8A00, s19;
	[dreg:$0x13] =	wrdreg s10;
	(v2sf) =	vpush v6, $0x2  }
0xbe: {  	s8 =	sadd.s32 $0x8980, s19;
	s10 =	sadd.s32 $0x8D80, s19;
	[dreg:$0x12] =	wrdreg s23  }
0xbf: {  	s15 =	sadd.s32 $0x10, s15;
	s16 =	sadd.s32 $0x10680, s19;
	[dreg:$0x10] =	wrdreg s2;
	(v2sf) =	vpush v5, $0x2  }
0xc0: {  	[dreg:$0x14] =	wrdreg s8;
	s8 =	sadd.s32 $0xC80, s19;
	s2 =	sadd.s32 $0xB80, s19  }
0xc1: {  	s18 =	sadd.s32 $0x10, s18;
	[dreg:$0xb] =	wrdreg s2;
	s21 =	spop (v2sf)  }
0xc2: {  	s2 =	sadd.s32 $0xD00, s19;
	(v2sf) =	vpush v4, $0x2;
	s29 =	sand.u32 $0x1FFFFFF0, s21;
	s21 =	spop (v2sf)  }
0xc3: {  	s29 =	sadd.s32 s30, s29;
	s21 =	sand.u32 $0x1FFFFFF0, s21;
	s23 =	spop (v2sf)  }
0xc4: {  	(v2sf) =	vpush v6, $0x3;
	[tilespmem:s1], [sflag:$0x1] =	stream.linear.gather [hbm4b:s29+s20], $0x80, $0x38;
	[tilespmem:$0x18800] =	vst v63  }
0xc5: {  	s23 =	sand.u32 $0x1FFFFFF0, s23;
	s1 =	sadd.s32 $0x8C80, s19;
	s0 =	spop (v2sf)  }
0xc6: {  	(v2sf) =	vpush v5, $0x3;
	s21 =	sadd.s32 s7, s21;
	s29 =	sand.u32 $0x1FFFFFF0, s0;
	s0 =	sadd.s32 $0x10B00, s19  }
0xc7: {  	[tilespmem:s13], [sflag:$0x2] =	stream.linear.gather [hbm4b:s21+s20], $0x80, $0x38;
	[tilespmem:$0x18800] =	vst v63  }
0xc8: {  	(v2sf) =	vpush v4, $0x3;
	[dreg:$0x11] =	wrdreg s0;
	s21 =	sadd.s32 s14, s23;
	s0 =	spop (v2sf)  }
0xc9: {  	(v2sf) =	vpush v6, $0x4;
	[tilespmem:s3], [sflag:$0x3] =	stream.linear.gather [hbm4b:s21+s20], $0x80, $0x38;
	[tilespmem:$0x18800] =	vst v63  }
0xca: {  	s13 =	sadd.s32 s30, s29;
	s29 =	sand.u32 $0x1FFFFFF0, s0;
	s0 =	spop (v2sf)  }
0xcb: {  	(v2sf) =	vpush v5, $0x4;
	[tilespmem:s28], [sflag:$0x1] =	stream.linear.gather [hbm4b:s13+s20], $0x80, $0x38;
	[tilespmem:$0x18800] =	vst v63  }
0xcc: {  	s28 =	sadd.s32 s7, s29;
	s29 =	sand.u32 $0x1FFFFFF0, s0;
	s0 =	spop (v2sf)  }
0xcd: {  	[tilespmem:s17], [sflag:$0x2] =	stream.linear.gather [hbm4b:s28+s20], $0x80, $0x38;
	[tilespmem:$0x18800] =	vst v63  }
0xce: {  	s23 =	sadd.s32 $0x10C00, s19;
	s21 =	spop (v2sf);
	s17 =	sand.u32 $0x1FFFFFF0, s0  }
0xcf: {  	s13 =	sadd.s32 s14, s29;
	s29 =	sand.u32 $0x1FFFFFF0, s21;
	s28 =	sadd.s32 s30, s17  }
0xd0: {  	(v2sf) =	vpush v4, $0x4;
	[tilespmem:s16], [sflag:$0x3] =	stream.linear.gather [hbm4b:s13+s20], $0x80, $0x38;
	[tilespmem:$0x18800] =	vst v63  }
0xd1: {  	s17 =	sadd.s32 s7, s29;
	s16 =	smov.u32 s5;
	s0 =	spop (v2sf)  }
0xd2: {  	(v2sf) =	vpush v6, $0x5;
	[tilespmem:s26], [sflag:$0x1] =	stream.linear.gather [hbm4b:s28+s20], $0x80, $0x38;
	[tilespmem:$0x18800] =	vst v63  }
0xd3: {  	s5 =	rddreg [dreg:$0x1c];
	s21 =	sand.u32 $0x1FFFFFF0, s0;
	s26 =	spop (v2sf)  }
0xd4: {  	[tilespmem:s22], [sflag:$0x2] =	stream.linear.gather [hbm4b:s17+s20], $0x80, $0x38;
	[tilespmem:$0x18800] =	vst v63  }
0xd5: {  	(v2sf) =	vpush v5, $0x5;
	s28 =	sadd.s32 s14, s21;
	s29 =	sand.u32 $0x1FFFFFF0, s26;
	s0 =	spop (v2sf)  }
0xd6: {  	[tilespmem:s12], [sflag:$0x3] =	stream.linear.gather [hbm4b:s28+s20], $0x80, $0x38;
	[tilespmem:$0x18800] =	vst v63  }
0xd7: {  	(v2sf) =	vpush v4, $0x5;
	s20 =	smov.u32 s2;
	s17 =	sadd.s32 s30, s29;
	s22 =	spop (v2sf)  }
0xd8: {  	s21 =	sand.u32 $0x1FFFFFF0, s0;
	s2 =	simm.s32 $0x0;
	s29 =	spop (v2sf)  }
0xd9: {  	[tilespmem:s25], [sflag:$0x1] =	stream.linear.gather [hbm4b:s17+s2], $0x80, $0x38;
	[tilespmem:$0x18800] =	vst v63  }
0xda: {  	s13 =	smov.u32 s7;
	(v2sf) =	vpush v6, $0x6;
	s26 =	sadd.s32 s7, s21;
	s21 =	spop (v2sf)  }
0xdb: {  	(v2sf) =	vpush v5, $0x6;
	s28 =	sand.u32 $0x1FFFFFF0, s22;
	s17 =	sand.u32 $0x1FFFFFF0, s29;
	s25 =	sand.u32 $0x1FFFFFF0, s21  }
0xdc: {  	[tilespmem:s5], [sflag:$0x2] =	stream.linear.gather [hbm4b:s26+s2], $0x80, $0x38;
	[tilespmem:$0x18800] =	vst v63  }
0xdd: {  	s12 =	sadd.s32 s14, s28;
	s22 =	sadd.s32 s30, s17;
	s28 =	sadd.s32 s7, s25  }
0xde: {  	(v2sf) =	vpush v4, $0x6;
	[tilespmem:s11], [sflag:$0x3] =	stream.linear.gather [hbm4b:s12+s2], $0x80, $0x38;
	[tilespmem:$0x18800] =	vst v63  }
0xdf: {  	s7 =	smov.u32 s4;
	s25 =	rddreg [dreg:$0x19];
	s26 =	spop (v2sf)  }
0xe0: {  	(v2sf) =	vpush v6, $0x7;
	[tilespmem:s9], [sflag:$0x1] =	stream.linear.gather [hbm4b:s22+s2], $0x80, $0x38;
	[tilespmem:$0x18800] =	vst v63  }
0xe1: {  	s4 =	rddreg [dreg:$0x1d];
	s29 =	sand.u32 $0x1FFFFFF0, s26;
	s9 =	spop (v2sf)  }
0xe2: {  	(v2sf) =	vpush v5, $0x7;
	s11 =	rddreg [dreg:$0x1b];
	s17 =	sadd.s32 s14, s29;
	s21 =	sand.u32 $0x1FFFFFF0, s9  }
0xe3: {  	[tilespmem:s11], [sflag:$0x2] =	stream.linear.gather [hbm4b:s28+s2], $0x80, $0x38;
	[tilespmem:$0x18800] =	vst v63  }
0xe4: {  	(v2sf) =	vpush v4, $0x7;
	s9 =	smov.u32 s6;
	s26 =	sadd.s32 s30, s21;
	s22 =	spop (v2sf)  }
0xe5: {  	[tilespmem:s25], [sflag:$0x3] =	stream.linear.gather [hbm4b:s17+s2], $0x80, $0x38;
	[tilespmem:$0x18800] =	vst v63  }
0xe6: {  	s11 =	smov.u32 s8;
	s28 =	sand.u32 $0x1FFFFFF0, s22;
	s29 =	spop (v2sf)  }
0xe7: {  	[tilespmem:s4], [sflag:$0x1] =	stream.linear.gather [hbm4b:s26+s2], $0x80, $0x38;
	[tilespmem:$0x18800] =	vst v63  }
0xe8: {  	s21 =	rddreg [dreg:$0x17];
	(v2sf) =	vpush v6, $0x8;
	s8 =	sadd.s32 s13, s28;
	s12 =	sand.u32 $0x1FFFFFF0, s29  }
0xe9: {  	s28 =	rddreg [dreg:$0x1a];
	s17 =	spop (v2sf);
	s22 =	sadd.s32 s14, s12  }
0xea: {  	(v2sf) =	vpush v5, $0x8;
	s25 =	sand.u32 $0x1FFFFFF0, s17;
	s26 =	spop (v2sf);
	s17 =	rddreg [dreg:$0x15]  }
0xeb: {  	(v2sf) =	vpush v4, $0x8;
	[tilespmem:s21], [sflag:$0x2] =	stream.linear.gather [hbm4b:s8+s2], $0x80, $0x38;
	[tilespmem:$0x18800] =	vst v63  }
0xec: {  	s29 =	sadd.s32 s30, s25;
	s0 =	sand.u32 $0x1FFFFFF0, s26;
	s8 =	rddreg [dreg:$0x18]  }
0xed: {  	(v2sf) =	vpush v6, $0x9;
	s4 =	spop (v2sf);
	s26 =	rddreg [dreg:$0x16];
	s5 =	sadd.s32 s13, s0  }
0xee: {  	[tilespmem:s28], [sflag:$0x3] =	stream.linear.gather [hbm4b:s22+s2], $0x80, $0x38;
	[tilespmem:$0x18800] =	vst v63  }
0xef: {  	s6 =	sand.u32 $0x1FFFFFF0, s4;
	s12 =	spop (v2sf);
	s0 =	rddreg [dreg:$0xf]  }
0xf0: {  	(v2sf) =	vpush v5, $0x9;
	[tilespmem:s31], [sflag:$0x1] =	stream.linear.gather [hbm4b:s29+s2], $0x80, $0x38;
	[tilespmem:$0x18800] =	vst v63  }
0xf1: {  	(v2sf) =	vpush v4, $0x9;
	s21 =	sadd.s32 s14, s6;
	s22 =	sand.u32 $0x1FFFFFF0, s12;
	s25 =	spop (v2sf)  }
0xf2: {  	[tilespmem:s17], [sflag:$0x2] =	stream.linear.gather [hbm4b:s5+s2], $0x80, $0x38;
	[tilespmem:$0x18800] =	vst v63  }
0xf3: {  	s28 =	sadd.s32 s30, s22;
	(v2sf) =	vpush v6, $0xA;
	s29 =	sand.u32 $0x1FFFFFF0, s25;
	s31 =	spop (v2sf)  }
0xf4: {  	[tilespmem:s26], [sflag:$0x3] =	stream.linear.gather [hbm4b:s21+s2], $0x80, $0x38;
	[tilespmem:$0x18800] =	vst v63  }
0xf5: {  	s4 =	sadd.s32 s13, s29;
	s17 =	rddreg [dreg:$0x14];
	s6 =	sand.u32 $0x1FFFFFF0, s31  }
0xf6: {  	[tilespmem:s0], [sflag:$0x1] =	stream.linear.gather [hbm4b:s28+s2], $0x80, $0x38;
	[tilespmem:$0x18800] =	vst v63  }
0xf7: {  	(v2sf) =	vpush v5, $0xA;
	s26 =	rddreg [dreg:$0x13];
	s21 =	sadd.s32 s14, s6;
	s12 =	spop (v2sf)  }
0xf8: {  	[tilespmem:s17], [sflag:$0x2] =	stream.linear.gather [hbm4b:s4+s2], $0x80, $0x38;
	[tilespmem:$0x18800] =	vst v63  }
0xf9: {  	(v2sf) =	vpush v4, $0xA;
	s0 =	rddreg [dreg:$0xd];
	s22 =	sand.u32 $0x1FFFFFF0, s12;
	s25 =	spop (v2sf)  }
0xfa: {  	s28 =	sadd.s32 s30, s22;
	s29 =	sand.u32 $0x1FFFFFF0, s25;
	s31 =	spop (v2sf)  }
0xfb: {  	[tilespmem:s26], [sflag:$0x3] =	stream.linear.gather [hbm4b:s21+s2], $0x80, $0x38;
	[tilespmem:$0x18800] =	vst v63  }
0xfc: {  	(v2sf) =	vpush v6, $0xB;
	s17 =	rddreg [dreg:$0x10];
	s4 =	sadd.s32 s13, s29;
	s12 =	spop (v2sf)  }
0xfd: {  	s5 =	sand.u32 $0x1FFFFFF0, s31;
	s26 =	rddreg [dreg:$0xe];
	s22 =	sand.u32 $0x1FFFFFF0, s12  }
0xfe: {  	(v2sf) =	vpush v5, $0xB;
	[tilespmem:s0], [sflag:$0x1] =	stream.linear.gather [hbm4b:s28+s2], $0x80, $0x38;
	[tilespmem:$0x18800] =	vst v63  }
0xff: {  	s21 =	sadd.s32 s14, s5;
	s25 =	spop (v2sf);
	s28 =	sadd.s32 s30, s22  }
0x100: {  	(v2sf) =	vpush v4, $0xB;
	s29 =	sand.u32 $0x1FFFFFF0, s25;
	s31 =	spop (v2sf);
	s0 =	rddreg [dreg:$0xa]  }
0x101: {  	[tilespmem:s17], [sflag:$0x2] =	stream.linear.gather [hbm4b:s4+s2], $0x80, $0x38;
	[tilespmem:$0x18800] =	vst v63  }
0x102: {  	(v2sf) =	vpush v6, $0xC;
	s5 =	sand.u32 $0x1FFFFFF0, s31;
	s4 =	sadd.s32 s13, s29;
	s12 =	spop (v2sf)  }
0x103: {  	[tilespmem:s26], [sflag:$0x3] =	stream.linear.gather [hbm4b:s21+s2], $0x80, $0x38;
	[tilespmem:$0x18800] =	vst v63  }
0x104: {  	(v2sf) =	vpush v5, $0xC;
	s17 =	rddreg [dreg:$0xc];
	s21 =	sadd.s32 s14, s5;
	s22 =	sand.u32 $0x1FFFFFF0, s12  }
0x105: {  	[tilespmem:s0], [sflag:$0x1] =	stream.linear.gather [hbm4b:s28+s2], $0x80, $0x38;
	[tilespmem:$0x18800] =	vst v63  }
0x106: {  	s26 =	rddreg [dreg:$0x8];
	s25 =	spop (v2sf);
	s28 =	sadd.s32 s30, s22  }
0x107: {  	[tilespmem:s17], [sflag:$0x2] =	stream.linear.gather [hbm4b:s4+s2], $0x80, $0x38;
	[tilespmem:$0x18800] =	vst v63  }
0x108: {  	(v2sf) =	vpush v4, $0xC;
	s0 =	rddreg [dreg:$0x7];
	s29 =	sand.u32 $0x1FFFFFF0, s25;
	s31 =	spop (v2sf)  }
0x109: {  	[tilespmem:s26], [sflag:$0x3] =	stream.linear.gather [hbm4b:s21+s2], $0x80, $0x38;
	[tilespmem:$0x18800] =	vst v63  }
0x10a: {  	s4 =	sadd.s32 s13, s29;
	s17 =	rddreg [dreg:$0x5];
	s5 =	sand.u32 $0x1FFFFFF0, s31  }
0x10b: {  	(v2sf) =	vpush v6, $0xD;
	s26 =	rddreg [dreg:$0x11];
	s12 =	spop (v2sf);
	s21 =	sadd.s32 s14, s5  }
0x10c: {  	[tilespmem:s0], [sflag:$0x1] =	stream.linear.gather [hbm4b:s28+s2], $0x80, $0x38;
	[tilespmem:$0x18800] =	vst v63  }
0x10d: {  	(v2sf) =	vpush v5, $0xD;
	s22 =	sand.u32 $0x1FFFFFF0, s12;
	s25 =	spop (v2sf);
	s0 =	rddreg [dreg:$0x12]  }
0x10e: {  	[tilespmem:s17], [sflag:$0x2] =	stream.linear.gather [hbm4b:s4+s2], $0x80, $0x38;
	[tilespmem:$0x18800] =	vst v63  }
0x10f: {  	s12 =	rddreg [dreg:$0xb];
	s28 =	sadd.s32 s30, s22;
	s31 =	spop (v2sf)  }
0x110: {  	[tilespmem:s26], [sflag:$0x3] =	stream.linear.gather [hbm4b:s21+s2], $0x80, $0x38;
	[tilespmem:$0x18800] =	vst v63  }
0x111: {  	s29 =	sand.u32 $0x1FFFFFF0, s25;
	s25 =	rddreg [dreg:$0x9];
	s22 =	spop (v2sf)  }
0x112: {  	[tilespmem:s12], [sflag:$0x1] =	stream.linear.gather [hbm4b:s28+s2], $0x80, $0x38;
	[tilespmem:$0x18800] =	vst v63  }
0x113: {  	s17 =	sadd.s32 s13, s29;
	s29 =	spop (v2sf);
	s21 =	sand.u32 $0x1FFFFFF0, s31  }
0x114: {  	[tilespmem:s25], [sflag:$0x2] =	stream.linear.gather [hbm4b:s17+s2], $0x80, $0x38;
	[tilespmem:$0x18800] =	vst v63  }
0x115: {  	s31 =	rddreg [dreg:$0x6];
	s26 =	sadd.s32 s14, s21;
	s28 =	sand.u32 $0x1FFFFFF0, s22  }
0x116: {  	[tilespmem:s31], [sflag:$0x3] =	stream.linear.gather [hbm4b:s26+s2], $0x80, $0x38;
	[tilespmem:$0x18800] =	vst v63  }
0x117: {  	(v2sf) =	vpush v4, $0xD;
	s21 =	spop (v2sf);
	s22 =	rddreg [dreg:$0x4];
	s12 =	sadd.s32 s30, s28  }
0x118: {  	(v2sf) =	vpush v6, $0xE;
	[tilespmem:s22], [sflag:$0x1] =	stream.linear.gather [hbm4b:s12+s2], $0x80, $0x38;
	[tilespmem:$0x18800] =	vst v63  }
.Ltmp0:
0x119: {  	(v2sf) =	vpush v5, $0xE;
	s17 =	sand.u32 $0x1FFFFFF0, s29;
	s29 =	rddreg [dreg:$0x3];
	(pc) =	sbr.rel @p1 .LBB2_3-.Ltmp0, $4  }
0x11a: {  	(v2sf) =	vpush v4, $0xE;
	s25 =	sadd.s32 s13, s17;
	s28 =	spop (v2sf);
	s26 =	sand.u32 $0x1FFFFFF0, s21  }
0x11b: {  	(v2sf) =	vpush v6, $0xF;
	[tilespmem:s29], [sflag:$0x2] =	stream.linear.gather [hbm4b:s25+s2], $0x80, $0x38;
	[tilespmem:$0x18800] =	vst v63  }
0x11c: {  	(v2sf) =	vpush v5, $0xF;
	s3 =	sand.u32 $0x1FFFFFF0, s28;
	s31 =	sadd.s32 s14, s26;
	s4 =	spop (v2sf)  }
0x11d: {  	(v2sf) =	vpush v4, $0xF;
	[tilespmem:s23], [sflag:$0x3] =	stream.linear.gather [hbm4b:s31+s2], $0x80, $0x38;
	[tilespmem:$0x18800] =	vst v63  }
0x11e: {  	_ =	sdelay $0x3  }
0x11f: {  	s3 =	sadd.s32 s30, s3;
	s4 =	sand.u32 $0x1FFFFFF0, s4  }
0x120: {  	[tilespmem:s11], [sflag:$0x1] =	stream.linear.gather [hbm4b:s3+s2], $0x80, $0x38;
	[tilespmem:$0x18800] =	vst v63  }
0x121: {  	s24 =	sadd.s32 s13, s4  }
0x122: {  	[tilespmem:s1], [sflag:$0x2] =	stream.linear.gather [hbm4b:s24+s2], $0x80, $0x38;
	[tilespmem:$0x18800] =	vst v63  }
0x123: {  	s5 =	spop (v2sf)  }
0x124: {  	s25 =	sand.u32 $0x1FFFFFF0, s5;
	s26 =	spop (v2sf)  }
0x125: {  	s28 =	sadd.s32 s14, s25;
	s29 =	sand.u32 $0x1FFFFFF0, s26;
	s31 =	spop (v2sf)  }
0x126: {  	[tilespmem:s0], [sflag:$0x3] =	stream.linear.gather [hbm4b:s28+s2], $0x80, $0x38;
	[tilespmem:$0x18800] =	vst v63  }
0x127: {  	s3 =	sadd.s32 s30, s29;
	s5 =	sand.u32 $0x1FFFFFF0, s31;
	s6 =	spop (v2sf)  }
0x128: {  	[tilespmem:s20], [sflag:$0x1] =	stream.linear.gather [hbm4b:s3+s2], $0x80, $0x38;
	[tilespmem:$0x18800] =	vst v63  }
0x129: {  	s11 =	sadd.s32 s13, s5;
	s12 =	sand.u32 $0x1FFFFFF0, s6;
	s15 =	spop (v2sf)  }
0x12a: {  	[tilespmem:s9], [sflag:$0x2] =	stream.linear.gather [hbm4b:s11+s2], $0x80, $0x38;
	[tilespmem:$0x18800] =	vst v63  }
0x12b: {  	s16 =	sadd.s32 s14, s12;
	s17 =	sand.u32 $0x1FFFFFF0, s15;
	s18 =	spop (v2sf)  }
0x12c: {  	[tilespmem:s8], [sflag:$0x3] =	stream.linear.gather [hbm4b:s16+s2], $0x80, $0x38;
	[tilespmem:$0x18800] =	vst v63  }
0x12d: {  	s20 =	sadd.s32 s30, s17;
	s21 =	sand.u32 $0x1FFFFFF0, s18;
	s22 =	spop (v2sf)  }
0x12e: {  	[tilespmem:s7], [sflag:$0x1] =	stream.linear.gather [hbm4b:s20+s2], $0x80, $0x38;
	[tilespmem:$0x18800] =	vst v63  }
0x12f: {  	s23 =	sadd.s32 s13, s21;
	s24 =	sand.u32 $0x1FFFFFF0, s22  }
0x130: {  	[tilespmem:s10], [sflag:$0x2] =	stream.linear.gather [hbm4b:s23+s2], $0x80, $0x38;
	[tilespmem:$0x18800] =	vst v63  }
0x131: {  	s25 =	sadd.s32 $0x10D80, s19;
	s26 =	simm.s32 $0x1;
	s1 =	sadd.s32 s14, s24  }
0x132: {  	[tilespmem:s25], [sflag:$0x3] =	stream.linear.gather [hbm4b:s1+s2], $0x80, $0x38;
	[tilespmem:$0x18800] =	vst v63  }
0x133: {  	_ =	swait.ge [sflag:s26], $0x8000  }
0x134: {  	[sflag:s26] =	ssyncset.done $0x0  }
0x135: {  	s28 =	simm.s32 $0x2;
	[sflag:s26] =	ssyncadd.s32 $0xFFFF8000  }
0x136: {  	_ =	swait.ge [sflag:s28], $0x8000  }
0x137: {  	[sflag:s28] =	ssyncset.done $0x0  }
0x138: {  	s29 =	simm.s32 $0x3;
	[sflag:s28] =	ssyncadd.s32 $0xFFFF8000  }
0x139: {  	_ =	swait.ge [sflag:s29], $0x8000  }
0x13a: {  	[sflag:s29] =	ssyncset.done $0x0  }
0x13b: {  	s19 =	simm.s32 $0x10A00;
	[sflag:s29] =	ssyncadd.s32 $0xFFFF8000  }
0x13c: {  	v0 =	vld [tilespmem:s19+$0x320];
	_ =	sdelay $0x4  }
0x13d: {  	[tilespmem:$0x1FC40] =	vst v0;
	v0 =	vld [tilespmem:s19+$0x230];
	_ =	sdelay $0x4  }
0x13e: {  	[tilespmem:$0x1FCB0] =	vst v0;
	v0 =	vld [tilespmem:s19+$0x2A0];
	_ =	sdelay $0x4  }
0x13f: {  	[tilespmem:$0x1FC70] =	vst v0;
	v0 =	vld [tilespmem:s19+$0x300];
	_ =	sdelay $0x4  }
0x140: {  	[tilespmem:$0x1FC50] =	vst v0;
	v0 =	vld [tilespmem:s19+$0x310];
	_ =	sdelay $0x2  }
0x141: {  	v46 =	vld [tilespmem:s19+$0x3B0]  }
0x142: {  	v37 =	vld [tilespmem:s19+$0x330]  }
0x143: {  	[tilespmem:$0x1FC60] =	vst v0;
	v0 =	vld [tilespmem:s19+$0x1B0]  }
0x144: {  	s20 =	simm.s32 $0xA00;
	v44 =	vld [tilespmem:s19+$0x3A0]  }
0x145: {  	s21 =	simm.s32 $0x8A00;
	v34 =	vld [tilespmem:s20+$0x3B0]  }
0x146: {  	v38 =	vld [tilespmem:s21+$0x3B0]  }
0x147: {  	v42 =	vld [tilespmem:s19+$0x2B0]  }
0x148: {  	[tilespmem:$0x1FCF0] =	vst v0;
	v0 =	vld [tilespmem:s19+$0x220]  }
0x149: {  	v30 =	vld [tilespmem:s20+$0x330]  }
0x14a: {  	v48 =	vld [tilespmem:s21+$0x330]  }
0x14b: {  	v54 =	vld [tilespmem:s19+$0x380]  }
0x14c: {  	v55 =	vld [tilespmem:s19+$0x390]  }
0x14d: {  	[tilespmem:$0x1FCA0] =	vst v0;
	v0 =	vld [tilespmem:s20+$0x230]  }
0x14e: {  	v56 =	vld [tilespmem:s20+$0x3A0]  }
0x14f: {  	v57 =	vld [tilespmem:s21+$0x3A0]  }
0x150: {  	v62 =	vld [tilespmem:s20+$0x320]  }
0x151: {  	v63 =	vld [tilespmem:s21+$0x320]  }
0x152: {  	[tilespmem:$0x1FC80] =	vst v0;
	v0 =	vld [tilespmem:s21+$0x230]  }
0x153: {  	v21 =	vld [tilespmem:s20+$0x380]  }
0x154: {  	v13 =	vld [tilespmem:s21+$0x380]  }
0x155: {  	v19 =	vld [tilespmem:s20+$0x390]  }
0x156: {  	v16 =	vld [tilespmem:s21+$0x390]  }
0x157: {  	[tilespmem:$0x1FC90] =	vst v0;
	v0 =	vld [tilespmem:s19+$0x130]  }
0x158: {  	v32 =	vld [tilespmem:s19+$0x280]  }
0x159: {  	v17 =	vld [tilespmem:s20+$0x2A0]  }
0x15a: {  	v12 =	vld [tilespmem:s21+$0x2A0]  }
0x15b: {  	v24 =	vld [tilespmem:s20+$0x300]  }
0x15c: {  	[tilespmem:$0x1FD00] =	vst v0;
	v0 =	vld [tilespmem:s19+$0x1A0]  }
0x15d: {  	v14 =	vld [tilespmem:s21+$0x300]  }
0x15e: {  	v20 =	vld [tilespmem:s20+$0x310]  }
0x15f: {  	v15 =	vld [tilespmem:s21+$0x310]  }
0x160: {  	v31 =	vld [tilespmem:s19+$0x200]  }
0x161: {  	[tilespmem:$0x1FCE0] =	vst v0;
	v0 =	vld [tilespmem:s20+$0x1B0]  }
0x162: {  	v33 =	vld [tilespmem:s19+$0x210]  }
0x163: {  	v27 =	vld [tilespmem:s20+$0x220]  }
0x164: {  	v26 =	vld [tilespmem:s21+$0x220]  }
0x165: {  	v4 =	vld [tilespmem:s19+$0x30]  }
0x166: {  	[tilespmem:$0x1FCC0] =	vst v0;
	v0 =	vld [tilespmem:s21+$0x1B0]  }
0x167: {  	v9 =	vld [tilespmem:s20+$0x280]  }
0x168: {  	v7 =	vld [tilespmem:s21+$0x280]  }
0x169: {  	v8 =	vld [tilespmem:s20+$0x290]  }
0x16a: {  	[tilespmem:$0x1FD70] =	vst v4;
	v4 =	vld [tilespmem:s19+$0xA0]  }
0x16b: {  	[tilespmem:$0x1FCD0] =	vst v0;
	v0 =	vld [tilespmem:s19+$0xB0]  }
0x16c: {  	v5 =	vld [tilespmem:s21+$0x290]  }
0x16d: {  	v50 =	vld [tilespmem:s19+$0xFFFFFFA0]  }
0x16e: {  	v36 =	vld [tilespmem:s19+$0x180]  }
0x16f: {  	[tilespmem:$0x1FDD0] =	vst v4;
	v4 =	vld [tilespmem:s20+$0xB0]  }
0x170: {  	[tilespmem:$0x1FD50] =	vst v0;
	v0 =	vld [tilespmem:s19+$0x120]  }
0x171: {  	v1 =	vld [tilespmem:s20+$0x200]  }
0x172: {  	[tilespmem:$0x1FED0] =	vst v50;
	v50 =	vld [tilespmem:s19+$0x0]  }
0x173: {  	v3 =	vld [tilespmem:s20+$0x210]  }
0x174: {  	[tilespmem:$0x1FD10] =	vst v4;
	v4 =	vld [tilespmem:s21+$0xB0]  }
0x175: {  	[tilespmem:$0x1FD60] =	vst v0;
	v0 =	vld [tilespmem:s21+$0x200]  }
0x176: {  	v2 =	vld [tilespmem:s21+$0x210];
	v13 =	vmul.f32 v13, v21;
	v16 =	vmul.f32 v16, v19  }
0x177: {  	v12 =	vmul.f32 v12, v17;
	[tilespmem:$0x1FE50] =	vst v50;
	v50 =	vld [tilespmem:s21+$0x20]  }
0x178: {  	v17 =	vld [tilespmem:$0x1FC40];
	v13 =	vmul.f32 v54, v13;
	v16 =	vmul.f32 v55, v16  }
0x179: {  	[tilespmem:$0x1FD20] =	vst v4;
	v4 =	vld [tilespmem:s19+$0x100]  }
0x17a: {  	v0 =	vmul.f32 v0, v1;
	v1 =	vadd.f32 v16, v13;
	v13 =	vld [tilespmem:$0x1FC70]  }
0x17b: {  	v6 =	vld [tilespmem:s20+$0x180]  }
0x17c: {  	v56 =	vmul.f32 v57, v56;
	v21 =	vmul.f32 v63, v62;
	[tilespmem:$0x1FDB0] =	vst v50;
	v50 =	vld [tilespmem:s19+$0xFFFFFF20]  }
0x17d: {  	v15 =	vmul.f32 v15, v20;
	v20 =	vmul.f32 v7, v9;
	v7 =	vld [tilespmem:$0x1FC50]  }
0x17e: {  	v2 =	vmul.f32 v2, v3;
	v44 =	vmul.f32 v44, v56;
	[tilespmem:$0x1FD30] =	vst v4;
	v4 =	vld [tilespmem:s19+$0x110]  }
0x17f: {  	v17 =	vmul.f32 v17, v21;
	v21 =	vld [tilespmem:$0x1FC90];
	v12 =	vmul.f32 v13, v12  }
0x180: {  	v13 =	vmul.f32 v31, v0;
	v0 =	vadd.f32 v44, v1;
	v1 =	vmul.f32 v33, v2;
	v2 =	vld [tilespmem:$0x1FC80]  }
0x181: {  	v18 =	vld [tilespmem:s19+$0xFFFFFFB0];
	v14 =	vmul.f32 v14, v24  }
0x182: {  	[tilespmem:$0x1FF50] =	vst v50;
	v50 =	vld [tilespmem:s20+$0x10]  }
0x183: {  	v5 =	vmul.f32 v5, v8;
	v8 =	vmul.f32 v7, v14;
	v14 =	vld [tilespmem:$0x1FC60]  }
0x184: {  	[tilespmem:$0x1FD40] =	vst v4;
	v4 =	vld [tilespmem:s21+$0x180]  }
0x185: {  	v2 =	vmul.f32 v21, v2;
	v21 =	vld [tilespmem:$0x1FCA0]  }
0x186: {  	v29 =	vld [tilespmem:s20+$0x1A0]  }
0x187: {  	v28 =	vld [tilespmem:s21+$0x1A0]  }
0x188: {  	v11 =	vld [tilespmem:s20+$0x190];
	v3 =	vmul.f32 v26, v27  }
0x189: {  	[tilespmem:$0x1FEE0] =	vst v18;
	v18 =	vld [tilespmem:s19+$0x20];
	v14 =	vmul.f32 v14, v15  }
0x18a: {  	[tilespmem:$0x1FE20] =	vst v50;
	v50 =	vld [tilespmem:s21+$0x10];
	v26 =	vmul.f32 v21, v3;
	v3 =	vmul.f32 v4, v6  }
0x18b: {  	v4 =	vld [tilespmem:$0x1FCD0]  }
0x18c: {  	v8 =	vadd.f32 v14, v8;
	v14 =	vmul.f32 v36, v3;
	v3 =	vld [tilespmem:$0x1FCC0]  }
0x18d: {  	v10 =	vld [tilespmem:s21+$0x190]  }
0x18e: {  	[tilespmem:$0x1FE40] =	vst v18;
	v18 =	vld [tilespmem:s19+$0x80]  }
0x18f: {  	[tilespmem:$0x1FE30] =	vst v50;
	v50 =	vld [tilespmem:s19+$0xFFFFFE30]  }
0x190: {  	v35 =	vld [tilespmem:s19+$0x290]  }
0x191: {  	v3 =	vmul.f32 v4, v3;
	v4 =	vld [tilespmem:$0x1FCE0]  }
0x192: {  	v25 =	vld [tilespmem:s20+$0x100]  }
0x193: {  	[tilespmem:$0x1FDE0] =	vst v18;
	v18 =	vld [tilespmem:s19+$0x90]  }
0x194: {  	v10 =	vmul.f32 v10, v11;
	v11 =	vmul.f32 v28, v29;
	[tilespmem:$0x1FFA0] =	vst v50;
	v50 =	vld [tilespmem:s19+$0xFFFFFEA0]  }
0x195: {  	v22 =	vld [tilespmem:s21+$0x100];
	v5 =	vmul.f32 v35, v5  }
0x196: {  	v15 =	vmul.f32 v32, v20;
	v11 =	vmul.f32 v4, v11;
	v4 =	vld [tilespmem:$0x1FCF0]  }
0x197: {  	v58 =	vld [tilespmem:s20+$0x2B0]  }
0x198: {  	[tilespmem:$0x1FE10] =	vst v18;
	v18 =	vld [tilespmem:s20+$0xA0];
	v5 =	vadd.f32 v5, v15  }
0x199: {  	[tilespmem:$0x1FFB0] =	vst v50;
	v50 =	vld [tilespmem:s20+$0xFFFFFEB0]  }
0x19a: {  	v5 =	vadd.f32 v12, v5;
	v12 =	vmul.f32 v22, v25;
	v22 =	vld [tilespmem:$0x1FD20]  }
0x19b: {  	v1 =	vadd.f32 v1, v13;
	v13 =	vmul.f32 v4, v3;
	v4 =	vld [tilespmem:$0x1FD10]  }
0x19c: {  	v59 =	vld [tilespmem:s21+$0x2B0]  }
0x19d: {  	v61 =	vld [tilespmem:s20+$0xFFFFFFB0]  }
0x19e: {  	[tilespmem:$0x1FD80] =	vst v18;
	v18 =	vld [tilespmem:s21+$0xA0]  }
0x19f: {  	[tilespmem:$0x1FF60] =	vst v50;
	v50 =	vld [tilespmem:s21+$0xFFFFFEB0]  }
0x1a0: {  	v22 =	vmul.f32 v22, v4;
	v4 =	vld [tilespmem:$0x1FD30]  }
0x1a1: {  	v23 =	vld [tilespmem:s20+$0x110]  }
0x1a2: {  	[tilespmem:$0x1FEA0] =	vst v61;
	v61 =	vld [tilespmem:s19+$0x10]  }
0x1a3: {  	[tilespmem:$0x1FD90] =	vst v18;
	v18 =	vld [tilespmem:s21+$0x110]  }
0x1a4: {  	[tilespmem:$0x1FF70] =	vst v50;
	v50 =	vld [tilespmem:s19+$0xFFFFFF00]  }
0x1a5: {  	v12 =	vmul.f32 v4, v12;
	v4 =	vld [tilespmem:$0x1FD40]  }
0x1a6: {  	v52 =	vld [tilespmem:s20+$0x30]  }
0x1a7: {  	v63 =	vld [tilespmem:$0x1FFC0]  }
0x1a8: {  	[tilespmem:$0x1FE60] =	vst v61;
	v61 =	vld [tilespmem:s19+$0xFFFFFEB0];
	v8 =	vadd.f32 v17, v8;
	v17 =	vmul.f32 v18, v23  }
0x1a9: {  	v38 =	vmul.f32 v38, v34;
	[tilespmem:$0x1FF00] =	vst v50;
	v50 =	vld [tilespmem:s19+$0xFFFFFF10]  }
0x1aa: {  	v48 =	vmul.f32 v48, v30;
	v17 =	vmul.f32 v4, v17;
	v4 =	vld [tilespmem:$0x1FD50]  }
0x1ab: {  	v45 =	vld [tilespmem:s21+$0x30];
	v46 =	vmul.f32 v46, v38  }
0x1ac: {  	v47 =	vld [tilespmem:s21+$0xFFFFFFB0];
	v57 =	vmul.f32 v37, v48  }
0x1ad: {  	[tilespmem:$0x1FF90] =	vst v61;
	v61 =	vld [tilespmem:s20+$0xFFFFFF30];
	v6 =	vadd.f32 v46, v0  }
0x1ae: {  	v8 =	vadd.f32 v57, v8;
	[tilespmem:$0x1FF10] =	vst v50;
	v50 =	vmul.f32 v59, v58  }
0x1af: {  	v1 =	vadd.f32 v26, v1;
	v26 =	vperm.xlane v6, v63;
	v22 =	vmul.f32 v4, v22;
	v4 =	vld [tilespmem:$0x1FD70]  }
0x1b0: {  	v19 =	vmul.f32 v42, v50;
	v0 =	vld [tilespmem:$0x1FCB0]  }
0x1b1: {  	[tilespmem:$0x1FEB0] =	vst v47;
	v47 =	vld [tilespmem:s20+$0x20];
	v26 =	vadd.f32 v6, v26;
	v6 =	vperm.xlane v8, v63  }
0x1b2: {  	[tilespmem:$0x1FF20] =	vst v61;
	v61 =	vld [tilespmem:s21+$0xFFFFFF30];
	v5 =	vadd.f32 v19, v5;
	v19 =	vmul.f32 v45, v52  }
0x1b3: {  	v8 =	vadd.f32 v8, v6;
	v6 =	vld [tilespmem:$0x1FD90]  }
0x1b4: {  	v19 =	vmul.f32 v4, v19;
	v4 =	vld [tilespmem:$0x1FD80]  }
0x1b5: {  	v2 =	vmul.f32 v0, v2;
	_ =	sdelay $0x1  }
0x1b6: {  	v1 =	vadd.f32 v2, v1  }
0x1b7: {  	[tilespmem:$0x1FDA0] =	vst v47  }
0x1b8: {  	[tilespmem:$0x1FF30] =	vst v61;
	v61 =	vld [tilespmem:s19+$0xFFFFFF80];
	v52 =	vmul.f32 v6, v4;
	v6 =	vperm.xlane v1, v63  }
0x1b9: {  	v4 =	vld [tilespmem:$0x1FDA0]  }
0x1ba: {  	v1 =	vadd.f32 v1, v6;
	v6 =	vld [tilespmem:$0x1FDB0];
	_ =	sdelay $0x3  }
0x1bb: {  	[tilespmem:$0x1FE90] =	vst v61;
	v61 =	vld [tilespmem:s19+$0xFFFFFF90]  }
0x1bc: {  	v55 =	vmul.f32 v6, v4;
	v4 =	vld [tilespmem:s19+$0xFFFFFD80]  }
0x1bd: {  	v53 =	vld [tilespmem:s20+$0x120]  }
0x1be: {  	v49 =	vld [tilespmem:s21+$0x120]  }
0x1bf: {  	v39 =	vld [tilespmem:s19+$0xFFFFFF30]  }
0x1c0: {  	[tilespmem:$0x1FEC0] =	vst v61;
	v61 =	vld [tilespmem:s20+$0xFFFFFFA0]  }
0x1c1: {  	[tilespmem:$0x1FDC0] =	vst v4;
	v4 =	vld [tilespmem:$0x1FDD0]  }
0x1c2: {  	v2 =	vld [tilespmem:$0x1FD60]  }
0x1c3: {  	v40 =	vld [tilespmem:s20+$0x80]  }
0x1c4: {  	[tilespmem:$0x1FF80] =	vst v39;
	v39 =	vld [tilespmem:s21+$0x80]  }
0x1c5: {  	v23 =	vmul.f32 v49, v53;
	[tilespmem:$0x1FE70] =	vst v61;
	v61 =	vld [tilespmem:s21+$0xFFFFFFA0]  }
0x1c6: {  	v36 =	vmul.f32 v4, v52;
	v4 =	vld [tilespmem:$0x1FDE0]  }
0x1c7: {  	v2 =	vmul.f32 v2, v23;
	v23 =	vperm.xlane v5, v63  }
0x1c8: {  	v60 =	vld [tilespmem:s20+$0x130]  }
0x1c9: {  	v43 =	vld [tilespmem:s21+$0x130];
	v5 =	vadd.f32 v5, v23;
	v23 =	vmul.f32 v39, v40  }
0x1ca: {  	[tilespmem:$0x1FE80] =	vst v61;
	v61 =	vld [tilespmem:s20+$0x0]  }
0x1cb: {  	v23 =	vmul.f32 v4, v23;
	v4 =	vld [tilespmem:s19+$0xFFFFFD90];
	_ =	sdelay $0x2  }
0x1cc: {  	v15 =	vmul.f32 v43, v60;
	v60 =	vld [tilespmem:$0x1FFF0]  }
0x1cd: {  	[tilespmem:$0x1FE00] =	vst v61;
	v61 =	vld [tilespmem:s21+$0x0]  }
0x1ce: {  	[tilespmem:$0x1FDF0] =	vst v4;
	v4 =	vld [tilespmem:$0x1FE00]  }
0x1cf: {  	v51 =	vld [tilespmem:s19+$0x190]  }
0x1d0: {  	v41 =	vld [tilespmem:s21+$0x90]  }
0x1d1: {  	v47 =	vld [tilespmem:s20+$0x90];
	v57 =	vperm.xlane v26, v60;
	_ =	sdelay $0x1  }
0x1d2: {  	v46 =	vadd.f32 v26, v57;
	v26 =	vmul.f32 v61, v4;
	v4 =	vld [tilespmem:$0x1FE10]  }
0x1d3: {  	v10 =	vmul.f32 v51, v10;
	_ =	sdelay $0x1  }
0x1d4: {  	v10 =	vadd.f32 v10, v14;
	v14 =	vmul.f32 v41, v47  }
0x1d5: {  	v6 =	vld [tilespmem:$0x1FE30]  }
0x1d6: {  	v10 =	vadd.f32 v11, v10;
	v11 =	vmul.f32 v4, v14;
	v4 =	vld [tilespmem:$0x1FE20];
	_ =	sdelay $0x4  }
0x1d7: {  	v14 =	vmul.f32 v6, v4;
	v4 =	vld [tilespmem:$0x1FE40];
	_ =	sdelay $0x2  }
0x1d8: {  	v61 =	vperm.xlane v5, v60;
	_ =	sdelay $0x1  }
0x1d9: {  	v49 =	vadd.f32 v5, v61;
	v5 =	vmul.f32 v4, v55;
	v4 =	vld [tilespmem:$0x1FE50];
	_ =	sdelay $0x4  }
0x1da: {  	v26 =	vmul.f32 v4, v26;
	v4 =	vld [tilespmem:$0x1FE60];
	_ =	sdelay $0x1  }
0x1db: {  	v30 =	vld [tilespmem:s20+$0xFFFFFF20];
	v53 =	vperm.xlane v8, v60;
	v10 =	vadd.f32 v13, v10;
	v13 =	vperm.xlane v1, v60;
	_ =	sdelay $0x1  }
0x1dc: {  	v39 =	vadd.f32 v8, v53;
	v53 =	vadd.f32 v1, v13;
	v1 =	vld [tilespmem:$0x1FE70]  }
0x1dd: {  	v14 =	vmul.f32 v4, v14;
	v4 =	vld [tilespmem:$0x1FE80];
	_ =	sdelay $0x1  }
0x1de: {  	[tilespmem:$0x1FEF0] =	vst v30;
	v30 =	vld [tilespmem:s20+$0xFFFFFF80]  }
0x1df: {  	v58 =	vld [tilespmem:s21+$0xFFFFFF80];
	_ =	sdelay $0x1  }
0x1e0: {  	v1 =	vmul.f32 v4, v1;
	v4 =	vld [tilespmem:$0x1FE90]  }
0x1e1: {  	v34 =	vld [tilespmem:s21+$0xFFFFFF20]  }
0x1e2: {  	v62 =	vld [tilespmem:s21+$0xFFFFFE30]  }
0x1e3: {  	v9 =	vld [tilespmem:s19+$0xFFFFFE80];
	v12 =	vadd.f32 v17, v12;
	v17 =	vmul.f32 v58, v30  }
0x1e4: {  	v6 =	vld [tilespmem:$0x1FEB0]  }
0x1e5: {  	v17 =	vmul.f32 v4, v17;
	v4 =	vld [tilespmem:$0x1FEA0]  }
0x1e6: {  	v24 =	vld [tilespmem:s20+$0xFFFFFF10]  }
0x1e7: {  	v38 =	vld [tilespmem:s20+$0xFFFFFF90]  }
0x1e8: {  	v56 =	vld [tilespmem:s21+$0xFFFFFF90]  }
0x1e9: {  	v27 =	vld [tilespmem:s21+$0xFFFFFF10]  }
0x1ea: {  	v2 =	vadd.f32 v2, v12;
	v12 =	vmul.f32 v6, v4;
	v4 =	vld [tilespmem:$0x1FEC0]  }
0x1eb: {  	v28 =	vld [tilespmem:s21+$0xFFFFFDB0]  }
0x1ec: {  	v29 =	vld [tilespmem:s20+$0xFFFFFE80]  }
0x1ed: {  	v54 =	vld [tilespmem:s19+$0xFFFFFE20];
	v30 =	vmul.f32 v56, v38  }
0x1ee: {  	v37 =	vld [tilespmem:s20+$0xFFFFFE30]  }
0x1ef: {  	v30 =	vmul.f32 v4, v30;
	v4 =	vld [tilespmem:$0x1FED0]  }
0x1f0: {  	v48 =	vld [tilespmem:s21+$0xFFFFFEA0]  }
0x1f1: {  	v35 =	vld [tilespmem:s21+$0xFFFFFE90]  }
0x1f2: {  	v51 =	vld [tilespmem:s20+$0xFFFFFE10]  }
0x1f3: {  	v7 =	vld [tilespmem:s19+$0xFFFFFE90]  }
0x1f4: {  	v1 =	vmul.f32 v4, v1;
	v4 =	vld [tilespmem:$0x1FEE0]  }
0x1f5: {  	v20 =	vld [tilespmem:s21+$0xFFFFFF00]  }
0x1f6: {  	v32 =	vld [tilespmem:s20+$0xFFFFFE90]  }
0x1f7: {  	v18 =	vld [tilespmem:s20+$0xFFFFFE20]  }
0x1f8: {  	v16 =	vld [tilespmem:s20+$0xFFFFFF00]  }
0x1f9: {  	v43 =	vmul.f32 v4, v12;
	v4 =	vld [tilespmem:$0x1FEF0]  }
0x1fa: {  	v59 =	vld [tilespmem:s19+$0xFFFFFDA0]  }
0x1fb: {  	v42 =	vld [tilespmem:s20+$0xFFFFFEA0]  }
0x1fc: {  	v50 =	vld [tilespmem:s21+$0xFFFFFE00]  }
0x1fd: {  	v31 =	vld [tilespmem:s21+$0xFFFFFE80]  }
0x1fe: {  	v12 =	vmul.f32 v20, v16;
	v16 =	vmul.f32 v34, v4;
	v4 =	vld [tilespmem:$0x1FF00]  }
0x1ff: {  	v3 =	vld [tilespmem:$0x1FD00]  }
0x200: {  	v33 =	vld [tilespmem:s19+$0xFFFFFC30]  }
0x201: {  	v44 =	vld [tilespmem:s20+$0xFFFFFE00]  }
0x202: {  	v25 =	vld [tilespmem:s21+$0xFFFFFE20]  }
0x203: {  	v11 =	vadd.f32 v11, v23;
	v23 =	vmul.f32 v4, v12;
	v4 =	vld [tilespmem:$0x1FF10]  }
0x204: {  	v45 =	vld [tilespmem:s20+$0xFFFFFDA0];
	v15 =	vmul.f32 v3, v15  }
0x205: {  	v21 =	vld [tilespmem:s19+$0xFFFFFE00]  }
0x206: {  	v41 =	vld [tilespmem:s21+$0xFFFFFD30];
	v2 =	vadd.f32 v15, v2;
	v15 =	vmul.f32 v27, v24  }
0x207: {  	v12 =	vadd.f32 v36, v11;
	v11 =	vld [tilespmem:$0x1FF30]  }
0x208: {  	v27 =	vmul.f32 v4, v15;
	v4 =	vld [tilespmem:$0x1FF20]  }
0x209: {  	v47 =	vld [tilespmem:s21+$0xFFFFFDA0]  }
0x20a: {  	v0 =	vld [tilespmem:s20+$0xFFFFFDB0];
	v20 =	vperm.xlane v2, v63  }
0x20b: {  	v40 =	vld [tilespmem:s20+$0xFFFFFD30]  }
0x20c: {  	v20 =	vadd.f32 v2, v20;
	v2 =	vld [tilespmem:$0x1FF50]  }
0x20d: {  	v15 =	vmul.f32 v11, v4;
	v4 =	vld [tilespmem:s19+$0xFFFFFD00]  }
0x20e: {  	v8 =	vld [tilespmem:s20+$0xFFFFFCB0]  }
0x20f: {  	v11 =	vld [tilespmem:$0x1FF80]  }
0x210: {  	v3 =	vld [tilespmem:s19+$0xFFFFFE10]  }
0x211: {  	v34 =	vmul.f32 v2, v16;
	v2 =	vld [tilespmem:$0x1FF60]  }
0x212: {  	[tilespmem:$0x1FF40] =	vst v4;
	v4 =	vld [tilespmem:$0x1FF70]  }
0x213: {  	v38 =	vperm.xlane v10, v63;
	v58 =	vld [tilespmem:s21+$0xFFFFFCB0]  }
0x214: {  	v16 =	vmul.f32 v48, v42;
	v48 =	vmul.f32 v11, v15;
	v11 =	vld [tilespmem:$0x1FF90]  }
0x215: {  	v56 =	vld [tilespmem:s20+$0xFFFFFD20];
	v14 =	vadd.f32 v14, v26  }
0x216: {  	v10 =	vadd.f32 v10, v38;
	v38 =	vld [tilespmem:s20+$0xFFFFFD10]  }
0x217: {  	v13 =	vld [tilespmem:s19+$0xFFFFFC20];
	v5 =	vadd.f32 v5, v14;
	v2 =	vmul.f32 v4, v2  }
0x218: {  	v52 =	vld [tilespmem:s21+$0xFFFFFE10]  }
0x219: {  	v5 =	vadd.f32 v19, v5;
	v22 =	vadd.f32 v22, v12;
	v12 =	vmul.f32 v11, v2;
	v11 =	vld [tilespmem:$0x1FFA0]  }
0x21a: {  	v61 =	vld [tilespmem:s20+$0xFFFFFD80]  }
0x21b: {  	v55 =	vld [tilespmem:s20+$0xFFFFFC30];
	v19 =	vperm.xlane v5, v63  }
0x21c: {  	v14 =	vmul.f32 v62, v37;
	v62 =	vld [tilespmem:s20+$0xFFFFFD90]  }
0x21d: {  	v5 =	vadd.f32 v5, v19;
	v6 =	vld [tilespmem:s21+$0xFFFFFC30];
	v19 =	vperm.xlane v20, v60  }
0x21e: {  	v15 =	vperm.xlane v10, v60;
	v14 =	vmul.f32 v11, v14;
	v11 =	vld [tilespmem:$0x1FFB0]  }
0x21f: {  	v20 =	vadd.f32 v20, v19;
	v19 =	vmul.f32 v47, v45;
	v45 =	vld [tilespmem:s21+$0xFFFFFD00];
	v2 =	vadd.f32 v30, v17  }
0x220: {  	v42 =	vld [tilespmem:s21+$0xFFFFFC10];
	v10 =	vadd.f32 v10, v15  }
0x221: {  	v15 =	vmul.f32 v28, v0;
	v0 =	vld [tilespmem:s19+$0xFFFFFC00];
	v1 =	vadd.f32 v1, v2;
	v2 =	vmul.f32 v31, v29  }
0x222: {  	v57 =	vmul.f32 v6, v55;
	v26 =	vperm.xlane v22, v63;
	v4 =	vld [tilespmem:s21+$0xFFFFFD20]  }
0x223: {  	v30 =	vld [tilespmem:s21+$0xFFFFFD80];
	v24 =	vmul.f32 v9, v2;
	v17 =	vmul.f32 v11, v16  }
0x224: {  	v9 =	vadd.f32 v22, v26;
	v22 =	vld [tilespmem:s21+$0xFFFFFC20];
	v16 =	vmul.f32 v25, v18;
	v18 =	vmul.f32 v35, v32  }
0x225: {  	v19 =	vmul.f32 v59, v19;
	v2 =	vmul.f32 v41, v40;
	v25 =	vadd.f32 v43, v1;
	v35 =	vld [tilespmem:s20+$0xFFFFFC20]  }
0x226: {  	v29 =	vld [tilespmem:s21+$0xFFFFFD90];
	v31 =	vperm.xlane v9, v60;
	v26 =	vmul.f32 v7, v18  }
0x227: {  	v41 =	vld [tilespmem:s21+$0xFFFFFD10];
	v7 =	vadd.f32 v27, v23;
	v18 =	vperm.xlane v25, v63;
	v27 =	vmul.f32 v50, v44  }
0x228: {  	v36 =	vadd.f32 v9, v31;
	v16 =	vmul.f32 v54, v16;
	v54 =	vld [tilespmem:$0x1FFD0];
	v23 =	vperm.xlane v5, v60  }
0x229: {  	v40 =	vld [tilespmem:s20+$0xFFFFFC10];
	v18 =	vadd.f32 v25, v18;
	v25 =	vmul.f32 v52, v51;
	v31 =	vmul.f32 v21, v27  }
0x22a: {  	v1 =	vld [tilespmem:s19+$0xFFFFFC10];
	v7 =	vadd.f32 v34, v7;
	v21 =	vmul.f32 v4, v56;
	v35 =	vmul.f32 v22, v35  }
0x22b: {  	v32 =	vld [tilespmem:s20+$0xFFFFFCA0];
	v23 =	vadd.f32 v5, v23;
	v5 =	vperm.xlane v18, v60;
	v34 =	vmul.f32 v3, v25  }
0x22c: {  	v43 =	vld [tilespmem:s21+$0xFFFFFCA0];
	v25 =	vmul.f32 v58, v8;
	v3 =	vmul.f32 v30, v61  }
0x22d: {  	v44 =	vld [tilespmem:s20+$0xFFFFFD00];
	v30 =	vmul.f32 v29, v62;
	v28 =	vperm.xlane v46, v54  }
0x22e: {  	v51 =	vld [tilespmem:s21+$0xFFFFFC00];
	v7 =	vadd.f32 v48, v7;
	v11 =	vperm.xlane v39, v54;
	v47 =	vperm.xlane v49, v54  }
0x22f: {  	v52 =	vld [tilespmem:s20+$0xFFFFFC00];
	v9 =	vperm.xlane v53, v54;
	v55 =	vperm.xlane v10, v54  }
0x230: {  	v22 =	vld [tilespmem:s20+$0xFFFFFC90];
	v48 =	vperm.xlane v20, v54;
	v6 =	vperm.xlane v7, v63  }
0x231: {  	s31 =	sld [smem:$0x7F9];
	v29 =	vld [tilespmem:s21+$0xFFFFFC90];
	v37 =	vadd.f32 v18, v5;
	v18 =	vmul.f32 v33, v57;
	v5 =	vadd.f32 v46, v28  }
0x232: {  	v62 =	vld [tilespmem:$0x1FFE0];
	v57 =	vadd.f32 v39, v11;
	v46 =	vperm.xlane v23, v54;
	v27 =	vadd.f32 v7, v6  }
0x233: {  	v33 =	vld [tilespmem:s20+$0xFFFFFC80];
	v9 =	vadd.f32 v53, v9;
	v7 =	vadd.f32 v49, v47;
	v49 =	vperm.xlane v36, v54  }
0x234: {  	s24 =	simm.s32 $0x10;
	s23 =	simm.s32 $0x0;
	s22 =	sadd.s32 $0x18600, s31;
	v28 =	vld [tilespmem:s21+$0xFFFFFC80];
	v10 =	vadd.f32 v10, v55;
	v50 =	vperm.xlane v37, v54;
	v47 =	vperm.xlane v27, v60  }
.LBB2_5:
0x235: {  	v4 =	vld [tilespmem:$0x1FDC0];
	_ =	sdelay $0x4  }
0x236: {  	v53 =	vmul.f32 v4, v3;
	v3 =	vld [tilespmem:$0x1FDF0];
	_ =	sdelay $0x2  }
0x237: {  	v39 =	vld [tilespmem:s19+$0xFFFFFC80]  }
0x238: {  	v55 =	vld [tilespmem:s19+$0xFFFFFD10];
	v24 =	vadd.f32 v26, v24;
	v13 =	vmul.f32 v13, v35;
	v6 =	vadd.f32 v36, v49  }
0x239: {  	v32 =	vmul.f32 v43, v32;
	v30 =	vmul.f32 v3, v30;
	v3 =	vadd.f32 v20, v48;
	v20 =	vld [tilespmem:s19+$0xFFFFFC90]  }
0x23a: {  	v8 =	vadd.f32 v23, v46;
	v49 =	vmul.f32 v41, v38;
	v23 =	vmul.f32 v51, v52;
	v4 =	vld [tilespmem:$0x1FF40]  }
0x23b: {  	v56 =	vld [tilespmem:s19+$0xFFFFFCA0];
	v31 =	vadd.f32 v34, v31;
	v40 =	vmul.f32 v42, v40;
	v28 =	vmul.f32 v28, v33  }
0x23c: {  	v37 =	vadd.f32 v37, v50;
	v22 =	vmul.f32 v29, v22;
	v29 =	vld [tilespmem:s19+$0xFFFFFD20];
	v0 =	vmul.f32 v0, v23  }
0x23d: {  	v26 =	vadd.f32 v27, v47;
	v1 =	vmul.f32 v1, v40;
	v23 =	vld [tilespmem:s19+$0xFFFFFCB0];
	v48 =	vmul.f32 v45, v44  }
0x23e: {  	v17 =	vadd.f32 v17, v24;
	v27 =	vmul.f32 v39, v28;
	v20 =	vmul.f32 v20, v22;
	v22 =	vld [tilespmem:s19+$0xFFFFFD30]  }
0x23f: {  	v24 =	vmul.f32 v55, v49;
	v28 =	vld [tilespmem:s19+$0xFFFFFDB0];
	v0 =	vadd.f32 v1, v0;
	v11 =	vmul.f32 v4, v48  }
0x240: {  	v12 =	vadd.f32 v12, v17;
	v1 =	vadd.f32 v20, v27;
	v20 =	vmul.f32 v56, v32  }
0x241: {  	v21 =	vmul.f32 v29, v21;
	v0 =	vadd.f32 v13, v0;
	v11 =	vadd.f32 v24, v11  }
0x242: {  	v13 =	vmul.f32 v23, v25;
	v24 =	vadd.f32 v30, v53;
	v1 =	vadd.f32 v20, v1  }
0x243: {  	v0 =	vadd.f32 v18, v0;
	v11 =	vadd.f32 v21, v11;
	v2 =	vmul.f32 v22, v2  }
0x244: {  	v19 =	vadd.f32 v19, v24;
	v1 =	vadd.f32 v13, v1;
	v13 =	vmul.f32 v28, v15  }
0x245: {  	v2 =	vadd.f32 v2, v11;
	v11 =	vadd.f32 v16, v31  }
0x246: {  	v16 =	vperm.xlane v0, v63;
	v18 =	vperm.xlane v1, v63;
	v13 =	vadd.f32 v13, v19  }
0x247: {  	v17 =	vperm.xlane v12, v63;
	v19 =	vperm.xlane v2, v63;
	v11 =	vadd.f32 v14, v11  }
0x248: {  	v0 =	vadd.f32 v0, v16;
	v1 =	vadd.f32 v1, v18;
	v14 =	vperm.xlane v13, v63  }
0x249: {  	v12 =	vadd.f32 v12, v17;
	v2 =	vadd.f32 v2, v19;
	v16 =	vperm.xlane v11, v63  }
0x24a: {  	v18 =	vperm.xlane v0, v60;
	v19 =	vperm.xlane v1, v60;
	v13 =	vadd.f32 v13, v14  }
0x24b: {  	v17 =	vperm.xlane v12, v60;
	v14 =	vperm.xlane v2, v60;
	v11 =	vadd.f32 v11, v16  }
0x24c: {  	v0 =	vadd.f32 v0, v18;
	v1 =	vadd.f32 v1, v19;
	v16 =	vperm.xlane v13, v60  }
0x24d: {  	v12 =	vadd.f32 v12, v17;
	v2 =	vadd.f32 v2, v14;
	v14 =	vperm.xlane v11, v60  }
0x24e: {  	v18 =	vperm.xlane v0, v54;
	v19 =	vperm.xlane v1, v54;
	v13 =	vadd.f32 v13, v16  }
0x24f: {  	v17 =	vperm.xlane v12, v54;
	v16 =	vperm.xlane v2, v54;
	v11 =	vadd.f32 v11, v14  }
0x250: {  	v0 =	vadd.f32 v0, v18;
	v1 =	vadd.f32 v1, v19;
	v14 =	vperm.xlane v13, v54  }
0x251: {  	v12 =	vadd.f32 v12, v17;
	v2 =	vadd.f32 v2, v16;
	v16 =	vperm.xlane v11, v54  }
0x252: {  	v18 =	vperm.xlane v0, v62;
	v19 =	vperm.xlane v1, v62;
	v13 =	vadd.f32 v13, v14  }
0x253: {  	v15 =	vperm.xlane v26, v54;
	v14 =	vperm.xlane v2, v62;
	v11 =	vadd.f32 v11, v16  }
0x254: {  	v0 =	vadd.f32 v0, v18;
	v1 =	vadd.f32 v1, v19;
	v16 =	vperm.xlane v13, v62  }
0x255: {  	v15 =	vadd.f32 v26, v15;
	v2 =	vadd.f32 v2, v14;
	v14 =	vperm.xlane v11, v62  }
0x256: {  	v0 =	vsel vm0, v0, v1;
	v1 =	vadd.f32 v13, v16;
	v13 =	vperm.xlane v12, v62  }
0x257: {  	v0 =	vsel vm1, v0, v2;
	v2 =	vadd.f32 v11, v14;
	v11 =	vperm.xlane v15, v62  }
0x258: {  	v0 =	vsel vm2, v0, v1;
	v1 =	vadd.f32 v12, v13;
	v12 =	vperm.xlane v37, v62  }
0x259: {  	v0 =	vsel vm3, v0, v2;
	v2 =	vadd.f32 v15, v11;
	v11 =	vperm.xlane v8, v62  }
0x25a: {  	v0 =	vsel vm4, v0, v1;
	v1 =	vadd.f32 v37, v12;
	v12 =	vperm.xlane v6, v62  }
0x25b: {  	v0 =	vsel vm5, v0, v2;
	v2 =	vadd.f32 v8, v11;
	v8 =	vperm.xlane v3, v62  }
0x25c: {  	v0 =	vsel vm6, v0, v1;
	v1 =	vadd.f32 v6, v12;
	v6 =	vperm.xlane v10, v62  }
0x25d: {  	v0 =	vsel vm7, v0, v2;
	v2 =	vadd.f32 v3, v8;
	v3 =	vperm.xlane v9, v62  }
0x25e: {  	v0 =	vsel vm8, v0, v1;
	v1 =	vadd.f32 v10, v6;
	v6 =	vperm.xlane v7, v62  }
0x25f: {  	v0 =	vsel vm9, v0, v2;
	v2 =	vadd.f32 v9, v3;
	v3 =	vperm.xlane v57, v62  }
0x260: {  	v0 =	vsel vm10, v0, v1;
	v1 =	vadd.f32 v7, v6;
	v6 =	vperm.xlane v5, v62  }
0x261: {  	v0 =	vsel vm11, v0, v2;
	v2 =	vadd.f32 v57, v3  }
0x262: {  	s0 =	sand.u32 $0x80, s23;
	v0 =	vsel vm12, v0, v1;
	v1 =	vadd.f32 v5, v6  }
0x263: {  	s1 =	sand.u32 $0x70, s23;
	s0 =	sadd.s32 s0, s22;
	v0 =	vsel vm13, v0, v2  }
0x264: {  	s0 =	sadd.s32 s1, s0;
	v0 =	vsel vm14, v0, v1  }
0x265: {  	s19 =	sadd.s32 $0x800, s19;
	[tilespmem:s0+$0x0] =	vst v0  }
0x266: {  	v1 =	vld [tilespmem:s19+$0x2B0];
	_ =	sdelay $0x4  }
0x267: {  	[tilespmem:$0x1F880] =	vst v1;
	v1 =	vld [tilespmem:s19+$0x320];
	_ =	sdelay $0x4  }
0x268: {  	[tilespmem:$0x1F8A0] =	vst v1;
	v1 =	vld [tilespmem:s19+$0x380];
	_ =	sdelay $0x4  }
0x269: {  	[tilespmem:$0x1F890] =	vst v1;
	v1 =	vld [tilespmem:s19+$0x2A0];
	_ =	sdelay $0x4  }
0x26a: {  	[tilespmem:$0x1F8D0] =	vst v1;
	v1 =	vld [tilespmem:s19+$0x300];
	_ =	sdelay $0x4  }
0x26b: {  	[tilespmem:$0x1F8B0] =	vst v1;
	v1 =	vld [tilespmem:s19+$0x310];
	_ =	sdelay $0x2  }
0x26c: {  	s21 =	sadd.s32 $0x800, s21;
	v0 =	vld [tilespmem:s19+$0x3B0]  }
0x26d: {  	v49 =	vld [tilespmem:s21+$0x3B0]  }
0x26e: {  	s20 =	sadd.s32 $0x800, s20;
	[tilespmem:$0x1F8C0] =	vst v1;
	v1 =	vld [tilespmem:s19+$0x1B0]  }
0x26f: {  	v50 =	vld [tilespmem:s20+$0x330]  }
0x270: {  	v58 =	vld [tilespmem:s21+$0x330]  }
0x271: {  	v53 =	vld [tilespmem:s19+$0x390]  }
0x272: {  	v39 =	vld [tilespmem:s20+$0x3A0]  }
0x273: {  	[tilespmem:$0x1F940] =	vst v1;
	v1 =	vld [tilespmem:s19+$0x220]  }
0x274: {  	v33 =	vld [tilespmem:s21+$0x3A0]  }
0x275: {  	v38 =	vld [tilespmem:s20+$0x2B0]  }
0x276: {  	v35 =	vld [tilespmem:s21+$0x2B0]  }
0x277: {  	v10 =	vld [tilespmem:s20+$0x320]  }
0x278: {  	[tilespmem:$0x1F900] =	vst v1;
	v1 =	vld [tilespmem:s20+$0x230]  }
0x279: {  	v51 =	vld [tilespmem:s21+$0x320]  }
0x27a: {  	v26 =	vld [tilespmem:s20+$0x380]  }
0x27b: {  	v25 =	vld [tilespmem:s21+$0x380]  }
0x27c: {  	v22 =	vld [tilespmem:s20+$0x390]  }
0x27d: {  	[tilespmem:$0x1F8E0] =	vst v1;
	v1 =	vld [tilespmem:s21+$0x230]  }
0x27e: {  	v21 =	vld [tilespmem:s21+$0x390]  }
0x27f: {  	v47 =	vld [tilespmem:s19+$0x280]  }
0x280: {  	v45 =	vld [tilespmem:s19+$0x290]  }
0x281: {  	v18 =	vld [tilespmem:s20+$0x2A0]  }
0x282: {  	[tilespmem:$0x1F8F0] =	vst v1;
	v1 =	vld [tilespmem:s19+$0x130]  }
0x283: {  	v13 =	vld [tilespmem:s21+$0x2A0]  }
0x284: {  	v17 =	vld [tilespmem:s20+$0x300]  }
0x285: {  	v16 =	vld [tilespmem:s21+$0x300]  }
0x286: {  	v15 =	vld [tilespmem:s20+$0x310]  }
0x287: {  	[tilespmem:$0x1F970] =	vst v1;
	v1 =	vld [tilespmem:s19+$0x1A0]  }
0x288: {  	v11 =	vld [tilespmem:s21+$0x310]  }
0x289: {  	v30 =	vld [tilespmem:s19+$0x200]  }
0x28a: {  	v28 =	vld [tilespmem:s19+$0x210]  }
0x28b: {  	v20 =	vld [tilespmem:s20+$0x220]  }
0x28c: {  	[tilespmem:$0x1F930] =	vst v1;
	v1 =	vld [tilespmem:s20+$0x1B0]  }
0x28d: {  	v19 =	vld [tilespmem:s21+$0x220]  }
0x28e: {  	v8 =	vld [tilespmem:s20+$0x280]  }
0x28f: {  	v7 =	vld [tilespmem:s21+$0x280]  }
0x290: {  	[tilespmem:$0x1F860] =	vst v0;
	v0 =	vld [tilespmem:s19+$0x330]  }
0x291: {  	[tilespmem:$0x1F910] =	vst v1;
	v1 =	vld [tilespmem:s21+$0x1B0]  }
0x292: {  	v6 =	vld [tilespmem:s20+$0x290]  }
0x293: {  	v5 =	vld [tilespmem:s21+$0x290]  }
0x294: {  	v4 =	vld [tilespmem:s20+$0x200]  }
0x295: {  	[tilespmem:$0x1F850] =	vst v0;
	v0 =	vld [tilespmem:s19+$0x3A0]  }
0x296: {  	[tilespmem:$0x1F920] =	vst v1;
	v1 =	vld [tilespmem:s19+$0xB0]  }
0x297: {  	v9 =	vld [tilespmem:s19+$0x30]  }
0x298: {  	v3 =	vld [tilespmem:s21+$0x200]  }
0x299: {  	v2 =	vld [tilespmem:s20+$0x210]  }
0x29a: {  	[tilespmem:$0x1F870] =	vst v0;
	v0 =	vld [tilespmem:s20+$0x3B0]  }
0x29b: {  	[tilespmem:$0x1FA00] =	vst v1;
	v1 =	vld [tilespmem:s19+$0x120]  }
0x29c: {  	[tilespmem:$0x1FA20] =	vst v9;
	v9 =	vld [tilespmem:s19+$0xA0]  }
0x29d: {  	v23 =	vld [tilespmem:s19+$0xFFFFFFB0]  }
0x29e: {  	v50 =	vmul.f32 v58, v50;
	v58 =	vld [tilespmem:s21+$0xFFFFFEB0];
	v7 =	vmul.f32 v7, v8  }
0x29f: {  	v5 =	vmul.f32 v5, v6;
	v49 =	vmul.f32 v49, v0;
	v0 =	vld [tilespmem:s19+$0xFFFFFEA0]  }
0x2a0: {  	[tilespmem:$0x1FA10] =	vst v1;
	v1 =	vld [tilespmem:s20+$0x130]  }
0x2a1: {  	v7 =	vmul.f32 v47, v7;
	v5 =	vmul.f32 v45, v5;
	[tilespmem:$0x1FA50] =	vst v9;
	v9 =	vld [tilespmem:s20+$0xB0]  }
0x2a2: {  	v21 =	vmul.f32 v21, v22;
	v22 =	vld [tilespmem:$0x1F880]  }
0x2a3: {  	v5 =	vadd.f32 v5, v7;
	v7 =	vld [tilespmem:s19+$0xFFFFFE80]  }
0x2a4: {  	[tilespmem:$0x1FBA0] =	vst v0;
	v0 =	vld [tilespmem:s20+$0xFFFFFEB0]  }
0x2a5: {  	[tilespmem:$0x1F950] =	vst v1;
	v1 =	vld [tilespmem:s21+$0x130]  }
0x2a6: {  	[tilespmem:$0x1F980] =	vst v9;
	v9 =	vld [tilespmem:s21+$0xB0]  }
0x2a7: {  	v25 =	vmul.f32 v25, v26;
	v26 =	vmul.f32 v51, v10;
	v10 =	vld [tilespmem:$0x1F890]  }
0x2a8: {  	v6 =	vld [tilespmem:$0x1F8B0]  }
0x2a9: {  	[tilespmem:$0x1FB60] =	vst v0;
	v0 =	vld [tilespmem:$0x1F850]  }
0x2aa: {  	[tilespmem:$0x1F960] =	vst v1;
	v1 =	vld [tilespmem:s21+$0x210]  }
0x2ab: {  	v8 =	vld [tilespmem:$0x1F8C0]  }
0x2ac: {  	v33 =	vmul.f32 v33, v39;
	[tilespmem:$0x1FB70] =	vst v58;
	v58 =	vld [tilespmem:$0x1F870]  }
0x2ad: {  	v16 =	vmul.f32 v16, v17;
	v15 =	vmul.f32 v11, v15;
	[tilespmem:$0x1F990] =	vst v9;
	v9 =	vld [tilespmem:s19+$0x100]  }
0x2ae: {  	v3 =	vmul.f32 v3, v4;
	v25 =	vmul.f32 v10, v25;
	v10 =	vld [tilespmem:$0x1F8A0]  }
0x2af: {  	v4 =	vld [tilespmem:$0x1F8D0];
	v6 =	vmul.f32 v6, v16;
	v1 =	vmul.f32 v1, v2  }
0x2b0: {  	v39 =	vmul.f32 v0, v50;
	v0 =	vld [tilespmem:$0x1F860];
	v8 =	vmul.f32 v8, v15  }
0x2b1: {  	v3 =	vmul.f32 v30, v3;
	[tilespmem:$0x1FBC0] =	vst v7;
	v7 =	vld [tilespmem:$0x1F8E0];
	v1 =	vmul.f32 v28, v1  }
0x2b2: {  	v35 =	vmul.f32 v35, v38;
	v6 =	vadd.f32 v8, v6;
	v8 =	vld [tilespmem:$0x1F8F0]  }
0x2b3: {  	v21 =	vmul.f32 v53, v21;
	v1 =	vadd.f32 v1, v3;
	v3 =	vld [tilespmem:$0x1F900]  }
0x2b4: {  	v52 =	vld [tilespmem:s19+$0x230];
	v18 =	vmul.f32 v13, v18;
	v22 =	vmul.f32 v22, v35  }
0x2b5: {  	v55 =	vld [tilespmem:s19+$0x180];
	v33 =	vmul.f32 v58, v33;
	v17 =	vadd.f32 v21, v25;
	v26 =	vmul.f32 v10, v26  }
0x2b6: {  	[tilespmem:$0x1FB10] =	vst v23;
	v23 =	vld [tilespmem:s19+$0x20];
	v4 =	vmul.f32 v4, v18;
	v2 =	vmul.f32 v19, v20  }
0x2b7: {  	v46 =	vld [tilespmem:s20+$0x1A0];
	v15 =	vadd.f32 v33, v17;
	v0 =	vmul.f32 v0, v49;
	v6 =	vadd.f32 v26, v6  }
0x2b8: {  	[tilespmem:$0x1F9C0] =	vst v9;
	v9 =	vld [tilespmem:s19+$0x110];
	v7 =	vmul.f32 v8, v7;
	v2 =	vmul.f32 v3, v2;
	v3 =	vadd.f32 v4, v5  }
0x2b9: {  	v44 =	vld [tilespmem:s21+$0x1A0];
	v0 =	vadd.f32 v0, v15;
	v4 =	vadd.f32 v39, v6  }
0x2ba: {  	v14 =	vld [tilespmem:s20+$0x180];
	v6 =	vmul.f32 v52, v7;
	v2 =	vadd.f32 v2, v1;
	v3 =	vadd.f32 v22, v3  }
0x2bb: {  	[tilespmem:$0x1FA80] =	vst v23;
	v23 =	vld [tilespmem:s20+$0x30]  }
0x2bc: {  	v15 =	vld [tilespmem:s19+$0xFFFFFE90];
	v8 =	vperm.xlane v0, v63;
	v6 =	vadd.f32 v6, v2;
	v2 =	vperm.xlane v3, v63  }
0x2bd: {  	[tilespmem:$0x1F9D0] =	vst v9;
	v9 =	vld [tilespmem:s20+$0x120]  }
0x2be: {  	v5 =	vadd.f32 v0, v8;
	v8 =	vperm.xlane v4, v63;
	v21 =	vadd.f32 v3, v2;
	v2 =	vld [tilespmem:$0x1F930]  }
0x2bf: {  	v12 =	vld [tilespmem:s21+$0x180]  }
0x2c0: {  	[tilespmem:$0x1F9E0] =	vst v23;
	v8 =	vadd.f32 v4, v8;
	v4 =	vld [tilespmem:s19+$0xFFFFFDA0]  }
0x2c1: {  	v23 =	vld [tilespmem:s21+$0x30];
	[tilespmem:$0x1FBD0] =	vst v15;
	v15 =	vmul.f32 v44, v46  }
0x2c2: {  	[tilespmem:$0x1F9A0] =	vst v9;
	v9 =	vld [tilespmem:s21+$0x120]  }
0x2c3: {  	v15 =	vmul.f32 v2, v15;
	v2 =	vld [tilespmem:s19+$0xFFFFFE00]  }
0x2c4: {  	v19 =	vld [tilespmem:$0x1F920]  }
0x2c5: {  	v3 =	vperm.xlane v8, v60;
	[tilespmem:$0x1FBE0] =	vst v4;
	v4 =	vld [tilespmem:$0x1F910]  }
0x2c6: {  	v41 =	vld [tilespmem:s20+$0x190]  }
0x2c7: {  	v28 =	vadd.f32 v8, v3;
	v3 =	vld [tilespmem:$0x1F940]  }
0x2c8: {  	[tilespmem:$0x1FBF0] =	vst v2;
	v2 =	vld [tilespmem:s19+$0xFFFFFE10]  }
0x2c9: {  	[tilespmem:$0x1F9F0] =	vst v23;
	v23 =	vld [tilespmem:s19+$0x80]  }
0x2ca: {  	[tilespmem:$0x1F9B0] =	vst v9;
	v9 =	vld [tilespmem:s21+$0x190];
	v19 =	vmul.f32 v19, v4  }
0x2cb: {  	v61 =	vld [tilespmem:s19+$0x190]  }
0x2cc: {  	v8 =	vmul.f32 v3, v19;
	v3 =	vld [tilespmem:$0x1F960]  }
0x2cd: {  	[tilespmem:$0x1FC00] =	vst v2;
	v2 =	vld [tilespmem:$0x1F950]  }
0x2ce: {  	v14 =	vmul.f32 v12, v14;
	[tilespmem:$0x1FA60] =	vst v23;
	v23 =	vld [tilespmem:s19+$0x90]  }
0x2cf: {  	v9 =	vmul.f32 v9, v41  }
0x2d0: {  	v14 =	vmul.f32 v55, v14  }
0x2d1: {  	v9 =	vmul.f32 v61, v9;
	v18 =	vperm.xlane v6, v63  }
0x2d2: {  	v7 =	vperm.xlane v5, v60;
	v19 =	vmul.f32 v3, v2;
	v3 =	vld [tilespmem:$0x1F970]  }
0x2d3: {  	[tilespmem:$0x1FA70] =	vst v23;
	v23 =	vld [tilespmem:s20+$0xA0];
	v14 =	vadd.f32 v9, v14;
	v6 =	vadd.f32 v6, v18;
	v18 =	vperm.xlane v21, v60  }
0x2d4: {  	v22 =	vadd.f32 v5, v7  }
0x2d5: {  	v30 =	vadd.f32 v21, v18;
	v7 =	vadd.f32 v15, v14;
	v14 =	vperm.xlane v6, v60;
	_ =	sdelay $0x1  }
0x2d6: {  	v32 =	vld [tilespmem:s20+$0x110];
	v21 =	vadd.f32 v6, v14;
	v14 =	vmul.f32 v3, v19;
	v3 =	vperm.xlane v30, v54  }
0x2d7: {  	v31 =	vld [tilespmem:s21+$0x110];
	[tilespmem:$0x1FA30] =	vst v23  }
0x2d8: {  	v23 =	vld [tilespmem:s21+$0xA0];
	[tilespmem:$0x1FC20] =	vst v3;
	v3 =	vperm.xlane v21, v54  }
0x2d9: {  	v4 =	vld [tilespmem:$0x1F990]  }
0x2da: {  	[tilespmem:$0x1FC30] =	vst v3;
	v3 =	vld [tilespmem:$0x1F980];
	_ =	sdelay $0x1  }
0x2db: {  	v40 =	vld [tilespmem:s20+$0x100]  }
0x2dc: {  	v34 =	vld [tilespmem:s21+$0x100]  }
0x2dd: {  	[tilespmem:$0x1FA40] =	vst v23;
	v23 =	vld [tilespmem:s19+$0xFFFFFF30]  }
0x2de: {  	v25 =	vmul.f32 v31, v32;
	v31 =	vmul.f32 v4, v3;
	v3 =	vld [tilespmem:$0x1F9A0]  }
0x2df: {  	v4 =	vld [tilespmem:$0x1F9B0];
	_ =	sdelay $0x2  }
0x2e0: {  	[tilespmem:$0x1FB50] =	vst v23;
	v23 =	vld [tilespmem:s19+$0xFFFFFFA0];
	_ =	sdelay $0x1  }
0x2e1: {  	v19 =	vmul.f32 v34, v40;
	v40 =	vmul.f32 v4, v3;
	v3 =	vld [tilespmem:$0x1F9C0];
	_ =	sdelay $0x2  }
0x2e2: {  	[tilespmem:$0x1FB00] =	vst v23;
	v23 =	vld [tilespmem:s20+$0xFFFFFFB0];
	_ =	sdelay $0x1  }
0x2e3: {  	v19 =	vmul.f32 v3, v19;
	v3 =	vld [tilespmem:$0x1F9D0];
	_ =	sdelay $0x2  }
0x2e4: {  	[tilespmem:$0x1FAE0] =	vst v23;
	v23 =	vld [tilespmem:s21+$0xFFFFFFB0]  }
0x2e5: {  	v4 =	vld [tilespmem:$0x1F9F0]  }
0x2e6: {  	v55 =	vmul.f32 v3, v25;
	v3 =	vld [tilespmem:$0x1F9E0]  }
0x2e7: {  	v8 =	vadd.f32 v8, v7;
	_ =	sdelay $0x1  }
0x2e8: {  	[tilespmem:$0x1FAF0] =	vst v23;
	v23 =	vld [tilespmem:s19+$0x0];
	v6 =	vperm.xlane v8, v63;
	_ =	sdelay $0x1  }
0x2e9: {  	v44 =	vadd.f32 v8, v6;
	v8 =	vmul.f32 v4, v3;
	v3 =	vld [tilespmem:$0x1FA00];
	_ =	sdelay $0x2  }
0x2ea: {  	[tilespmem:$0x1FA90] =	vst v23;
	v23 =	vld [tilespmem:s19+$0x10];
	_ =	sdelay $0x1  }
0x2eb: {  	v46 =	vmul.f32 v3, v31;
	v3 =	vld [tilespmem:$0x1FA10];
	_ =	sdelay $0x2  }
0x2ec: {  	[tilespmem:$0x1FAA0] =	vst v23;
	v23 =	vld [tilespmem:s19+$0xFFFFFEB0];
	_ =	sdelay $0x1  }
0x2ed: {  	v32 =	vmul.f32 v3, v40;
	v3 =	vld [tilespmem:s19+$0xFFFFFD80];
	_ =	sdelay $0x2  }
0x2ee: {  	[tilespmem:$0x1FB80] =	vst v23;
	v23 =	vld [tilespmem:s19+$0xFFFFFF20];
	_ =	sdelay $0x1  }
0x2ef: {  	[tilespmem:$0x1FDC0] =	vst v3;
	v3 =	vld [tilespmem:$0x1FA20];
	_ =	sdelay $0x2  }
0x2f0: {  	[tilespmem:$0x1FB40] =	vst v23;
	v23 =	vld [tilespmem:s20+$0xFFFFFF30]  }
0x2f1: {  	v4 =	vld [tilespmem:$0x1FA40]  }
0x2f2: {  	v61 =	vmul.f32 v3, v8;
	v3 =	vld [tilespmem:$0x1FA30];
	_ =	sdelay $0x1  }
0x2f3: {  	v59 =	vld [tilespmem:s20+$0x20]  }
0x2f4: {  	v56 =	vld [tilespmem:s21+$0x20]  }
0x2f5: {  	[tilespmem:$0x1FB20] =	vst v23;
	v23 =	vld [tilespmem:s21+$0xFFFFFF30]  }
0x2f6: {  	v40 =	vmul.f32 v4, v3;
	v3 =	vld [tilespmem:s19+$0xFFFFFD90]  }
0x2f7: {  	v43 =	vld [tilespmem:s20+$0x80]  }
0x2f8: {  	v37 =	vld [tilespmem:s20+$0x90]  }
0x2f9: {  	v36 =	vld [tilespmem:s21+$0x90]  }
0x2fa: {  	[tilespmem:$0x1FB30] =	vst v23;
	v23 =	vld [tilespmem:s19+$0xFFFFFF80]  }
0x2fb: {  	[tilespmem:$0x1FDF0] =	vst v3;
	v3 =	vld [tilespmem:$0x1FA50]  }
0x2fc: {  	v42 =	vld [tilespmem:s21+$0x80]  }
0x2fd: {  	v57 =	vld [tilespmem:s21+$0xFFFFFFA0]  }
0x2fe: {  	v29 =	vld [tilespmem:s20+$0x0]  }
0x2ff: {  	[tilespmem:$0x1FAC0] =	vst v23;
	v23 =	vld [tilespmem:s19+$0xFFFFFF90]  }
0x300: {  	v36 =	vmul.f32 v36, v37;
	v37 =	vmul.f32 v3, v40;
	v3 =	vld [tilespmem:$0x1FA60]  }
0x301: {  	v48 =	vld [tilespmem:s19+$0xFFFFFE30]  }
0x302: {  	v27 =	vld [tilespmem:s21+$0x0]  }
0x303: {  	v24 =	vld [tilespmem:s20+$0x10];
	v42 =	vmul.f32 v42, v43  }
0x304: {  	[tilespmem:$0x1FAD0] =	vst v23;
	v23 =	vld [tilespmem:s20+$0xFFFFFFA0]  }
0x305: {  	v43 =	vmul.f32 v3, v42;
	v3 =	vld [tilespmem:$0x1FA70]  }
0x306: {  	[tilespmem:$0x1FB90] =	vst v48;
	v48 =	vld [tilespmem:s20+$0xFFFFFF20]  }
0x307: {  	v13 =	vld [tilespmem:s20+$0xFFFFFF80]  }
0x308: {  	v10 =	vld [tilespmem:s20+$0xFFFFFF90]  }
0x309: {  	[tilespmem:$0x1FAB0] =	vst v23;
	v23 =	vld [tilespmem:s21+$0x10]  }
0x30a: {  	v36 =	vmul.f32 v3, v36;
	v3 =	vld [tilespmem:$0x1FA80]  }
0x30b: {  	v49 =	vld [tilespmem:s21+$0xFFFFFF90]  }
0x30c: {  	v4 =	vld [tilespmem:$0x1FAB0]  }
0x30d: {  	v11 =	vld [tilespmem:s21+$0xFFFFFF80];
	v59 =	vmul.f32 v56, v59  }
0x30e: {  	v12 =	vld [tilespmem:s21+$0xFFFFFF10];
	v19 =	vadd.f32 v55, v19  }
0x30f: {  	v23 =	vmul.f32 v23, v24;
	v24 =	vmul.f32 v3, v59;
	v3 =	vld [tilespmem:$0x1FA90]  }
0x310: {  	v51 =	vld [tilespmem:s21+$0xFFFFFDB0];
	v19 =	vadd.f32 v32, v19  }
0x311: {  	v59 =	vmul.f32 v49, v10;
	v49 =	vmul.f32 v57, v4;
	v4 =	vld [tilespmem:$0x1FAC0]  }
0x312: {  	v38 =	vld [tilespmem:s21+$0xFFFFFE20];
	v14 =	vadd.f32 v14, v19;
	v19 =	vmul.f32 v27, v29  }
0x313: {  	v53 =	vld [tilespmem:s21+$0xFFFFFF20]  }
0x314: {  	v11 =	vmul.f32 v11, v13;
	v19 =	vmul.f32 v3, v19;
	v3 =	vld [tilespmem:$0x1FAA0]  }
0x315: {  	v45 =	vld [tilespmem:s20+$0xFFFFFE30]  }
0x316: {  	v11 =	vmul.f32 v4, v11;
	v4 =	vld [tilespmem:$0x1FAD0]  }
0x317: {  	v16 =	vld [tilespmem:s19+$0xFFFFFE20]  }
0x318: {  	v47 =	vld [tilespmem:s21+$0xFFFFFEA0]  }
0x319: {  	v58 =	vld [tilespmem:s19+$0xFFFFFF10];
	v56 =	vadd.f32 v36, v43;
	v23 =	vmul.f32 v3, v23  }
0x31a: {  	v6 =	vld [tilespmem:$0x1FAF0]  }
0x31b: {  	v19 =	vadd.f32 v23, v19;
	v23 =	vadd.f32 v37, v56;
	v37 =	vmul.f32 v4, v59;
	v4 =	vld [tilespmem:$0x1FAE0]  }
0x31c: {  	[tilespmem:$0x1FBB0] =	vst v16;
	v16 =	vld [tilespmem:s21+$0xFFFFFE30]  }
0x31d: {  	v20 =	vld [tilespmem:s20+$0xFFFFFF10]  }
0x31e: {  	v0 =	vld [tilespmem:s20+$0xFFFFFF00];
	v27 =	vperm.xlane v14, v63  }
0x31f: {  	v1 =	vld [tilespmem:s21+$0xFFFFFF00]  }
0x320: {  	v14 =	vadd.f32 v14, v27;
	v27 =	vmul.f32 v6, v4;
	v4 =	vld [tilespmem:$0x1FB00]  }
0x321: {  	v50 =	vld [tilespmem:s19+$0xFFFFFF00]  }
0x322: {  	v13 =	vld [tilespmem:s21+$0xFFFFFC20]  }
0x323: {  	v35 =	vld [tilespmem:s19+$0xFFFFFC30];
	v16 =	vmul.f32 v16, v45;
	v19 =	vadd.f32 v24, v19  }
0x324: {  	v17 =	vld [tilespmem:s20+$0xFFFFFEA0];
	v0 =	vmul.f32 v1, v0;
	v1 =	vmul.f32 v12, v20;
	v23 =	vadd.f32 v46, v23  }
0x325: {  	v24 =	vadd.f32 v37, v11;
	v19 =	vadd.f32 v61, v19;
	v6 =	vld [tilespmem:$0x1FB10];
	v43 =	vmul.f32 v4, v49  }
0x326: {  	v26 =	vld [tilespmem:s21+$0xFFFFFE90];
	v0 =	vmul.f32 v50, v0;
	v1 =	vmul.f32 v58, v1  }
0x327: {  	v45 =	vld [tilespmem:s21+$0xFFFFFD00];
	v49 =	vperm.xlane v23, v63;
	v12 =	vadd.f32 v43, v24;
	v24 =	vperm.xlane v19, v63  }
0x328: {  	v41 =	vld [tilespmem:s20+$0xFFFFFE90];
	v0 =	vadd.f32 v1, v0  }
0x329: {  	v1 =	vld [tilespmem:$0x1FB40];
	v19 =	vadd.f32 v19, v24;
	v24 =	vadd.f32 v23, v49  }
0x32a: {  	v27 =	vmul.f32 v6, v27;
	v6 =	vld [tilespmem:s19+$0xFFFFFD00]  }
0x32b: {  	v9 =	vld [tilespmem:s20+$0xFFFFFCB0];
	v37 =	vperm.xlane v24, v60  }
0x32c: {  	v10 =	vld [tilespmem:$0x1FB60]  }
0x32d: {  	v20 =	vmul.f32 v53, v48;
	v36 =	vadd.f32 v24, v37;
	v24 =	vld [tilespmem:$0x1FB70]  }
0x32e: {  	v8 =	vld [tilespmem:$0x1FB30]  }
0x32f: {  	v1 =	vmul.f32 v1, v20;
	v46 =	vperm.xlane v14, v60;
	v12 =	vadd.f32 v27, v12;
	[tilespmem:$0x1FF40] =	vst v6;
	v6 =	vld [tilespmem:$0x1FB20]  }
0x330: {  	v52 =	vld [tilespmem:s20+$0xFFFFFDB0]  }
0x331: {  	v20 =	vadd.f32 v14, v46;
	v14 =	vadd.f32 v1, v0;
	v0 =	vld [tilespmem:$0x1FB50];
	v23 =	vperm.xlane v12, v63  }
0x332: {  	v2 =	vperm.xlane v28, v54;
	v24 =	vmul.f32 v24, v10;
	v10 =	vld [tilespmem:$0x1FB80]  }
0x333: {  	v7 =	vld [tilespmem:s21+$0xFFFFFE80];
	v50 =	vperm.xlane v19, v60;
	v12 =	vadd.f32 v12, v23  }
0x334: {  	[tilespmem:$0x1FC10] =	vst v2;
	v2 =	vld [tilespmem:s20+$0xFFFFFE80];
	v27 =	vmul.f32 v8, v6  }
0x335: {  	v39 =	vld [tilespmem:s19+$0xFFFFFC20];
	v23 =	vadd.f32 v19, v50;
	v19 =	vperm.xlane v12, v60  }
0x336: {  	v15 =	vld [tilespmem:s20+$0xFFFFFE20];
	v27 =	vmul.f32 v0, v27  }
0x337: {  	v37 =	vadd.f32 v12, v19;
	v12 =	vmul.f32 v10, v24;
	v10 =	vld [tilespmem:$0x1FB90]  }
0x338: {  	v5 =	vld [tilespmem:s20+$0xFFFFFC30];
	v14 =	vadd.f32 v27, v14  }
0x339: {  	v7 =	vmul.f32 v7, v2;
	v2 =	vld [tilespmem:$0x1FBB0]  }
0x33a: {  	v58 =	vld [tilespmem:s20+$0xFFFFFD80];
	v27 =	vperm.xlane v14, v63  }
0x33b: {  	v18 =	vld [tilespmem:s20+$0xFFFFFE10]  }
0x33c: {  	v34 =	vld [tilespmem:s20+$0xFFFFFDA0];
	v27 =	vadd.f32 v14, v27;
	v14 =	vmul.f32 v10, v16;
	v16 =	vmul.f32 v38, v15  }
0x33d: {  	v25 =	vld [tilespmem:s20+$0xFFFFFD30];
	v55 =	vperm.xlane v44, v60  }
0x33e: {  	v16 =	vmul.f32 v2, v16;
	v2 =	vld [tilespmem:$0x1FBC0]  }
0x33f: {  	v53 =	vadd.f32 v44, v55;
	v55 =	vld [tilespmem:s21+$0xFFFFFD20]  }
0x340: {  	v44 =	vld [tilespmem:s20+$0xFFFFFD00]  }
0x341: {  	v31 =	vld [tilespmem:s21+$0xFFFFFD30]  }
0x342: {  	v32 =	vld [tilespmem:s20+$0xFFFFFCA0]  }
0x343: {  	v24 =	vmul.f32 v2, v7;
	v2 =	vld [tilespmem:$0x1FBD0]  }
0x344: {  	v57 =	vld [tilespmem:s21+$0xFFFFFC30]  }
0x345: {  	v29 =	vld [tilespmem:s21+$0xFFFFFE00]  }
0x346: {  	v40 =	vld [tilespmem:s21+$0xFFFFFDA0];
	v19 =	vmul.f32 v26, v41  }
0x347: {  	v42 =	vld [tilespmem:s20+$0xFFFFFE00]  }
0x348: {  	v3 =	vld [tilespmem:s21+$0xFFFFFE10];
	v26 =	vmul.f32 v2, v19  }
0x349: {  	v2 =	vmul.f32 v31, v25;
	v25 =	vmul.f32 v57, v5;
	v5 =	vld [tilespmem:$0x1FBE0]  }
0x34a: {  	v56 =	vld [tilespmem:s20+$0xFFFFFD90]  }
0x34b: {  	v59 =	vld [tilespmem:s21+$0xFFFFFD90]  }
0x34c: {  	v10 =	vld [tilespmem:$0x1FBA0];
	v7 =	vmul.f32 v40, v34  }
0x34d: {  	v11 =	vld [tilespmem:s20+$0xFFFFFC20]  }
0x34e: {  	v19 =	vmul.f32 v5, v7;
	v7 =	vld [tilespmem:$0x1FBF0]  }
0x34f: {  	v17 =	vmul.f32 v47, v17;
	v61 =	vld [tilespmem:s20+$0xFFFFFD20]  }
0x350: {  	v1 =	vld [tilespmem:s19+$0xFFFFFC10]  }
0x351: {  	v4 =	vld [tilespmem:s21+$0xFFFFFCB0];
	v17 =	vmul.f32 v10, v17;
	v10 =	vmul.f32 v29, v42  }
0x352: {  	v43 =	vld [tilespmem:s21+$0xFFFFFCA0]  }
0x353: {  	v31 =	vmul.f32 v7, v10;
	v7 =	vld [tilespmem:$0x1FC00]  }
0x354: {  	v6 =	vld [tilespmem:s21+$0xFFFFFD80]  }
0x355: {  	v0 =	vld [tilespmem:s19+$0xFFFFFC00]  }
0x356: {  	v3 =	vmul.f32 v3, v18;
	v41 =	vld [tilespmem:s21+$0xFFFFFD10]  }
0x357: {  	v38 =	vld [tilespmem:s20+$0xFFFFFD10]  }
0x358: {  	v34 =	vmul.f32 v7, v3;
	v3 =	vld [tilespmem:$0x1FC10]  }
0x359: {  	v15 =	vmul.f32 v51, v52;
	v51 =	vld [tilespmem:s21+$0xFFFFFC00]  }
0x35a: {  	v52 =	vld [tilespmem:s20+$0xFFFFFC00]  }
0x35b: {  	v42 =	vld [tilespmem:s21+$0xFFFFFC10]  }
0x35c: {  	v18 =	vmul.f32 v35, v25;
	v25 =	vmul.f32 v4, v9;
	v4 =	vld [tilespmem:$0x1FC30]  }
0x35d: {  	p1 =	sne.s32 s24, $0xF0;
	v33 =	vperm.xlane v22, v54;
	v48 =	vperm.xlane v20, v54;
	v57 =	vadd.f32 v28, v3;
	v3 =	vld [tilespmem:$0x1FC20]  }
.Ltmp1:
0x35e: {  	v8 =	vperm.xlane v53, v54;
	v46 =	vperm.xlane v23, v54;
	v29 =	vld [tilespmem:s21+$0xFFFFFC90];
	(pc) =	sbr.rel @p1 .LBB2_5-.Ltmp1, $4  }
0x35f: {  	v49 =	vperm.xlane v36, v54;
	v50 =	vperm.xlane v37, v54;
	v40 =	vld [tilespmem:s20+$0xFFFFFC10]  }
0x360: {  	v47 =	vperm.xlane v27, v60;
	v35 =	vmul.f32 v13, v11;
	v5 =	vadd.f32 v22, v33;
	v33 =	vld [tilespmem:s20+$0xFFFFFC80]  }
0x361: {  	v22 =	vld [tilespmem:s20+$0xFFFFFC90];
	v9 =	vadd.f32 v21, v4;
	v21 =	vmul.f32 v55, v61;
	v10 =	vadd.f32 v53, v8  }
0x362: {  	s23 =	smov.u32 s24;
	s24 =	sadd.s32 $0x10, s24;
	v13 =	vmovc v39;
	v28 =	vld [tilespmem:s21+$0xFFFFFC80];
	v7 =	vadd.f32 v30, v3;
	v3 =	vmul.f32 v6, v58;
	v30 =	vmul.f32 v59, v56  }
0x363: {  	v6 =	vld [tilespmem:s19+$0xFFFFFC80]  }
0x364: {  	v4 =	vld [tilespmem:$0x1FDC0]  }
0x365: {  	v39 =	vld [tilespmem:$0x1FDF0]  }
0x366: {  	v11 =	vadd.f32 v20, v48;
	v48 =	vld [tilespmem:s19+$0xFFFFFC90];
	v53 =	vmul.f32 v43, v32;
	v59 =	vmul.f32 v51, v52  }
0x367: {  	v55 =	vmul.f32 v45, v44;
	v56 =	vmul.f32 v41, v38;
	v58 =	vld [tilespmem:s19+$0xFFFFFD10];
	v23 =	vadd.f32 v23, v46  }
0x368: {  	v37 =	vadd.f32 v37, v50;
	v46 =	vld [tilespmem:$0x1FF40];
	v0 =	vmul.f32 v0, v59;
	v22 =	vmul.f32 v29, v22  }
0x369: {  	v61 =	vld [tilespmem:s19+$0xFFFFFCA0];
	v24 =	vadd.f32 v26, v24;
	v28 =	vmul.f32 v28, v33;
	v3 =	vmul.f32 v4, v3  }
0x36a: {  	v43 =	vld [tilespmem:s19+$0xFFFFFD20];
	v27 =	vadd.f32 v27, v47;
	v8 =	vmul.f32 v39, v30;
	v39 =	vmul.f32 v42, v40  }
0x36b: {  	v44 =	vld [tilespmem:s19+$0xFFFFFCB0];
	v31 =	vadd.f32 v34, v31;
	v4 =	vmul.f32 v13, v35;
	v13 =	vmul.f32 v48, v22  }
0x36c: {  	v45 =	vld [tilespmem:s19+$0xFFFFFD30];
	v17 =	vadd.f32 v17, v24;
	v6 =	vmul.f32 v6, v28;
	v1 =	vmul.f32 v1, v39  }
0x36d: {  	v30 =	vadd.f32 v36, v49;
	v24 =	vmul.f32 v46, v55;
	v47 =	vmul.f32 v58, v56;
	v48 =	vld [tilespmem:s19+$0xFFFFFDB0]  }
0x36e: {  	v50 =	vmul.f32 v61, v53;
	v49 =	vadd.f32 v13, v6;
	v0 =	vadd.f32 v1, v0  }
0x36f: {  	v52 =	vmul.f32 v43, v21;
	v51 =	vadd.f32 v47, v24;
	v3 =	vadd.f32 v8, v3  }
0x370: {  	v53 =	vmul.f32 v44, v25;
	v1 =	vadd.f32 v50, v49;
	v0 =	vadd.f32 v4, v0  }
0x371: {  	v2 =	vmul.f32 v45, v2;
	v55 =	vadd.f32 v52, v51;
	v3 =	vadd.f32 v19, v3  }
0x372: {  	v56 =	vmul.f32 v48, v15;
	v1 =	vadd.f32 v53, v1;
	v0 =	vadd.f32 v18, v0  }
0x373: {  	v59 =	vperm.xlane v27, v54;
	v58 =	vadd.f32 v16, v31;
	v2 =	vadd.f32 v2, v55  }
0x374: {  	v3 =	vadd.f32 v56, v3;
	v18 =	vperm.xlane v1, v63;
	v61 =	vperm.xlane v0, v63  }
0x375: {  	v12 =	vadd.f32 v12, v17;
	v6 =	vadd.f32 v14, v58;
	v19 =	vperm.xlane v2, v63  }
0x376: {  	v20 =	vperm.xlane v3, v63;
	v1 =	vadd.f32 v1, v18;
	v0 =	vadd.f32 v0, v61  }
0x377: {  	v22 =	vperm.xlane v12, v63;
	v21 =	vperm.xlane v6, v63;
	v2 =	vadd.f32 v2, v19  }
0x378: {  	v3 =	vadd.f32 v3, v20;
	v25 =	vperm.xlane v1, v60;
	v24 =	vperm.xlane v0, v60  }
0x379: {  	v28 =	vadd.f32 v12, v22;
	v4 =	vadd.f32 v6, v21;
	v26 =	vperm.xlane v2, v60  }
0x37a: {  	v29 =	vperm.xlane v3, v60;
	v1 =	vadd.f32 v1, v25;
	v0 =	vadd.f32 v0, v24  }
0x37b: {  	v14 =	vperm.xlane v28, v60;
	v31 =	vperm.xlane v4, v60;
	v2 =	vadd.f32 v2, v26  }
0x37c: {  	v3 =	vadd.f32 v3, v29;
	v16 =	vperm.xlane v1, v54;
	v15 =	vperm.xlane v0, v54  }
0x37d: {  	v6 =	vadd.f32 v28, v14;
	v4 =	vadd.f32 v4, v31;
	v32 =	vperm.xlane v2, v54  }
0x37e: {  	v33 =	vperm.xlane v3, v54;
	v1 =	vadd.f32 v1, v16;
	v0 =	vadd.f32 v0, v15  }
0x37f: {  	v14 =	vperm.xlane v6, v54;
	v34 =	vperm.xlane v4, v54;
	v2 =	vadd.f32 v2, v32  }
0x380: {  	v3 =	vadd.f32 v3, v33;
	v16 =	vperm.xlane v1, v62;
	v15 =	vperm.xlane v0, v62  }
0x381: {  	v6 =	vadd.f32 v6, v14;
	v4 =	vadd.f32 v4, v34;
	v35 =	vperm.xlane v2, v62  }
0x382: {  	v36 =	vperm.xlane v3, v62;
	v1 =	vadd.f32 v1, v16;
	v0 =	vadd.f32 v0, v15  }
0x383: {  	v8 =	vadd.f32 v27, v59;
	v38 =	vperm.xlane v4, v62;
	v2 =	vadd.f32 v2, v35  }
0x384: {  	v40 =	vperm.xlane v6, v62;
	v39 =	vadd.f32 v3, v36;
	v0 =	vsel vm0, v0, v1  }
0x385: {  	v42 =	vperm.xlane v8, v62;
	v41 =	vadd.f32 v4, v38;
	v0 =	vsel vm1, v0, v2  }
0x386: {  	v44 =	vperm.xlane v37, v62;
	v43 =	vadd.f32 v6, v40;
	v0 =	vsel vm2, v0, v39  }
0x387: {  	v46 =	vperm.xlane v23, v62;
	v45 =	vadd.f32 v8, v42;
	v0 =	vsel vm3, v0, v41  }
0x388: {  	v47 =	vadd.f32 v37, v44;
	v48 =	vperm.xlane v30, v62;
	v0 =	vsel vm4, v0, v43  }
0x389: {  	v49 =	vadd.f32 v23, v46;
	v50 =	vperm.xlane v11, v62;
	v0 =	vsel vm5, v0, v45  }
0x38a: {  	v52 =	vperm.xlane v10, v62;
	v51 =	vadd.f32 v30, v48;
	v0 =	vsel vm6, v0, v47  }
0x38b: {  	v53 =	vadd.f32 v11, v50;
	v54 =	vperm.xlane v9, v62;
	v0 =	vsel vm7, v0, v49  }
0x38c: {  	v55 =	vadd.f32 v10, v52;
	v56 =	vperm.xlane v7, v62;
	v0 =	vsel vm8, v0, v51  }
0x38d: {  	v59 =	vperm.xlane v57, v62;
	v58 =	vadd.f32 v9, v54;
	v0 =	vsel vm9, v0, v53  }
0x38e: {  	v61 =	vperm.xlane v5, v62;
	v60 =	vadd.f32 v7, v56;
	v0 =	vsel vm10, v0, v55  }
.Ltmp2:
0x38f: {  	v62 =	vadd.f32 v57, v59;
	v0 =	vsel vm11, v0, v58;
	(pc) =	sbr.rel @p0 .LBB2_2-.Ltmp2, $4  }
0x390: {  	s0 =	sand.u32 $0x80, s23;
	v63 =	vadd.f32 v5, v61;
	v0 =	vsel vm12, v0, v60  }
0x391: {  	s1 =	sand.u32 $0x70, s23;
	s0 =	sadd.s32 s0, s22;
	v0 =	vsel vm13, v0, v62  }
0x392: {  	s0 =	sadd.s32 s1, s0;
	v0 =	vsel vm14, v0, v63  }
0x393: {  	p1 =	por $0x0, $0x0;
	[tilespmem:s0+$0x0] =	vst v0;
	s0 =	simm.s32 $0x100  }
0x394: {  	s0 =	sld [smem:$0x7FC];
	_ =	sdelay $0x1  }
0x395: {  	s1 =	simm.s32 $0x18600  }
0x396: {  	[hbm4b:s0+s2] =	stream.linear.scatter [tilespmem:s1], [sflag:$0x4], $0x200, $0x38;
	[tilespmem:$0x18800] =	vst v63  }
0x397: {  	s1 =	simm.s32 $0x4  }
0x398: {  	_ =	swait.ge [sflag:s1], $0x200  }
0x399: {  	s3 =	sld [smem:$0x7FA]  }
0x39a: {  	s31 =	sld [smem:$0x7FD];
	_ =	sdelay $0x1  }
0x39b: {  	s3 =	sadd.s32 $0x1, s3  }
0x39c: {  	p0 =	sne.s32 s3, s31  }
.Ltmp3:
0x39d: {  	_ = 	snop;
	(pc) =	sbr.rel @p0 .LBB2_1-.Ltmp3, $3  }
0x39e: {  	_ =	sdelay $0x1  }
0x39f: {  	[sflag:s1] =	ssyncset.done $0x0  }
0x3a0: {  	[sflag:s1] =	ssyncadd.s32 $0xFFFFFE00  }
0x3a1: {  	_ =	sfence.sel $0x180000  }
0x3a2: {  	[bflag:$0x0] =	sbarrier.arrive $0xFFFF  }
0x3a3: {  	_ =	strace $0x90000047  }
0x3a4: {  	s0 =	stileid.u32;
	[bflag:$0x2] =	sbarrier.arrive $0xFFFF  }
0x3a5: {  	p0 =	sne.s32 s0, $0x0;
	s0 =	rddreg [dreg:$0x2]  }
0x3a6: {  	s0 =	sadd.s32 @!p0 $0x100000, s0  }
0x3a7: {  	[sflag:s0] =	ssyncadd.tile.s32 @!p0 $0x1;
	_ =	shalt  }
.Lfunc_end2:
_tile_overlayer_lowered:
.L_overlay_start_2:
0x3a8: {  	(tag) =	ssettag $0x2  }
0x3a9: {  	s0 =	rddreg [dreg:$0x0];
	s2 =	stileid.u32  }
0x3aa: {  	s1 =	rddreg [dreg:$0x1];
	p0 =	sne.s32 s2, $0x0  }
0x3ab: {  	s3 =	rddreg [dreg:$0x2];
	[bflag:$0x3] =	sbarrier.arrive $0xFFFF;
	s2 =	simm.s32 @!p0 $0x1C04  }
0x3ac: {  	[timem:s3], [sflag:s2] =	dma.local @!p0 [hbm:s0], s1  }
0x3ad: {  	s0 =	simm.s32 @!p0 $0x4  }
0x3ae: {  	_ =	swait.ge @!p0 [sflag:s0], s1  }
0x3af: {  	s1 =	ssub.s32 @!p0 $0x0, s1;
	[sflag:s0] =	ssyncset.done @!p0 $0x0  }
0x3b0: {  	[sflag:s0] =	ssyncadd.s32 @!p0 s1  }
0x3b1: {  	[bflag:$0x3] =	sbarrier.arrive $0xFFFF  }
0x3b2: {  	_ =	shalt  }

</sc_bundles>
